<compile_context>
chip_gen: v7x
topology: tpu7x:2x2x1
jax: 0.10.2.dev20260603
libtpu: 0.0.44.dev20260713+nightly
codegen_flags: <defaults>
</compile_context>

<pallas_src>
import jax
import jax.numpy as jnp
from jax import lax
from jax.experimental import pallas as pl
from jax.experimental.pallas import tpu as pltpu
from jax.experimental.pallas import tpu_sc as plsc

N = 320000
D = 128
S = 10000

BLK_A = 1280

NC = 2
NS = 16
NW = NC * NS
NH = 2
HROWS = N // NH
GRID_A = HROWS // BLK_A
RPW = HROWS // NW
CH = 128
FULL_CHUNKS = RPW // CH
REM = RPW - FULL_CHUNKS * CH
REMP = ((REM + 15) // 16) * 16
assert RPW % 8 == 0
ROWS_PT = 624
TAIL = S - NS * ROWS_PT




def _stage_a_body(x_ref, w2_ref, wgr_ref, bg_ref, bm_ref, w_ref, e_ref):
    x = x_ref[...]
    r = jnp.dot(x, w2_ref[...], preferred_element_type=jnp.float32)
    e = jnp.exp(r[:, D:] + bg_ref[...])
    w_ref[...] = e * (r[:, :D] + bm_ref[...])
    gt = jnp.dot(wgr_ref[...], x.T, preferred_element_type=jnp.float32)
    e_ref[...] = jnp.exp(gt + bg_ref[...]).reshape(1, 1, BLK_A)


def _stage_a(x, w2, wgr, bg, bm, half):
    off = half * GRID_A
    return pl.pallas_call(
        _stage_a_body,
        grid=(GRID_A,),
        in_specs=[
            pl.BlockSpec((BLK_A, D), lambda i: (i + off, 0)),
            pl.BlockSpec((D, 2 * D), lambda i: (0, 0)),
            pl.BlockSpec((1, D), lambda i: (0, 0)),
            pl.BlockSpec((1, 1), lambda i: (0, 0)),
            pl.BlockSpec((1, D), lambda i: (0, 0)),
        ],
        out_specs=[
            pl.BlockSpec((BLK_A, D), lambda i: (i, 0)),
            pl.BlockSpec((1, 1, BLK_A), lambda i: (i, 0, 0)),
        ],
        out_shape=[
            jax.ShapeDtypeStruct((HROWS, D), jnp.float32),
            jax.ShapeDtypeStruct((GRID_A, 1, BLK_A), jnp.float32),
        ],
    )(x, w2, wgr, bg, bm)



def _stage_b_body(w_hbm, e_hbm, idx_hbm, init_hbm,
                  acca_hbm, bparts_hbm,
                  wbuf, ebuf, idxbuf, wrem, erem, idxrem, idxremp, btab,
                  acc, fsem0, fsem1, ssem):
    cid = lax.axis_index("c")
    sid = lax.axis_index("s")
    wid = sid * NC + cid
    base = wid * RPW
    tbase = sid * ROWS_PT

    def _init_src(lo, n):
        return init_hbm.at[cid, pl.ds(lo, n)]

    pltpu.sync_copy(_init_src(tbase, ROWS_PT), acc.at[pl.ds(tbase, ROWS_PT)])

    @pl.when(sid == NS - 1)
    def _():
        pltpu.sync_copy(_init_src(NS * ROWS_PT, TAIL),
                        acc.at[pl.ds(NS * ROWS_PT, TAIL)])

    zero16 = jnp.zeros((16,), jnp.float32)

    def zchunk(r, c):
        btab[pl.ds(r * 16, 16)] = zero16
        return c

    lax.fori_loop(0, S // 16, zchunk, 0)

    plsc.subcore_barrier()

    fsems = (fsem0, fsem1)

    def _fetch(t, par):
        off = pl.multiple_of(base + t * CH, 8)
        pltpu.async_copy(idx_hbm.at[pl.ds(off, CH)], idxbuf.at[par], fsems[par])
        pltpu.async_copy(w_hbm.at[pl.ds(off, CH)], wbuf.at[par], fsems[par])
        pltpu.async_copy(e_hbm.at[pl.ds(off, CH)], ebuf.at[par], fsems[par])

    def _wait_fetch(t, par):
        off = pl.multiple_of(base + t * CH, 8)
        pltpu.make_async_copy(idx_hbm.at[pl.ds(off, CH)], idxbuf.at[par],
                              fsems[par]).wait()
        pltpu.make_async_copy(w_hbm.at[pl.ds(off, CH)], wbuf.at[par],
                              fsems[par]).wait()
        pltpu.make_async_copy(e_hbm.at[pl.ds(off, CH)], ebuf.at[par],
                              fsems[par]).wait()

    def _consume(t, par):
        cp = pltpu.async_copy(wbuf.at[par], acc.at[idxbuf.at[par]], ssem,
                              add=True)
        for j in range(CH // 16):
            v = ebuf[par, pl.ds(j * 16, 16)]
            ix = idxbuf[par, pl.ds(j * 16, 16)]
            plsc.addupdate_scatter(btab, [ix], v)
        cp.wait()

    _fetch(0, 0)

    def pair(u, carry):
        a = u * 2
        _fetch(a + 1, 1)
        _wait_fetch(a, 0)
        _consume(a, 0)

        @pl.when(a + 2 < FULL_CHUNKS)
        def _prefetch_next():
            _fetch(a + 2, 0)

        _wait_fetch(a + 1, 1)
        _consume(a + 1, 1)
        return carry

    lax.fori_loop(0, FULL_CHUNKS // 2, pair, 0)

    if FULL_CHUNKS % 2:
        last = FULL_CHUNKS - 1
        _wait_fetch(last, 0)
        _consume(last, 0)

    roff = pl.multiple_of(base + FULL_CHUNKS * CH, 8)
    pltpu.sync_copy(idx_hbm.at[pl.ds(roff, REM)], idxrem)
    pltpu.sync_copy(idx_hbm.at[pl.ds(roff, REM)], idxremp.at[pl.ds(0, REM)])
    pltpu.sync_copy(w_hbm.at[pl.ds(roff, REM)], wrem)
    pltpu.sync_copy(e_hbm.at[pl.ds(roff, REM)], erem.at[pl.ds(0, REM)])
    pltpu.sync_copy(wrem, acc.at[idxrem], add=True)
    for j in range(REMP // 16):
        v = erem[pl.ds(j * 16, 16)]
        ix = idxremp[pl.ds(j * 16, 16)]
        if (j + 1) * 16 <= REM:
            plsc.addupdate_scatter(btab, [ix], v)
        else:
            m = (lax.iota(jnp.int32, 16) + j * 16) < REM
            plsc.addupdate_scatter(btab, [ix], v, mask=m)

    plsc.subcore_barrier()

    pltpu.sync_copy(acc.at[pl.ds(tbase, ROWS_PT)],
                    acca_hbm.at[cid, pl.ds(tbase, ROWS_PT)])

    @pl.when(sid == NS - 1)
    def _():
        pltpu.sync_copy(acc.at[pl.ds(NS * ROWS_PT, TAIL)],
                        acca_hbm.at[cid, pl.ds(NS * ROWS_PT, TAIL)])

    pltpu.sync_copy(btab, bparts_hbm.at[wid])


def _stage_b(w, e, idx, init):
    mesh = plsc.VectorSubcoreMesh(core_axis_name="c", subcore_axis_name="s",
                                  num_cores=NC, num_subcores=NS)
    return pl.kernel(
        _stage_b_body,
        mesh=mesh,
        out_type=[
            jax.ShapeDtypeStruct((NC, S, D), jnp.float32),
            jax.ShapeDtypeStruct((NW, S), jnp.float32),
        ],
        scratch_types=[
            pltpu.VMEM((2, CH, D), jnp.float32),
            pltpu.VMEM((2, CH), jnp.float32),
            pltpu.VMEM((2, CH), jnp.int32),
            pltpu.VMEM((REM, D), jnp.float32),
            pltpu.VMEM((REMP,), jnp.float32),
            pltpu.VMEM((REM,), jnp.int32),
            pltpu.VMEM((REMP,), jnp.int32),
            pltpu.VMEM((S,), jnp.float32),
            pltpu.VMEM_SHARED((S, D), jnp.float32),
            pltpu.SemaphoreType.DMA,
            pltpu.SemaphoreType.DMA,
            pltpu.SemaphoreType.DMA,
        ],
        compiler_params=pltpu.CompilerParams(needs_layout_passes=False),
    )(w, e, idx, init)



def _stage_c_body(*refs):
    a_ref, b_refs, o_ref = refs[0], refs[1:1 + NH], refs[-1]
    a = a_ref[0] + a_ref[1]
    bsum = jnp.sum(b_refs[0][...], axis=0)
    for r in b_refs[1:]:
        bsum = bsum + jnp.sum(r[...], axis=0)
    o_ref[...] = a / (bsum[:, None] + 1e-10)


def _stage_c(acca, bps):
    return pl.pallas_call(
        _stage_c_body,
        out_shape=jax.ShapeDtypeStruct((S, D), jnp.float32),
    )(acca, *bps)



def kernel(x, index, Wg, bg, Wm, bm):
    idx = index.astype(jnp.int32)
    w2 = jnp.concatenate([Wm, jnp.broadcast_to(Wg.reshape(D, 1), (D, D))],
                         axis=1)
    wgr = Wg.reshape(1, D)
    bg1 = bg.reshape(1, 1)
    bm1 = bm.reshape(1, D)
    z2 = jnp.zeros((NC, S, D), jnp.float32)

    acca, bps = z2, []
    for h in range(NH):
        wh, e3h = _stage_a(x, w2, wgr, bg1, bm1, h)
        acca, bh = _stage_b(wh, e3h.reshape(HROWS),
                            idx[h * HROWS:(h + 1) * HROWS], acca)
        bps.append(bh)
    return _stage_c(acca, bps)

# --- scband reference (transcript-rebuilt; emitter-appended) ---
"""Pipeline reference for scband-attention-pooling-15848429322627 (READ-ONLY COPY).

The authoritative reference and input builder live on the scoring server;
editing this copy changes nothing except your own understanding.
"""

import jax, jax.numpy as jnp
import numpy as np

N = 320000
D = 128
S = 10000


def setup_inputs(seed: int = 0) -> dict:
    key = jax.random.key(seed)
    k1, k2, k3, k4 = jax.random.split(key, 4)
    x = jax.random.normal(k1, (N, D), dtype=jnp.float32)
    index = jnp.sort(jax.random.randint(k2, (N,), 0, S, dtype=jnp.int64))
    # gate_nn = Linear(128, 1)
    Wg = (jax.random.normal(k3, (D, 1), dtype=jnp.float32) * 0.05)
    bg = jnp.zeros((1,), dtype=jnp.float32)
    # message_nn = Linear(128, 128)
    Wm = (jax.random.normal(k4, (D, D), dtype=jnp.float32) * 0.05)
    bm = jnp.zeros((D,), dtype=jnp.float32)
    return {"x": x, "index": index, "Wg": Wg, "bg": bg, "Wm": Wm, "bm": bm}


def reference(x, index, Wg, bg, Wm, bm):
    # gate = gate_nn(x)
    gate = x @ Wg + bg  # [N, 1]
    # gate = gate - scatter_max(gate, index, dim=0)[0][index]
    gmax = jax.ops.segment_max(gate, index, num_segments=S)  # [S, 1]
    gate = gate - gmax[index]
    gate = jnp.exp(gate)
    # gate = gate / (scatter_add(gate, index, dim=0)[index] + 1e-10)
    gsum = jax.ops.segment_sum(gate, index, num_segments=S)  # [S, 1]
    gate = gate / (gsum[index] + 1e-10)
    # x = message_nn(x)
    msg = x @ Wm + bm  # [N, D]
    # out = scatter_add(gate * x, index, dim=0)
    out = jax.ops.segment_sum(gate * msg, index, num_segments=S)  # [S, D]
    return out

if __name__ == "__main__":
    import jax
    _d = setup_inputs()
    print(jax.jit(kernel)(*tuple(_d.values())))

</pallas_src>

<mosaic_0001>
#map = affine_map<(d0, d1) -> (0, 0)>
#map1 = affine_map<(d0, d1) -> (0)>
#map2 = affine_map<(d0, d1) -> (0, 0, 0)>
module attributes {stable_mosaic.version = 14 : i64} {
  func.func @_stage_b_body(%arg0: i32, %arg1: i32, %arg2: memref<160000x128xf32, #tpu.memory_space<hbm>>, %arg3: memref<160000xf32, #tpu.memory_space<hbm>>, %arg4: memref<160000xi32, #tpu.memory_space<hbm>>, %arg5: memref<2x10000x128xf32, #tpu.memory_space<hbm>>, %arg6: memref<2x10000x128xf32, #tpu.memory_space<hbm>>, %arg7: memref<32x10000xf32, #tpu.memory_space<hbm>>, %arg8: memref<2x128x128xf32, #tpu.memory_space<vmem>>, %arg9: memref<2x128xf32, #tpu.memory_space<vmem>>, %arg10: memref<2x128xi32, #tpu.memory_space<vmem>>, %arg11: memref<8x128xf32, #tpu.memory_space<vmem>>, %arg12: memref<16xf32, #tpu.memory_space<vmem>>, %arg13: memref<8xi32, #tpu.memory_space<vmem>>, %arg14: memref<16xi32, #tpu.memory_space<vmem>>, %arg15: memref<10000xf32, #tpu.memory_space<vmem>>, %arg16: memref<10000x128xf32, #tpu.memory_space<vmem_shared>>, %arg17: memref<!tpu.dma_semaphore, #tpu.memory_space<semaphore_mem>>, %arg18: memref<!tpu.dma_semaphore, #tpu.memory_space<semaphore_mem>>, %arg19: memref<!tpu.dma_semaphore, #tpu.memory_space<semaphore_mem>>) attributes {dimension_semantics = [#tpu.dimension_semantics<core_parallel>, #tpu.dimension_semantics<subcore_parallel>], iteration_bounds = array<i64: 2, 16>, scalar_prefetch = 0 : i64, scratch_operands = 12 : i64, tpu.core_type = #tpu.core_type<sc_vector_subcore>, window_params = [{transform_indices = #map}, {transform_indices = #map1}, {transform_indices = #map1}, {transform_indices = #map2}, {transform_indices = #map2}, {transform_indices = #map}]} {
    %mul3A = arith.constant 2 : i32
    %mul3A_0 = arith.muli %arg1, %mul3A : i32
    %add3A = arith.addi %mul3A_0, %arg0 : i32
    %mul3A_1 = arith.constant 5000 : i32
    %mul3A_2 = arith.muli %add3A, %mul3A_1 : i32
    %mul3A_3 = arith.constant 624 : i32
    %mul3A_4 = arith.muli %arg1, %mul3A_3 : i32
    "tpu.region"() ({
      %run_scoped3A = tpu.sem_alloc : memref<!tpu.dma_semaphore, #tpu.memory_space<semaphore_mem>>
      %dma_start3A_189 = arith.constant 0 : i32
      %dma_start3A_190 = tpu.memref_slice %arg16[%mul3A_4, %dma_start3A_189] : memref<10000x128xf32, #tpu.memory_space<vmem_shared>> -> memref<624x128xf32, #tpu.memory_space<vmem_shared>>
      %dma_start3A_191 = arith.constant 0 : i32
      %dma_start3A_192 = tpu.memref_slice %arg5[%arg0, %mul3A_4, %dma_start3A_191] : memref<2x10000x128xf32, #tpu.memory_space<hbm>> -> memref<1x624x128xf32, #tpu.memory_space<hbm>>
      %dma_start3A_193 = tpu.memref_squeeze %dma_start3A_192 : memref<1x624x128xf32, #tpu.memory_space<hbm>> -> memref<624x128xf32, #tpu.memory_space<hbm>>
      tpu.enqueue_dma source(%dma_start3A_193 : memref<624x128xf32, #tpu.memory_space<hbm>>) target(%dma_start3A_190 : memref<624x128xf32, #tpu.memory_space<vmem_shared>>) target_semaphore(%run_scoped3A : memref<!tpu.dma_semaphore, #tpu.memory_space<semaphore_mem>>)
      %dma_wait3A_194 = arith.constant 0 : i32
      %dma_wait3A_195 = tpu.memref_slice %arg16[%mul3A_4, %dma_wait3A_194] : memref<10000x128xf32, #tpu.memory_space<vmem_shared>> -> memref<624x128xf32, #tpu.memory_space<vmem_shared>>
      %dma_wait3A_196 = arith.constant 0 : i32
      %dma_wait3A_197 = tpu.memref_slice %arg5[%arg0, %mul3A_4, %dma_wait3A_196] : memref<2x10000x128xf32, #tpu.memory_space<hbm>> -> memref<1x624x128xf32, #tpu.memory_space<hbm>>
      %dma_wait3A_198 = tpu.memref_squeeze %dma_wait3A_197 : memref<1x624x128xf32, #tpu.memory_space<hbm>> -> memref<624x128xf32, #tpu.memory_space<hbm>>
      tpu.wait_dma2 semaphore(%run_scoped3A : memref<!tpu.dma_semaphore, #tpu.memory_space<semaphore_mem>>) src(%dma_wait3A_198 : memref<624x128xf32, #tpu.memory_space<hbm>>) dst(%dma_wait3A_195 : memref<624x128xf32, #tpu.memory_space<vmem_shared>>)
      tpu.yield
    }) : () -> ()
    %eq3A = arith.constant 15 : i32
    %eq3A_5 = arith.cmpi eq, %arg1, %eq3A : i32
    %convert_element_type3A = arith.extui %eq3A_5 : i1 to i32
    %cond3A = arith.constant 0 : i32
    %cond3A_6 = arith.cmpi ne, %convert_element_type3A, %cond3A : i32
    scf.if %cond3A_6 {
      "tpu.region"() ({
        %run_scoped3A = tpu.sem_alloc : memref<!tpu.dma_semaphore, #tpu.memory_space<semaphore_mem>>
        %dma_start3A_189 = arith.constant 9984 : i32
        %dma_start3A_190 = arith.constant 0 : i32
        %dma_start3A_191 = tpu.memref_slice %arg16[%dma_start3A_189, %dma_start3A_190] : memref<10000x128xf32, #tpu.memory_space<vmem_shared>> -> memref<16x128xf32, #tpu.memory_space<vmem_shared>>
        %dma_start3A_192 = arith.constant 9984 : i32
        %dma_start3A_193 = arith.constant 0 : i32
        %dma_start3A_194 = tpu.memref_slice %arg5[%arg0, %dma_start3A_192, %dma_start3A_193] : memref<2x10000x128xf32, #tpu.memory_space<hbm>> -> memref<1x16x128xf32, #tpu.memory_space<hbm>>
        %dma_start3A_195 = tpu.memref_squeeze %dma_start3A_194 : memref<1x16x128xf32, #tpu.memory_space<hbm>> -> memref<16x128xf32, #tpu.memory_space<hbm>>
        tpu.enqueue_dma source(%dma_start3A_195 : memref<16x128xf32, #tpu.memory_space<hbm>>) target(%dma_start3A_191 : memref<16x128xf32, #tpu.memory_space<vmem_shared>>) target_semaphore(%run_scoped3A : memref<!tpu.dma_semaphore, #tpu.memory_space<semaphore_mem>>)
        %dma_wait3A_196 = arith.constant 9984 : i32
        %dma_wait3A_197 = arith.constant 0 : i32
        %dma_wait3A_198 = tpu.memref_slice %arg16[%dma_wait3A_196, %dma_wait3A_197] : memref<10000x128xf32, #tpu.memory_space<vmem_shared>> -> memref<16x128xf32, #tpu.memory_space<vmem_shared>>
        %dma_wait3A_199 = arith.constant 9984 : i32
        %dma_wait3A_200 = arith.constant 0 : i32
        %dma_wait3A_201 = tpu.memref_slice %arg5[%arg0, %dma_wait3A_199, %dma_wait3A_200] : memref<2x10000x128xf32, #tpu.memory_space<hbm>> -> memref<1x16x128xf32, #tpu.memory_space<hbm>>
        %dma_wait3A_202 = tpu.memref_squeeze %dma_wait3A_201 : memref<1x16x128xf32, #tpu.memory_space<hbm>> -> memref<16x128xf32, #tpu.memory_space<hbm>>
        tpu.wait_dma2 semaphore(%run_scoped3A : memref<!tpu.dma_semaphore, #tpu.memory_space<semaphore_mem>>) src(%dma_wait3A_202 : memref<16x128xf32, #tpu.memory_space<hbm>>) dst(%dma_wait3A_198 : memref<16x128xf32, #tpu.memory_space<vmem_shared>>)
        tpu.yield
      }) : () -> ()
    } else {
    }
    %broadcast_in_dim3A = arith.constant 0.000000e+00 : f32
    %broadcast_in_dim3A_7 = vector.broadcast %broadcast_in_dim3A : f32 to vector<16xf32>
    %scan3A = arith.constant 0 : i32
    %scan3A_8 = arith.constant 0 : i32
    %scan3A_9 = arith.constant 625 : i32
    %scan3A_10 = arith.addi %scan3A_8, %scan3A_9 : i32
    %scan3A_11 = arith.constant 1 : i32
    scf.for %scan3A_189 = %scan3A_8 to %scan3A_10 step %scan3A_11  : i32 {
      %mul3A_190 = arith.constant 16 : i32
      %mul3A_191 = arith.muli %scan3A_189, %mul3A_190 : i32
      %swap3A = arith.index_cast %mul3A_191 : i32 to index
      %swap3A_192 = tpu.vector_load %arg15[%swap3A] {strides = array<i32>} : memref<10000xf32, #tpu.memory_space<vmem>>, vector<16xf32>,
      tpu.vector_store %arg15[%swap3A], %broadcast_in_dim3A_7 {strides = array<i32>} : memref<10000xf32, #tpu.memory_space<vmem>>, vector<16xf32>,
    }
    %scan3A_12 = arith.constant 625 : i32
    %barrier3A = arith.constant 0 : index
    tpu.barrier barrier_id(%barrier3A)
    %add3A_13 = arith.constant 0 : i32
    %add3A_14 = arith.addi %mul3A_2, %add3A_13 : i32
    %multiple_of3A = tpu.assume_multiple %add3A_14, 8 : i32
    %dma_start3A = arith.constant 0 : i32
    %dma_start3A_15 = arith.constant 0 : i32
    %dma_start3A_16 = tpu.memref_slice %arg10[%dma_start3A, %dma_start3A_15] : memref<2x128xi32, #tpu.memory_space<vmem>> -> memref<1x128xi32, #tpu.memory_space<vmem>>
    %dma_start3A_17 = tpu.memref_squeeze %dma_start3A_16 : memref<1x128xi32, #tpu.memory_space<vmem>> -> memref<128xi32, #tpu.memory_space<vmem>>
    %dma_start3A_18 = tpu.memref_slice %arg4[%multiple_of3A] : memref<160000xi32, #tpu.memory_space<hbm>> -> memref<128xi32, #tpu.memory_space<hbm>>
    %dma_start3A_19 = arith.constant 0 : i32
    %dma_start3A_20 = tpu.memref_slice %arg10[%dma_start3A, %dma_start3A_19] : memref<2x128xi32, #tpu.memory_space<vmem>> -> memref<1x128xi32, #tpu.memory_space<vmem>>
    %dma_start3A_21 = tpu.memref_squeeze %dma_start3A_20 : memref<1x128xi32, #tpu.memory_space<vmem>> -> memref<128xi32, #tpu.memory_space<vmem>>
    %dma_start3A_22 = tpu.memref_slice %arg4[%multiple_of3A] : memref<160000xi32, #tpu.memory_space<hbm>> -> memref<128xi32, #tpu.memory_space<hbm>>
    tpu.enqueue_dma source(%dma_start3A_22 : memref<128xi32, #tpu.memory_space<hbm>>) target(%dma_start3A_21 : memref<128xi32, #tpu.memory_space<vmem>>) target_semaphore(%arg17 : memref<!tpu.dma_semaphore, #tpu.memory_space<semaphore_mem>>)
    %dma_start3A_23 = arith.constant 0 : i32
    %dma_start3A_24 = arith.constant 0 : i32
    %dma_start3A_25 = arith.constant 0 : i32
    %dma_start3A_26 = tpu.memref_slice %arg8[%dma_start3A_23, %dma_start3A_24, %dma_start3A_25] : memref<2x128x128xf32, #tpu.memory_space<vmem>> -> memref<1x128x128xf32, #tpu.memory_space<vmem>>
    %dma_start3A_27 = tpu.memref_squeeze %dma_start3A_26 : memref<1x128x128xf32, #tpu.memory_space<vmem>> -> memref<128x128xf32, #tpu.memory_space<vmem>>
    %dma_start3A_28 = arith.constant 0 : i32
    %dma_start3A_29 = tpu.memref_slice %arg2[%multiple_of3A, %dma_start3A_28] : memref<160000x128xf32, #tpu.memory_space<hbm>> -> memref<128x128xf32, #tpu.memory_space<hbm>>
    %dma_start3A_30 = arith.constant 0 : i32
    %dma_start3A_31 = arith.constant 0 : i32
    %dma_start3A_32 = tpu.memref_slice %arg8[%dma_start3A_23, %dma_start3A_30, %dma_start3A_31] : memref<2x128x128xf32, #tpu.memory_space<vmem>> -> memref<1x128x128xf32, #tpu.memory_space<vmem>>
    %dma_start3A_33 = tpu.memref_squeeze %dma_start3A_32 : memref<1x128x128xf32, #tpu.memory_space<vmem>> -> memref<128x128xf32, #tpu.memory_space<vmem>>
    %dma_start3A_34 = arith.constant 0 : i32
    %dma_start3A_35 = tpu.memref_slice %arg2[%multiple_of3A, %dma_start3A_34] : memref<160000x128xf32, #tpu.memory_space<hbm>> -> memref<128x128xf32, #tpu.memory_space<hbm>>
    tpu.enqueue_dma source(%dma_start3A_35 : memref<128x128xf32, #tpu.memory_space<hbm>>) target(%dma_start3A_33 : memref<128x128xf32, #tpu.memory_space<vmem>>) target_semaphore(%arg17 : memref<!tpu.dma_semaphore, #tpu.memory_space<semaphore_mem>>)
    %dma_start3A_36 = arith.constant 0 : i32
    %dma_start3A_37 = arith.constant 0 : i32
    %dma_start3A_38 = tpu.memref_slice %arg9[%dma_start3A_36, %dma_start3A_37] : memref<2x128xf32, #tpu.memory_space<vmem>> -> memref<1x128xf32, #tpu.memory_space<vmem>>
    %dma_start3A_39 = tpu.memref_squeeze %dma_start3A_38 : memref<1x128xf32, #tpu.memory_space<vmem>> -> memref<128xf32, #tpu.memory_space<vmem>>
    %dma_start3A_40 = tpu.memref_slice %arg3[%multiple_of3A] : memref<160000xf32, #tpu.memory_space<hbm>> -> memref<128xf32, #tpu.memory_space<hbm>>
    %dma_start3A_41 = arith.constant 0 : i32
    %dma_start3A_42 = tpu.memref_slice %arg9[%dma_start3A_36, %dma_start3A_41] : memref<2x128xf32, #tpu.memory_space<vmem>> -> memref<1x128xf32, #tpu.memory_space<vmem>>
    %dma_start3A_43 = tpu.memref_squeeze %dma_start3A_42 : memref<1x128xf32, #tpu.memory_space<vmem>> -> memref<128xf32, #tpu.memory_space<vmem>>
    %dma_start3A_44 = tpu.memref_slice %arg3[%multiple_of3A] : memref<160000xf32, #tpu.memory_space<hbm>> -> memref<128xf32, #tpu.memory_space<hbm>>
    tpu.enqueue_dma source(%dma_start3A_44 : memref<128xf32, #tpu.memory_space<hbm>>) target(%dma_start3A_43 : memref<128xf32, #tpu.memory_space<vmem>>) target_semaphore(%arg17 : memref<!tpu.dma_semaphore, #tpu.memory_space<semaphore_mem>>)
    %scan3A_45 = arith.constant 0 : i32
    %scan3A_46 = arith.constant 0 : i32
    %scan3A_47 = arith.constant 19 : i32
    %scan3A_48 = arith.addi %scan3A_46, %scan3A_47 : i32
    %scan3A_49 = arith.constant 1 : i32
    scf.for %scan3A_189 = %scan3A_46 to %scan3A_48 step %scan3A_49  : i32 {
      %mul3A_190 = arith.constant 2 : i32
      %mul3A_191 = arith.muli %scan3A_189, %mul3A_190 : i32
      %add3A_192 = arith.constant 1 : i32
      %add3A_193 = arith.addi %mul3A_191, %add3A_192 : i32
      %mul3A_194 = arith.constant 128 : i32
      %mul3A_195 = arith.muli %add3A_193, %mul3A_194 : i32
      %add3A_196 = arith.addi %mul3A_2, %mul3A_195 : i32
      %multiple_of3A_197 = tpu.assume_multiple %add3A_196, 8 : i32
      %dma_start3A_198 = arith.constant 1 : i32
      %dma_start3A_199 = arith.constant 0 : i32
      %dma_start3A_200 = tpu.memref_slice %arg10[%dma_start3A_198, %dma_start3A_199] : memref<2x128xi32, #tpu.memory_space<vmem>> -> memref<1x128xi32, #tpu.memory_space<vmem>>
      %dma_start3A_201 = tpu.memref_squeeze %dma_start3A_200 : memref<1x128xi32, #tpu.memory_space<vmem>> -> memref<128xi32, #tpu.memory_space<vmem>>
      %dma_start3A_202 = tpu.memref_slice %arg4[%multiple_of3A_197] : memref<160000xi32, #tpu.memory_space<hbm>> -> memref<128xi32, #tpu.memory_space<hbm>>
      %dma_start3A_203 = arith.constant 0 : i32
      %dma_start3A_204 = tpu.memref_slice %arg10[%dma_start3A_198, %dma_start3A_203] : memref<2x128xi32, #tpu.memory_space<vmem>> -> memref<1x128xi32, #tpu.memory_space<vmem>>
      %dma_start3A_205 = tpu.memref_squeeze %dma_start3A_204 : memref<1x128xi32, #tpu.memory_space<vmem>> -> memref<128xi32, #tpu.memory_space<vmem>>
      %dma_start3A_206 = tpu.memref_slice %arg4[%multiple_of3A_197] : memref<160000xi32, #tpu.memory_space<hbm>> -> memref<128xi32, #tpu.memory_space<hbm>>
      tpu.enqueue_dma source(%dma_start3A_206 : memref<128xi32, #tpu.memory_space<hbm>>) target(%dma_start3A_205 : memref<128xi32, #tpu.memory_space<vmem>>) target_semaphore(%arg18 : memref<!tpu.dma_semaphore, #tpu.memory_space<semaphore_mem>>)
      %dma_start3A_207 = arith.constant 1 : i32
      %dma_start3A_208 = arith.constant 0 : i32
      %dma_start3A_209 = arith.constant 0 : i32
      %dma_start3A_210 = tpu.memref_slice %arg8[%dma_start3A_207, %dma_start3A_208, %dma_start3A_209] : memref<2x128x128xf32, #tpu.memory_space<vmem>> -> memref<1x128x128xf32, #tpu.memory_space<vmem>>
      %dma_start3A_211 = tpu.memref_squeeze %dma_start3A_210 : memref<1x128x128xf32, #tpu.memory_space<vmem>> -> memref<128x128xf32, #tpu.memory_space<vmem>>
      %dma_start3A_212 = arith.constant 0 : i32
      %dma_start3A_213 = tpu.memref_slice %arg2[%multiple_of3A_197, %dma_start3A_212] : memref<160000x128xf32, #tpu.memory_space<hbm>> -> memref<128x128xf32, #tpu.memory_space<hbm>>
      %dma_start3A_214 = arith.constant 0 : i32
      %dma_start3A_215 = arith.constant 0 : i32
      %dma_start3A_216 = tpu.memref_slice %arg8[%dma_start3A_207, %dma_start3A_214, %dma_start3A_215] : memref<2x128x128xf32, #tpu.memory_space<vmem>> -> memref<1x128x128xf32, #tpu.memory_space<vmem>>
      %dma_start3A_217 = tpu.memref_squeeze %dma_start3A_216 : memref<1x128x128xf32, #tpu.memory_space<vmem>> -> memref<128x128xf32, #tpu.memory_space<vmem>>
      %dma_start3A_218 = arith.constant 0 : i32
      %dma_start3A_219 = tpu.memref_slice %arg2[%multiple_of3A_197, %dma_start3A_218] : memref<160000x128xf32, #tpu.memory_space<hbm>> -> memref<128x128xf32, #tpu.memory_space<hbm>>
      tpu.enqueue_dma source(%dma_start3A_219 : memref<128x128xf32, #tpu.memory_space<hbm>>) target(%dma_start3A_217 : memref<128x128xf32, #tpu.memory_space<vmem>>) target_semaphore(%arg18 : memref<!tpu.dma_semaphore, #tpu.memory_space<semaphore_mem>>)
      %dma_start3A_220 = arith.constant 1 : i32
      %dma_start3A_221 = arith.constant 0 : i32
      %dma_start3A_222 = tpu.memref_slice %arg9[%dma_start3A_220, %dma_start3A_221] : memref<2x128xf32, #tpu.memory_space<vmem>> -> memref<1x128xf32, #tpu.memory_space<vmem>>
      %dma_start3A_223 = tpu.memref_squeeze %dma_start3A_222 : memref<1x128xf32, #tpu.memory_space<vmem>> -> memref<128xf32, #tpu.memory_space<vmem>>
      %dma_start3A_224 = tpu.memref_slice %arg3[%multiple_of3A_197] : memref<160000xf32, #tpu.memory_space<hbm>> -> memref<128xf32, #tpu.memory_space<hbm>>
      %dma_start3A_225 = arith.constant 0 : i32
      %dma_start3A_226 = tpu.memref_slice %arg9[%dma_start3A_220, %dma_start3A_225] : memref<2x128xf32, #tpu.memory_space<vmem>> -> memref<1x128xf32, #tpu.memory_space<vmem>>
      %dma_start3A_227 = tpu.memref_squeeze %dma_start3A_226 : memref<1x128xf32, #tpu.memory_space<vmem>> -> memref<128xf32, #tpu.memory_space<vmem>>
      %dma_start3A_228 = tpu.memref_slice %arg3[%multiple_of3A_197] : memref<160000xf32, #tpu.memory_space<hbm>> -> memref<128xf32, #tpu.memory_space<hbm>>
      tpu.enqueue_dma source(%dma_start3A_228 : memref<128xf32, #tpu.memory_space<hbm>>) target(%dma_start3A_227 : memref<128xf32, #tpu.memory_space<vmem>>) target_semaphore(%arg18 : memref<!tpu.dma_semaphore, #tpu.memory_space<semaphore_mem>>)
      %mul3A_229 = arith.constant 128 : i32
      %mul3A_230 = arith.muli %mul3A_191, %mul3A_229 : i32
      %add3A_231 = arith.addi %mul3A_2, %mul3A_230 : i32
      %multiple_of3A_232 = tpu.assume_multiple %add3A_231, 8 : i32
      %dma_wait3A_233 = arith.constant 0 : i32
      %dma_wait3A_234 = arith.constant 0 : i32
      %dma_wait3A_235 = tpu.memref_slice %arg10[%dma_wait3A_233, %dma_wait3A_234] : memref<2x128xi32, #tpu.memory_space<vmem>> -> memref<1x128xi32, #tpu.memory_space<vmem>>
      %dma_wait3A_236 = tpu.memref_squeeze %dma_wait3A_235 : memref<1x128xi32, #tpu.memory_space<vmem>> -> memref<128xi32, #tpu.memory_space<vmem>>
      %dma_wait3A_237 = tpu.memref_slice %arg4[%multiple_of3A_232] : memref<160000xi32, #tpu.memory_space<hbm>> -> memref<128xi32, #tpu.memory_space<hbm>>
      %dma_wait3A_238 = arith.constant 0 : i32
      %dma_wait3A_239 = tpu.memref_slice %arg10[%dma_wait3A_233, %dma_wait3A_238] : memref<2x128xi32, #tpu.memory_space<vmem>> -> memref<1x128xi32, #tpu.memory_space<vmem>>
      %dma_wait3A_240 = tpu.memref_squeeze %dma_wait3A_239 : memref<1x128xi32, #tpu.memory_space<vmem>> -> memref<128xi32, #tpu.memory_space<vmem>>
      %dma_wait3A_241 = tpu.memref_slice %arg4[%multiple_of3A_232] : memref<160000xi32, #tpu.memory_space<hbm>> -> memref<128xi32, #tpu.memory_space<hbm>>
      tpu.wait_dma2 semaphore(%arg17 : memref<!tpu.dma_semaphore, #tpu.memory_space<semaphore_mem>>) src(%dma_wait3A_241 : memref<128xi32, #tpu.memory_space<hbm>>) dst(%dma_wait3A_240 : memref<128xi32, #tpu.memory_space<vmem>>)
      %dma_wait3A_242 = arith.constant 0 : i32
      %dma_wait3A_243 = arith.constant 0 : i32
      %dma_wait3A_244 = arith.constant 0 : i32
      %dma_wait3A_245 = tpu.memref_slice %arg8[%dma_wait3A_242, %dma_wait3A_243, %dma_wait3A_244] : memref<2x128x128xf32, #tpu.memory_space<vmem>> -> memref<1x128x128xf32, #tpu.memory_space<vmem>>
      %dma_wait3A_246 = tpu.memref_squeeze %dma_wait3A_245 : memref<1x128x128xf32, #tpu.memory_space<vmem>> -> memref<128x128xf32, #tpu.memory_space<vmem>>
      %dma_wait3A_247 = arith.constant 0 : i32
      %dma_wait3A_248 = tpu.memref_slice %arg2[%multiple_of3A_232, %dma_wait3A_247] : memref<160000x128xf32, #tpu.memory_space<hbm>> -> memref<128x128xf32, #tpu.memory_space<hbm>>
      %dma_wait3A_249 = arith.constant 0 : i32
      %dma_wait3A_250 = arith.constant 0 : i32
      %dma_wait3A_251 = tpu.memref_slice %arg8[%dma_wait3A_242, %dma_wait3A_249, %dma_wait3A_250] : memref<2x128x128xf32, #tpu.memory_space<vmem>> -> memref<1x128x128xf32, #tpu.memory_space<vmem>>
      %dma_wait3A_252 = tpu.memref_squeeze %dma_wait3A_251 : memref<1x128x128xf32, #tpu.memory_space<vmem>> -> memref<128x128xf32, #tpu.memory_space<vmem>>
      %dma_wait3A_253 = arith.constant 0 : i32
      %dma_wait3A_254 = tpu.memref_slice %arg2[%multiple_of3A_232, %dma_wait3A_253] : memref<160000x128xf32, #tpu.memory_space<hbm>> -> memref<128x128xf32, #tpu.memory_space<hbm>>
      tpu.wait_dma2 semaphore(%arg17 : memref<!tpu.dma_semaphore, #tpu.memory_space<semaphore_mem>>) src(%dma_wait3A_254 : memref<128x128xf32, #tpu.memory_space<hbm>>) dst(%dma_wait3A_252 : memref<128x128xf32, #tpu.memory_space<vmem>>)
      %dma_wait3A_255 = arith.constant 0 : i32
      %dma_wait3A_256 = arith.constant 0 : i32
      %dma_wait3A_257 = tpu.memref_slice %arg9[%dma_wait3A_255, %dma_wait3A_256] : memref<2x128xf32, #tpu.memory_space<vmem>> -> memref<1x128xf32, #tpu.memory_space<vmem>>
      %dma_wait3A_258 = tpu.memref_squeeze %dma_wait3A_257 : memref<1x128xf32, #tpu.memory_space<vmem>> -> memref<128xf32, #tpu.memory_space<vmem>>
      %dma_wait3A_259 = tpu.memref_slice %arg3[%multiple_of3A_232] : memref<160000xf32, #tpu.memory_space<hbm>> -> memref<128xf32, #tpu.memory_space<hbm>>
      %dma_wait3A_260 = arith.constant 0 : i32
      %dma_wait3A_261 = tpu.memref_slice %arg9[%dma_wait3A_255, %dma_wait3A_260] : memref<2x128xf32, #tpu.memory_space<vmem>> -> memref<1x128xf32, #tpu.memory_space<vmem>>
      %dma_wait3A_262 = tpu.memref_squeeze %dma_wait3A_261 : memref<1x128xf32, #tpu.memory_space<vmem>> -> memref<128xf32, #tpu.memory_space<vmem>>
      %dma_wait3A_263 = tpu.memref_slice %arg3[%multiple_of3A_232] : memref<160000xf32, #tpu.memory_space<hbm>> -> memref<128xf32, #tpu.memory_space<hbm>>
      tpu.wait_dma2 semaphore(%arg17 : memref<!tpu.dma_semaphore, #tpu.memory_space<semaphore_mem>>) src(%dma_wait3A_263 : memref<128xf32, #tpu.memory_space<hbm>>) dst(%dma_wait3A_262 : memref<128xf32, #tpu.memory_space<vmem>>)
      %dma_start3A_264 = arith.constant 0 : i32
      %dma_start3A_265 = arith.constant 0 : i32
      %dma_start3A_266 = arith.constant 0 : i32
      %dma_start3A_267 = arith.constant 0 : i32
      %dma_start3A_268 = tpu.memref_slice %arg8[%dma_start3A_264, %dma_start3A_266, %dma_start3A_267] : memref<2x128x128xf32, #tpu.memory_space<vmem>> -> memref<1x128x128xf32, #tpu.memory_space<vmem>>
      %dma_start3A_269 = tpu.memref_squeeze %dma_start3A_268 : memref<1x128x128xf32, #tpu.memory_space<vmem>> -> memref<128x128xf32, #tpu.memory_space<vmem>>
      %dma_start3A_270 = arith.constant 0 : i32
      %dma_start3A_271 = tpu.memref_slice %arg10[%dma_start3A_265, %dma_start3A_270] : memref<2x128xi32, #tpu.memory_space<vmem>> -> memref<1x128xi32, #tpu.memory_space<vmem>>
      %dma_start3A_272 = tpu.memref_squeeze %dma_start3A_271 : memref<1x128xi32, #tpu.memory_space<vmem>> -> memref<128xi32, #tpu.memory_space<vmem>>
      %dma_start3A_273 = arith.constant 0 : i32
      %dma_start3A_274 = arith.constant 0 : i32
      %dma_start3A_275 = tpu.memref_slice %arg16[%dma_start3A_273, %dma_start3A_274] : memref<10000x128xf32, #tpu.memory_space<vmem_shared>> -> memref<10000x128xf32, #tpu.memory_space<vmem_shared>>
      tpu.enqueue_indirect_dma source(%dma_start3A_269 : memref<128x128xf32, #tpu.memory_space<vmem>>) target(%dma_start3A_275 : memref<10000x128xf32, #tpu.memory_space<vmem_shared>>) offsets(%dma_start3A_272 : memref<128xi32, #tpu.memory_space<vmem>>) semaphore(%arg19 : memref<!tpu.dma_semaphore, #tpu.memory_space<semaphore_mem>>) {add = true}
      %get3A_276 = arith.constant 0 : i32
      %get3A_277 = arith.index_cast %get3A_276 : i32 to index
      %get3A_278 = arith.constant 0 : index
      %get3A_279 = tpu.vector_load %arg9[%get3A_277, %get3A_278] {strides = array<i32>} : memref<2x128xf32, #tpu.memory_space<vmem>>, vector<16xf32>,
      %get3A_280 = arith.constant 0 : i32
      %get3A_281 = arith.index_cast %get3A_280 : i32 to index
      %get3A_282 = arith.constant 0 : index
      %get3A_283 = tpu.vector_load %arg10[%get3A_281, %get3A_282] {strides = array<i32>} : memref<2x128xi32, #tpu.memory_space<vmem>>, vector<16xi32>,
      tpu.vector_store_idx %arg15[%get3A_283], %get3A_279 {add = true} : memref<10000xf32, #tpu.memory_space<vmem>>[vector<16xi32>], vector<16xf32>,
      %get3A_284 = arith.constant 0 : i32
      %get3A_285 = arith.index_cast %get3A_284 : i32 to index
      %get3A_286 = arith.constant 16 : index
      %get3A_287 = tpu.vector_load %arg9[%get3A_285, %get3A_286] {strides = array<i32>} : memref<2x128xf32, #tpu.memory_space<vmem>>, vector<16xf32>,
      %get3A_288 = arith.constant 0 : i32
      %get3A_289 = arith.index_cast %get3A_288 : i32 to index
      %get3A_290 = arith.constant 16 : index
      %get3A_291 = tpu.vector_load %arg10[%get3A_289, %get3A_290] {strides = array<i32>} : memref<2x128xi32, #tpu.memory_space<vmem>>, vector<16xi32>,
      tpu.vector_store_idx %arg15[%get3A_291], %get3A_287 {add = true} : memref<10000xf32, #tpu.memory_space<vmem>>[vector<16xi32>], vector<16xf32>,
      %get3A_292 = arith.constant 0 : i32
      %get3A_293 = arith.index_cast %get3A_292 : i32 to index
      %get3A_294 = arith.constant 32 : index
      %get3A_295 = tpu.vector_load %arg9[%get3A_293, %get3A_294] {strides = array<i32>} : memref<2x128xf32, #tpu.memory_space<vmem>>, vector<16xf32>,
      %get3A_296 = arith.constant 0 : i32
      %get3A_297 = arith.index_cast %get3A_296 : i32 to index
      %get3A_298 = arith.constant 32 : index
      %get3A_299 = tpu.vector_load %arg10[%get3A_297, %get3A_298] {strides = array<i32>} : memref<2x128xi32, #tpu.memory_space<vmem>>, vector<16xi32>,
      tpu.vector_store_idx %arg15[%get3A_299], %get3A_295 {add = true} : memref<10000xf32, #tpu.memory_space<vmem>>[vector<16xi32>], vector<16xf32>,
      %get3A_300 = arith.constant 0 : i32
      %get3A_301 = arith.index_cast %get3A_300 : i32 to index
      %get3A_302 = arith.constant 48 : index
      %get3A_303 = tpu.vector_load %arg9[%get3A_301, %get3A_302] {strides = array<i32>} : memref<2x128xf32, #tpu.memory_space<vmem>>, vector<16xf32>,
      %get3A_304 = arith.constant 0 : i32
      %get3A_305 = arith.index_cast %get3A_304 : i32 to index
      %get3A_306 = arith.constant 48 : index
      %get3A_307 = tpu.vector_load %arg10[%get3A_305, %get3A_306] {strides = array<i32>} : memref<2x128xi32, #tpu.memory_space<vmem>>, vector<16xi32>,
      tpu.vector_store_idx %arg15[%get3A_307], %get3A_303 {add = true} : memref<10000xf32, #tpu.memory_space<vmem>>[vector<16xi32>], vector<16xf32>,
      %get3A_308 = arith.constant 0 : i32
      %get3A_309 = arith.index_cast %get3A_308 : i32 to index
      %get3A_310 = arith.constant 64 : index
      %get3A_311 = tpu.vector_load %arg9[%get3A_309, %get3A_310] {strides = array<i32>} : memref<2x128xf32, #tpu.memory_space<vmem>>, vector<16xf32>,
      %get3A_312 = arith.constant 0 : i32
      %get3A_313 = arith.index_cast %get3A_312 : i32 to index
      %get3A_314 = arith.constant 64 : index
      %get3A_315 = tpu.vector_load %arg10[%get3A_313, %get3A_314] {strides = array<i32>} : memref<2x128xi32, #tpu.memory_space<vmem>>, vector<16xi32>,
      tpu.vector_store_idx %arg15[%get3A_315], %get3A_311 {add = true} : memref<10000xf32, #tpu.memory_space<vmem>>[vector<16xi32>], vector<16xf32>,
      %get3A_316 = arith.constant 0 : i32
      %get3A_317 = arith.index_cast %get3A_316 : i32 to index
      %get3A_318 = arith.constant 80 : index
      %get3A_319 = tpu.vector_load %arg9[%get3A_317, %get3A_318] {strides = array<i32>} : memref<2x128xf32, #tpu.memory_space<vmem>>, vector<16xf32>,
      %get3A_320 = arith.constant 0 : i32
      %get3A_321 = arith.index_cast %get3A_320 : i32 to index
      %get3A_322 = arith.constant 80 : index
      %get3A_323 = tpu.vector_load %arg10[%get3A_321, %get3A_322] {strides = array<i32>} : memref<2x128xi32, #tpu.memory_space<vmem>>, vector<16xi32>,
      tpu.vector_store_idx %arg15[%get3A_323], %get3A_319 {add = true} : memref<10000xf32, #tpu.memory_space<vmem>>[vector<16xi32>], vector<16xf32>,
      %get3A_324 = arith.constant 0 : i32
      %get3A_325 = arith.index_cast %get3A_324 : i32 to index
      %get3A_326 = arith.constant 96 : index
      %get3A_327 = tpu.vector_load %arg9[%get3A_325, %get3A_326] {strides = array<i32>} : memref<2x128xf32, #tpu.memory_space<vmem>>, vector<16xf32>,
      %get3A_328 = arith.constant 0 : i32
      %get3A_329 = arith.index_cast %get3A_328 : i32 to index
      %get3A_330 = arith.constant 96 : index
      %get3A_331 = tpu.vector_load %arg10[%get3A_329, %get3A_330] {strides = array<i32>} : memref<2x128xi32, #tpu.memory_space<vmem>>, vector<16xi32>,
      tpu.vector_store_idx %arg15[%get3A_331], %get3A_327 {add = true} : memref<10000xf32, #tpu.memory_space<vmem>>[vector<16xi32>], vector<16xf32>,
      %get3A_332 = arith.constant 0 : i32
      %get3A_333 = arith.index_cast %get3A_332 : i32 to index
      %get3A_334 = arith.constant 112 : index
      %get3A_335 = tpu.vector_load %arg9[%get3A_333, %get3A_334] {strides = array<i32>} : memref<2x128xf32, #tpu.memory_space<vmem>>, vector<16xf32>,
      %get3A_336 = arith.constant 0 : i32
      %get3A_337 = arith.index_cast %get3A_336 : i32 to index
      %get3A_338 = arith.constant 112 : index
      %get3A_339 = tpu.vector_load %arg10[%get3A_337, %get3A_338] {strides = array<i32>} : memref<2x128xi32, #tpu.memory_space<vmem>>, vector<16xi32>,
      tpu.vector_store_idx %arg15[%get3A_339], %get3A_335 {add = true} : memref<10000xf32, #tpu.memory_space<vmem>>[vector<16xi32>], vector<16xf32>,
      %dma_wait3A_340 = arith.constant 0 : i32
      %dma_wait3A_341 = arith.constant 0 : i32
      %dma_wait3A_342 = arith.constant 0 : i32
      %dma_wait3A_343 = arith.constant 0 : i32
      %dma_wait3A_344 = tpu.memref_slice %arg8[%dma_wait3A_340, %dma_wait3A_342, %dma_wait3A_343] : memref<2x128x128xf32, #tpu.memory_space<vmem>> -> memref<1x128x128xf32, #tpu.memory_space<vmem>>
      %dma_wait3A_345 = tpu.memref_squeeze %dma_wait3A_344 : memref<1x128x128xf32, #tpu.memory_space<vmem>> -> memref<128x128xf32, #tpu.memory_space<vmem>>
      %dma_wait3A_346 = arith.constant 0 : i32
      %dma_wait3A_347 = tpu.memref_slice %arg10[%dma_wait3A_341, %dma_wait3A_346] : memref<2x128xi32, #tpu.memory_space<vmem>> -> memref<1x128xi32, #tpu.memory_space<vmem>>
      %dma_wait3A_348 = tpu.memref_squeeze %dma_wait3A_347 : memref<1x128xi32, #tpu.memory_space<vmem>> -> memref<128xi32, #tpu.memory_space<vmem>>
      %dma_wait3A_349 = arith.constant 0 : i32
      %dma_wait3A_350 = arith.constant 0 : i32
      %dma_wait3A_351 = tpu.memref_slice %arg16[%dma_wait3A_349, %dma_wait3A_350] : memref<10000x128xf32, #tpu.memory_space<vmem_shared>> -> memref<10000x128xf32, #tpu.memory_space<vmem_shared>>
      tpu.wait_indirect_dma semaphore(%arg19 : memref<!tpu.dma_semaphore, #tpu.memory_space<semaphore_mem>>) src(%dma_wait3A_345 : memref<128x128xf32, #tpu.memory_space<vmem>>) dst(%dma_wait3A_351 : memref<10000x128xf32, #tpu.memory_space<vmem_shared>>)
      %add3A_352 = arith.constant 2 : i32
      %add3A_353 = arith.addi %mul3A_191, %add3A_352 : i32
      %lt3A_354 = arith.constant 39 : i32
      %lt3A_355 = arith.cmpi slt, %add3A_353, %lt3A_354 : i32
      %convert_element_type3A_356 = arith.extui %lt3A_355 : i1 to i32
      %cond3A_357 = arith.constant 0 : i32
      %cond3A_358 = arith.cmpi ne, %convert_element_type3A_356, %cond3A_357 : i32
      scf.if %cond3A_358 {
        %add3A_486 = arith.constant 2 : i32
        %add3A_487 = arith.addi %mul3A_191, %add3A_486 : i32
        %mul3A_488 = arith.constant 128 : i32
        %mul3A_489 = arith.muli %add3A_487, %mul3A_488 : i32
        %add3A_490 = arith.addi %mul3A_2, %mul3A_489 : i32
        %multiple_of3A_491 = tpu.assume_multiple %add3A_490, 8 : i32
        %dma_start3A_492 = arith.constant 0 : i32
        %dma_start3A_493 = arith.constant 0 : i32
        %dma_start3A_494 = tpu.memref_slice %arg10[%dma_start3A_492, %dma_start3A_493] : memref<2x128xi32, #tpu.memory_space<vmem>> -> memref<1x128xi32, #tpu.memory_space<vmem>>
        %dma_start3A_495 = tpu.memref_squeeze %dma_start3A_494 : memref<1x128xi32, #tpu.memory_space<vmem>> -> memref<128xi32, #tpu.memory_space<vmem>>
        %dma_start3A_496 = tpu.memref_slice %arg4[%multiple_of3A_491] : memref<160000xi32, #tpu.memory_space<hbm>> -> memref<128xi32, #tpu.memory_space<hbm>>
        %dma_start3A_497 = arith.constant 0 : i32
        %dma_start3A_498 = tpu.memref_slice %arg10[%dma_start3A_492, %dma_start3A_497] : memref<2x128xi32, #tpu.memory_space<vmem>> -> memref<1x128xi32, #tpu.memory_space<vmem>>
        %dma_start3A_499 = tpu.memref_squeeze %dma_start3A_498 : memref<1x128xi32, #tpu.memory_space<vmem>> -> memref<128xi32, #tpu.memory_space<vmem>>
        %dma_start3A_500 = tpu.memref_slice %arg4[%multiple_of3A_491] : memref<160000xi32, #tpu.memory_space<hbm>> -> memref<128xi32, #tpu.memory_space<hbm>>
        tpu.enqueue_dma source(%dma_start3A_500 : memref<128xi32, #tpu.memory_space<hbm>>) target(%dma_start3A_499 : memref<128xi32, #tpu.memory_space<vmem>>) target_semaphore(%arg17 : memref<!tpu.dma_semaphore, #tpu.memory_space<semaphore_mem>>)
        %dma_start3A_501 = arith.constant 0 : i32
        %dma_start3A_502 = arith.constant 0 : i32
        %dma_start3A_503 = arith.constant 0 : i32
        %dma_start3A_504 = tpu.memref_slice %arg8[%dma_start3A_501, %dma_start3A_502, %dma_start3A_503] : memref<2x128x128xf32, #tpu.memory_space<vmem>> -> memref<1x128x128xf32, #tpu.memory_space<vmem>>
        %dma_start3A_505 = tpu.memref_squeeze %dma_start3A_504 : memref<1x128x128xf32, #tpu.memory_space<vmem>> -> memref<128x128xf32, #tpu.memory_space<vmem>>
        %dma_start3A_506 = arith.constant 0 : i32
        %dma_start3A_507 = tpu.memref_slice %arg2[%multiple_of3A_491, %dma_start3A_506] : memref<160000x128xf32, #tpu.memory_space<hbm>> -> memref<128x128xf32, #tpu.memory_space<hbm>>
        %dma_start3A_508 = arith.constant 0 : i32
        %dma_start3A_509 = arith.constant 0 : i32
        %dma_start3A_510 = tpu.memref_slice %arg8[%dma_start3A_501, %dma_start3A_508, %dma_start3A_509] : memref<2x128x128xf32, #tpu.memory_space<vmem>> -> memref<1x128x128xf32, #tpu.memory_space<vmem>>
        %dma_start3A_511 = tpu.memref_squeeze %dma_start3A_510 : memref<1x128x128xf32, #tpu.memory_space<vmem>> -> memref<128x128xf32, #tpu.memory_space<vmem>>
        %dma_start3A_512 = arith.constant 0 : i32
        %dma_start3A_513 = tpu.memref_slice %arg2[%multiple_of3A_491, %dma_start3A_512] : memref<160000x128xf32, #tpu.memory_space<hbm>> -> memref<128x128xf32, #tpu.memory_space<hbm>>
        tpu.enqueue_dma source(%dma_start3A_513 : memref<128x128xf32, #tpu.memory_space<hbm>>) target(%dma_start3A_511 : memref<128x128xf32, #tpu.memory_space<vmem>>) target_semaphore(%arg17 : memref<!tpu.dma_semaphore, #tpu.memory_space<semaphore_mem>>)
        %dma_start3A_514 = arith.constant 0 : i32
        %dma_start3A_515 = arith.constant 0 : i32
        %dma_start3A_516 = tpu.memref_slice %arg9[%dma_start3A_514, %dma_start3A_515] : memref<2x128xf32, #tpu.memory_space<vmem>> -> memref<1x128xf32, #tpu.memory_space<vmem>>
        %dma_start3A_517 = tpu.memref_squeeze %dma_start3A_516 : memref<1x128xf32, #tpu.memory_space<vmem>> -> memref<128xf32, #tpu.memory_space<vmem>>
        %dma_start3A_518 = tpu.memref_slice %arg3[%multiple_of3A_491] : memref<160000xf32, #tpu.memory_space<hbm>> -> memref<128xf32, #tpu.memory_space<hbm>>
        %dma_start3A_519 = arith.constant 0 : i32
        %dma_start3A_520 = tpu.memref_slice %arg9[%dma_start3A_514, %dma_start3A_519] : memref<2x128xf32, #tpu.memory_space<vmem>> -> memref<1x128xf32, #tpu.memory_space<vmem>>
        %dma_start3A_521 = tpu.memref_squeeze %dma_start3A_520 : memref<1x128xf32, #tpu.memory_space<vmem>> -> memref<128xf32, #tpu.memory_space<vmem>>
        %dma_start3A_522 = tpu.memref_slice %arg3[%multiple_of3A_491] : memref<160000xf32, #tpu.memory_space<hbm>> -> memref<128xf32, #tpu.memory_space<hbm>>
        tpu.enqueue_dma source(%dma_start3A_522 : memref<128xf32, #tpu.memory_space<hbm>>) target(%dma_start3A_521 : memref<128xf32, #tpu.memory_space<vmem>>) target_semaphore(%arg17 : memref<!tpu.dma_semaphore, #tpu.memory_space<semaphore_mem>>)
      } else {
      }
      %add3A_359 = arith.constant 1 : i32
      %add3A_360 = arith.addi %mul3A_191, %add3A_359 : i32
      %mul3A_361 = arith.constant 128 : i32
      %mul3A_362 = arith.muli %add3A_360, %mul3A_361 : i32
      %add3A_363 = arith.addi %mul3A_2, %mul3A_362 : i32
      %multiple_of3A_364 = tpu.assume_multiple %add3A_363, 8 : i32
      %dma_wait3A_365 = arith.constant 1 : i32
      %dma_wait3A_366 = arith.constant 0 : i32
      %dma_wait3A_367 = tpu.memref_slice %arg10[%dma_wait3A_365, %dma_wait3A_366] : memref<2x128xi32, #tpu.memory_space<vmem>> -> memref<1x128xi32, #tpu.memory_space<vmem>>
      %dma_wait3A_368 = tpu.memref_squeeze %dma_wait3A_367 : memref<1x128xi32, #tpu.memory_space<vmem>> -> memref<128xi32, #tpu.memory_space<vmem>>
      %dma_wait3A_369 = tpu.memref_slice %arg4[%multiple_of3A_364] : memref<160000xi32, #tpu.memory_space<hbm>> -> memref<128xi32, #tpu.memory_space<hbm>>
      %dma_wait3A_370 = arith.constant 0 : i32
      %dma_wait3A_371 = tpu.memref_slice %arg10[%dma_wait3A_365, %dma_wait3A_370] : memref<2x128xi32, #tpu.memory_space<vmem>> -> memref<1x128xi32, #tpu.memory_space<vmem>>
      %dma_wait3A_372 = tpu.memref_squeeze %dma_wait3A_371 : memref<1x128xi32, #tpu.memory_space<vmem>> -> memref<128xi32, #tpu.memory_space<vmem>>
      %dma_wait3A_373 = tpu.memref_slice %arg4[%multiple_of3A_364] : memref<160000xi32, #tpu.memory_space<hbm>> -> memref<128xi32, #tpu.memory_space<hbm>>
      tpu.wait_dma2 semaphore(%arg18 : memref<!tpu.dma_semaphore, #tpu.memory_space<semaphore_mem>>) src(%dma_wait3A_373 : memref<128xi32, #tpu.memory_space<hbm>>) dst(%dma_wait3A_372 : memref<128xi32, #tpu.memory_space<vmem>>)
      %dma_wait3A_374 = arith.constant 1 : i32
      %dma_wait3A_375 = arith.constant 0 : i32
      %dma_wait3A_376 = arith.constant 0 : i32
      %dma_wait3A_377 = tpu.memref_slice %arg8[%dma_wait3A_374, %dma_wait3A_375, %dma_wait3A_376] : memref<2x128x128xf32, #tpu.memory_space<vmem>> -> memref<1x128x128xf32, #tpu.memory_space<vmem>>
      %dma_wait3A_378 = tpu.memref_squeeze %dma_wait3A_377 : memref<1x128x128xf32, #tpu.memory_space<vmem>> -> memref<128x128xf32, #tpu.memory_space<vmem>>
      %dma_wait3A_379 = arith.constant 0 : i32
      %dma_wait3A_380 = tpu.memref_slice %arg2[%multiple_of3A_364, %dma_wait3A_379] : memref<160000x128xf32, #tpu.memory_space<hbm>> -> memref<128x128xf32, #tpu.memory_space<hbm>>
      %dma_wait3A_381 = arith.constant 0 : i32
      %dma_wait3A_382 = arith.constant 0 : i32
      %dma_wait3A_383 = tpu.memref_slice %arg8[%dma_wait3A_374, %dma_wait3A_381, %dma_wait3A_382] : memref<2x128x128xf32, #tpu.memory_space<vmem>> -> memref<1x128x128xf32, #tpu.memory_space<vmem>>
      %dma_wait3A_384 = tpu.memref_squeeze %dma_wait3A_383 : memref<1x128x128xf32, #tpu.memory_space<vmem>> -> memref<128x128xf32, #tpu.memory_space<vmem>>
      %dma_wait3A_385 = arith.constant 0 : i32
      %dma_wait3A_386 = tpu.memref_slice %arg2[%multiple_of3A_364, %dma_wait3A_385] : memref<160000x128xf32, #tpu.memory_space<hbm>> -> memref<128x128xf32, #tpu.memory_space<hbm>>
      tpu.wait_dma2 semaphore(%arg18 : memref<!tpu.dma_semaphore, #tpu.memory_space<semaphore_mem>>) src(%dma_wait3A_386 : memref<128x128xf32, #tpu.memory_space<hbm>>) dst(%dma_wait3A_384 : memref<128x128xf32, #tpu.memory_space<vmem>>)
      %dma_wait3A_387 = arith.constant 1 : i32
      %dma_wait3A_388 = arith.constant 0 : i32
      %dma_wait3A_389 = tpu.memref_slice %arg9[%dma_wait3A_387, %dma_wait3A_388] : memref<2x128xf32, #tpu.memory_space<vmem>> -> memref<1x128xf32, #tpu.memory_space<vmem>>
      %dma_wait3A_390 = tpu.memref_squeeze %dma_wait3A_389 : memref<1x128xf32, #tpu.memory_space<vmem>> -> memref<128xf32, #tpu.memory_space<vmem>>
      %dma_wait3A_391 = tpu.memref_slice %arg3[%multiple_of3A_364] : memref<160000xf32, #tpu.memory_space<hbm>> -> memref<128xf32, #tpu.memory_space<hbm>>
      %dma_wait3A_392 = arith.constant 0 : i32
      %dma_wait3A_393 = tpu.memref_slice %arg9[%dma_wait3A_387, %dma_wait3A_392] : memref<2x128xf32, #tpu.memory_space<vmem>> -> memref<1x128xf32, #tpu.memory_space<vmem>>
      %dma_wait3A_394 = tpu.memref_squeeze %dma_wait3A_393 : memref<1x128xf32, #tpu.memory_space<vmem>> -> memref<128xf32, #tpu.memory_space<vmem>>
      %dma_wait3A_395 = tpu.memref_slice %arg3[%multiple_of3A_364] : memref<160000xf32, #tpu.memory_space<hbm>> -> memref<128xf32, #tpu.memory_space<hbm>>
      tpu.wait_dma2 semaphore(%arg18 : memref<!tpu.dma_semaphore, #tpu.memory_space<semaphore_mem>>) src(%dma_wait3A_395 : memref<128xf32, #tpu.memory_space<hbm>>) dst(%dma_wait3A_394 : memref<128xf32, #tpu.memory_space<vmem>>)
      %add3A_396 = arith.constant 1 : i32
      %add3A_397 = arith.addi %mul3A_191, %add3A_396 : i32
      %dma_start3A_398 = arith.constant 1 : i32
      %dma_start3A_399 = arith.constant 1 : i32
      %dma_start3A_400 = arith.constant 0 : i32
      %dma_start3A_401 = arith.constant 0 : i32
      %dma_start3A_402 = tpu.memref_slice %arg8[%dma_start3A_398, %dma_start3A_400, %dma_start3A_401] : memref<2x128x128xf32, #tpu.memory_space<vmem>> -> memref<1x128x128xf32, #tpu.memory_space<vmem>>
      %dma_start3A_403 = tpu.memref_squeeze %dma_start3A_402 : memref<1x128x128xf32, #tpu.memory_space<vmem>> -> memref<128x128xf32, #tpu.memory_space<vmem>>
      %dma_start3A_404 = arith.constant 0 : i32
      %dma_start3A_405 = tpu.memref_slice %arg10[%dma_start3A_399, %dma_start3A_404] : memref<2x128xi32, #tpu.memory_space<vmem>> -> memref<1x128xi32, #tpu.memory_space<vmem>>
      %dma_start3A_406 = tpu.memref_squeeze %dma_start3A_405 : memref<1x128xi32, #tpu.memory_space<vmem>> -> memref<128xi32, #tpu.memory_space<vmem>>
      %dma_start3A_407 = arith.constant 0 : i32
      %dma_start3A_408 = arith.constant 0 : i32
      %dma_start3A_409 = tpu.memref_slice %arg16[%dma_start3A_407, %dma_start3A_408] : memref<10000x128xf32, #tpu.memory_space<vmem_shared>> -> memref<10000x128xf32, #tpu.memory_space<vmem_shared>>
      tpu.enqueue_indirect_dma source(%dma_start3A_403 : memref<128x128xf32, #tpu.memory_space<vmem>>) target(%dma_start3A_409 : memref<10000x128xf32, #tpu.memory_space<vmem_shared>>) offsets(%dma_start3A_406 : memref<128xi32, #tpu.memory_space<vmem>>) semaphore(%arg19 : memref<!tpu.dma_semaphore, #tpu.memory_space<semaphore_mem>>) {add = true}
      %get3A_410 = arith.constant 1 : i32
      %get3A_411 = arith.index_cast %get3A_410 : i32 to index
      %get3A_412 = arith.constant 0 : index
      %get3A_413 = tpu.vector_load %arg9[%get3A_411, %get3A_412] {strides = array<i32>} : memref<2x128xf32, #tpu.memory_space<vmem>>, vector<16xf32>,
      %get3A_414 = arith.constant 1 : i32
      %get3A_415 = arith.index_cast %get3A_414 : i32 to index
      %get3A_416 = arith.constant 0 : index
      %get3A_417 = tpu.vector_load %arg10[%get3A_415, %get3A_416] {strides = array<i32>} : memref<2x128xi32, #tpu.memory_space<vmem>>, vector<16xi32>,
      tpu.vector_store_idx %arg15[%get3A_417], %get3A_413 {add = true} : memref<10000xf32, #tpu.memory_space<vmem>>[vector<16xi32>], vector<16xf32>,
      %get3A_418 = arith.constant 1 : i32
      %get3A_419 = arith.index_cast %get3A_418 : i32 to index
      %get3A_420 = arith.constant 16 : index
      %get3A_421 = tpu.vector_load %arg9[%get3A_419, %get3A_420] {strides = array<i32>} : memref<2x128xf32, #tpu.memory_space<vmem>>, vector<16xf32>,
      %get3A_422 = arith.constant 1 : i32
      %get3A_423 = arith.index_cast %get3A_422 : i32 to index
      %get3A_424 = arith.constant 16 : index
      %get3A_425 = tpu.vector_load %arg10[%get3A_423, %get3A_424] {strides = array<i32>} : memref<2x128xi32, #tpu.memory_space<vmem>>, vector<16xi32>,
      tpu.vector_store_idx %arg15[%get3A_425], %get3A_421 {add = true} : memref<10000xf32, #tpu.memory_space<vmem>>[vector<16xi32>], vector<16xf32>,
      %get3A_426 = arith.constant 1 : i32
      %get3A_427 = arith.index_cast %get3A_426 : i32 to index
      %get3A_428 = arith.constant 32 : index
      %get3A_429 = tpu.vector_load %arg9[%get3A_427, %get3A_428] {strides = array<i32>} : memref<2x128xf32, #tpu.memory_space<vmem>>, vector<16xf32>,
      %get3A_430 = arith.constant 1 : i32
      %get3A_431 = arith.index_cast %get3A_430 : i32 to index
      %get3A_432 = arith.constant 32 : index
      %get3A_433 = tpu.vector_load %arg10[%get3A_431, %get3A_432] {strides = array<i32>} : memref<2x128xi32, #tpu.memory_space<vmem>>, vector<16xi32>,
      tpu.vector_store_idx %arg15[%get3A_433], %get3A_429 {add = true} : memref<10000xf32, #tpu.memory_space<vmem>>[vector<16xi32>], vector<16xf32>,
      %get3A_434 = arith.constant 1 : i32
      %get3A_435 = arith.index_cast %get3A_434 : i32 to index
      %get3A_436 = arith.constant 48 : index
      %get3A_437 = tpu.vector_load %arg9[%get3A_435, %get3A_436] {strides = array<i32>} : memref<2x128xf32, #tpu.memory_space<vmem>>, vector<16xf32>,
      %get3A_438 = arith.constant 1 : i32
      %get3A_439 = arith.index_cast %get3A_438 : i32 to index
      %get3A_440 = arith.constant 48 : index
      %get3A_441 = tpu.vector_load %arg10[%get3A_439, %get3A_440] {strides = array<i32>} : memref<2x128xi32, #tpu.memory_space<vmem>>, vector<16xi32>,
      tpu.vector_store_idx %arg15[%get3A_441], %get3A_437 {add = true} : memref<10000xf32, #tpu.memory_space<vmem>>[vector<16xi32>], vector<16xf32>,
      %get3A_442 = arith.constant 1 : i32
      %get3A_443 = arith.index_cast %get3A_442 : i32 to index
      %get3A_444 = arith.constant 64 : index
      %get3A_445 = tpu.vector_load %arg9[%get3A_443, %get3A_444] {strides = array<i32>} : memref<2x128xf32, #tpu.memory_space<vmem>>, vector<16xf32>,
      %get3A_446 = arith.constant 1 : i32
      %get3A_447 = arith.index_cast %get3A_446 : i32 to index
      %get3A_448 = arith.constant 64 : index
      %get3A_449 = tpu.vector_load %arg10[%get3A_447, %get3A_448] {strides = array<i32>} : memref<2x128xi32, #tpu.memory_space<vmem>>, vector<16xi32>,
      tpu.vector_store_idx %arg15[%get3A_449], %get3A_445 {add = true} : memref<10000xf32, #tpu.memory_space<vmem>>[vector<16xi32>], vector<16xf32>,
      %get3A_450 = arith.constant 1 : i32
      %get3A_451 = arith.index_cast %get3A_450 : i32 to index
      %get3A_452 = arith.constant 80 : index
      %get3A_453 = tpu.vector_load %arg9[%get3A_451, %get3A_452] {strides = array<i32>} : memref<2x128xf32, #tpu.memory_space<vmem>>, vector<16xf32>,
      %get3A_454 = arith.constant 1 : i32
      %get3A_455 = arith.index_cast %get3A_454 : i32 to index
      %get3A_456 = arith.constant 80 : index
      %get3A_457 = tpu.vector_load %arg10[%get3A_455, %get3A_456] {strides = array<i32>} : memref<2x128xi32, #tpu.memory_space<vmem>>, vector<16xi32>,
      tpu.vector_store_idx %arg15[%get3A_457], %get3A_453 {add = true} : memref<10000xf32, #tpu.memory_space<vmem>>[vector<16xi32>], vector<16xf32>,
      %get3A_458 = arith.constant 1 : i32
      %get3A_459 = arith.index_cast %get3A_458 : i32 to index
      %get3A_460 = arith.constant 96 : index
      %get3A_461 = tpu.vector_load %arg9[%get3A_459, %get3A_460] {strides = array<i32>} : memref<2x128xf32, #tpu.memory_space<vmem>>, vector<16xf32>,
      %get3A_462 = arith.constant 1 : i32
      %get3A_463 = arith.index_cast %get3A_462 : i32 to index
      %get3A_464 = arith.constant 96 : index
      %get3A_465 = tpu.vector_load %arg10[%get3A_463, %get3A_464] {strides = array<i32>} : memref<2x128xi32, #tpu.memory_space<vmem>>, vector<16xi32>,
      tpu.vector_store_idx %arg15[%get3A_465], %get3A_461 {add = true} : memref<10000xf32, #tpu.memory_space<vmem>>[vector<16xi32>], vector<16xf32>,
      %get3A_466 = arith.constant 1 : i32
      %get3A_467 = arith.index_cast %get3A_466 : i32 to index
      %get3A_468 = arith.constant 112 : index
      %get3A_469 = tpu.vector_load %arg9[%get3A_467, %get3A_468] {strides = array<i32>} : memref<2x128xf32, #tpu.memory_space<vmem>>, vector<16xf32>,
      %get3A_470 = arith.constant 1 : i32
      %get3A_471 = arith.index_cast %get3A_470 : i32 to index
      %get3A_472 = arith.constant 112 : index
      %get3A_473 = tpu.vector_load %arg10[%get3A_471, %get3A_472] {strides = array<i32>} : memref<2x128xi32, #tpu.memory_space<vmem>>, vector<16xi32>,
      tpu.vector_store_idx %arg15[%get3A_473], %get3A_469 {add = true} : memref<10000xf32, #tpu.memory_space<vmem>>[vector<16xi32>], vector<16xf32>,
      %dma_wait3A_474 = arith.constant 1 : i32
      %dma_wait3A_475 = arith.constant 1 : i32
      %dma_wait3A_476 = arith.constant 0 : i32
      %dma_wait3A_477 = arith.constant 0 : i32
      %dma_wait3A_478 = tpu.memref_slice %arg8[%dma_wait3A_474, %dma_wait3A_476, %dma_wait3A_477] : memref<2x128x128xf32, #tpu.memory_space<vmem>> -> memref<1x128x128xf32, #tpu.memory_space<vmem>>
      %dma_wait3A_479 = tpu.memref_squeeze %dma_wait3A_478 : memref<1x128x128xf32, #tpu.memory_space<vmem>> -> memref<128x128xf32, #tpu.memory_space<vmem>>
      %dma_wait3A_480 = arith.constant 0 : i32
      %dma_wait3A_481 = tpu.memref_slice %arg10[%dma_wait3A_475, %dma_wait3A_480] : memref<2x128xi32, #tpu.memory_space<vmem>> -> memref<1x128xi32, #tpu.memory_space<vmem>>
      %dma_wait3A_482 = tpu.memref_squeeze %dma_wait3A_481 : memref<1x128xi32, #tpu.memory_space<vmem>> -> memref<128xi32, #tpu.memory_space<vmem>>
      %dma_wait3A_483 = arith.constant 0 : i32
      %dma_wait3A_484 = arith.constant 0 : i32
      %dma_wait3A_485 = tpu.memref_slice %arg16[%dma_wait3A_483, %dma_wait3A_484] : memref<10000x128xf32, #tpu.memory_space<vmem_shared>> -> memref<10000x128xf32, #tpu.memory_space<vmem_shared>>
      tpu.wait_indirect_dma semaphore(%arg19 : memref<!tpu.dma_semaphore, #tpu.memory_space<semaphore_mem>>) src(%dma_wait3A_479 : memref<128x128xf32, #tpu.memory_space<vmem>>) dst(%dma_wait3A_485 : memref<10000x128xf32, #tpu.memory_space<vmem_shared>>)
    }
    %scan3A_50 = arith.constant 19 : i32
    %add3A_51 = arith.constant 4864 : i32
    %add3A_52 = arith.addi %mul3A_2, %add3A_51 : i32
    %multiple_of3A_53 = tpu.assume_multiple %add3A_52, 8 : i32
    %dma_wait3A = arith.constant 0 : i32
    %dma_wait3A_54 = arith.constant 0 : i32
    %dma_wait3A_55 = tpu.memref_slice %arg10[%dma_wait3A, %dma_wait3A_54] : memref<2x128xi32, #tpu.memory_space<vmem>> -> memref<1x128xi32, #tpu.memory_space<vmem>>
    %dma_wait3A_56 = tpu.memref_squeeze %dma_wait3A_55 : memref<1x128xi32, #tpu.memory_space<vmem>> -> memref<128xi32, #tpu.memory_space<vmem>>
    %dma_wait3A_57 = tpu.memref_slice %arg4[%multiple_of3A_53] : memref<160000xi32, #tpu.memory_space<hbm>> -> memref<128xi32, #tpu.memory_space<hbm>>
    %dma_wait3A_58 = arith.constant 0 : i32
    %dma_wait3A_59 = tpu.memref_slice %arg10[%dma_wait3A, %dma_wait3A_58] : memref<2x128xi32, #tpu.memory_space<vmem>> -> memref<1x128xi32, #tpu.memory_space<vmem>>
    %dma_wait3A_60 = tpu.memref_squeeze %dma_wait3A_59 : memref<1x128xi32, #tpu.memory_space<vmem>> -> memref<128xi32, #tpu.memory_space<vmem>>
    %dma_wait3A_61 = tpu.memref_slice %arg4[%multiple_of3A_53] : memref<160000xi32, #tpu.memory_space<hbm>> -> memref<128xi32, #tpu.memory_space<hbm>>
    tpu.wait_dma2 semaphore(%arg17 : memref<!tpu.dma_semaphore, #tpu.memory_space<semaphore_mem>>) src(%dma_wait3A_61 : memref<128xi32, #tpu.memory_space<hbm>>) dst(%dma_wait3A_60 : memref<128xi32, #tpu.memory_space<vmem>>)
    %dma_wait3A_62 = arith.constant 0 : i32
    %dma_wait3A_63 = arith.constant 0 : i32
    %dma_wait3A_64 = arith.constant 0 : i32
    %dma_wait3A_65 = tpu.memref_slice %arg8[%dma_wait3A_62, %dma_wait3A_63, %dma_wait3A_64] : memref<2x128x128xf32, #tpu.memory_space<vmem>> -> memref<1x128x128xf32, #tpu.memory_space<vmem>>
    %dma_wait3A_66 = tpu.memref_squeeze %dma_wait3A_65 : memref<1x128x128xf32, #tpu.memory_space<vmem>> -> memref<128x128xf32, #tpu.memory_space<vmem>>
    %dma_wait3A_67 = arith.constant 0 : i32
    %dma_wait3A_68 = tpu.memref_slice %arg2[%multiple_of3A_53, %dma_wait3A_67] : memref<160000x128xf32, #tpu.memory_space<hbm>> -> memref<128x128xf32, #tpu.memory_space<hbm>>
    %dma_wait3A_69 = arith.constant 0 : i32
    %dma_wait3A_70 = arith.constant 0 : i32
    %dma_wait3A_71 = tpu.memref_slice %arg8[%dma_wait3A_62, %dma_wait3A_69, %dma_wait3A_70] : memref<2x128x128xf32, #tpu.memory_space<vmem>> -> memref<1x128x128xf32, #tpu.memory_space<vmem>>
    %dma_wait3A_72 = tpu.memref_squeeze %dma_wait3A_71 : memref<1x128x128xf32, #tpu.memory_space<vmem>> -> memref<128x128xf32, #tpu.memory_space<vmem>>
    %dma_wait3A_73 = arith.constant 0 : i32
    %dma_wait3A_74 = tpu.memref_slice %arg2[%multiple_of3A_53, %dma_wait3A_73] : memref<160000x128xf32, #tpu.memory_space<hbm>> -> memref<128x128xf32, #tpu.memory_space<hbm>>
    tpu.wait_dma2 semaphore(%arg17 : memref<!tpu.dma_semaphore, #tpu.memory_space<semaphore_mem>>) src(%dma_wait3A_74 : memref<128x128xf32, #tpu.memory_space<hbm>>) dst(%dma_wait3A_72 : memref<128x128xf32, #tpu.memory_space<vmem>>)
    %dma_wait3A_75 = arith.constant 0 : i32
    %dma_wait3A_76 = arith.constant 0 : i32
    %dma_wait3A_77 = tpu.memref_slice %arg9[%dma_wait3A_75, %dma_wait3A_76] : memref<2x128xf32, #tpu.memory_space<vmem>> -> memref<1x128xf32, #tpu.memory_space<vmem>>
    %dma_wait3A_78 = tpu.memref_squeeze %dma_wait3A_77 : memref<1x128xf32, #tpu.memory_space<vmem>> -> memref<128xf32, #tpu.memory_space<vmem>>
    %dma_wait3A_79 = tpu.memref_slice %arg3[%multiple_of3A_53] : memref<160000xf32, #tpu.memory_space<hbm>> -> memref<128xf32, #tpu.memory_space<hbm>>
    %dma_wait3A_80 = arith.constant 0 : i32
    %dma_wait3A_81 = tpu.memref_slice %arg9[%dma_wait3A_75, %dma_wait3A_80] : memref<2x128xf32, #tpu.memory_space<vmem>> -> memref<1x128xf32, #tpu.memory_space<vmem>>
    %dma_wait3A_82 = tpu.memref_squeeze %dma_wait3A_81 : memref<1x128xf32, #tpu.memory_space<vmem>> -> memref<128xf32, #tpu.memory_space<vmem>>
    %dma_wait3A_83 = tpu.memref_slice %arg3[%multiple_of3A_53] : memref<160000xf32, #tpu.memory_space<hbm>> -> memref<128xf32, #tpu.memory_space<hbm>>
    tpu.wait_dma2 semaphore(%arg17 : memref<!tpu.dma_semaphore, #tpu.memory_space<semaphore_mem>>) src(%dma_wait3A_83 : memref<128xf32, #tpu.memory_space<hbm>>) dst(%dma_wait3A_82 : memref<128xf32, #tpu.memory_space<vmem>>)
    %dma_start3A_84 = arith.constant 0 : i32
    %dma_start3A_85 = arith.constant 0 : i32
    %dma_start3A_86 = arith.constant 0 : i32
    %dma_start3A_87 = arith.constant 0 : i32
    %dma_start3A_88 = tpu.memref_slice %arg8[%dma_start3A_84, %dma_start3A_86, %dma_start3A_87] : memref<2x128x128xf32, #tpu.memory_space<vmem>> -> memref<1x128x128xf32, #tpu.memory_space<vmem>>
    %dma_start3A_89 = tpu.memref_squeeze %dma_start3A_88 : memref<1x128x128xf32, #tpu.memory_space<vmem>> -> memref<128x128xf32, #tpu.memory_space<vmem>>
    %dma_start3A_90 = arith.constant 0 : i32
    %dma_start3A_91 = tpu.memref_slice %arg10[%dma_start3A_85, %dma_start3A_90] : memref<2x128xi32, #tpu.memory_space<vmem>> -> memref<1x128xi32, #tpu.memory_space<vmem>>
    %dma_start3A_92 = tpu.memref_squeeze %dma_start3A_91 : memref<1x128xi32, #tpu.memory_space<vmem>> -> memref<128xi32, #tpu.memory_space<vmem>>
    %dma_start3A_93 = arith.constant 0 : i32
    %dma_start3A_94 = arith.constant 0 : i32
    %dma_start3A_95 = tpu.memref_slice %arg16[%dma_start3A_93, %dma_start3A_94] : memref<10000x128xf32, #tpu.memory_space<vmem_shared>> -> memref<10000x128xf32, #tpu.memory_space<vmem_shared>>
    tpu.enqueue_indirect_dma source(%dma_start3A_89 : memref<128x128xf32, #tpu.memory_space<vmem>>) target(%dma_start3A_95 : memref<10000x128xf32, #tpu.memory_space<vmem_shared>>) offsets(%dma_start3A_92 : memref<128xi32, #tpu.memory_space<vmem>>) semaphore(%arg19 : memref<!tpu.dma_semaphore, #tpu.memory_space<semaphore_mem>>) {add = true}
    %get3A = arith.constant 0 : i32
    %get3A_96 = arith.index_cast %get3A : i32 to index
    %get3A_97 = arith.constant 0 : index
    %get3A_98 = tpu.vector_load %arg9[%get3A_96, %get3A_97] {strides = array<i32>} : memref<2x128xf32, #tpu.memory_space<vmem>>, vector<16xf32>,
    %get3A_99 = arith.constant 0 : i32
    %get3A_100 = arith.index_cast %get3A_99 : i32 to index
    %get3A_101 = arith.constant 0 : index
    %get3A_102 = tpu.vector_load %arg10[%get3A_100, %get3A_101] {strides = array<i32>} : memref<2x128xi32, #tpu.memory_space<vmem>>, vector<16xi32>,
    tpu.vector_store_idx %arg15[%get3A_102], %get3A_98 {add = true} : memref<10000xf32, #tpu.memory_space<vmem>>[vector<16xi32>], vector<16xf32>,
    %get3A_103 = arith.constant 0 : i32
    %get3A_104 = arith.index_cast %get3A_103 : i32 to index
    %get3A_105 = arith.constant 16 : index
    %get3A_106 = tpu.vector_load %arg9[%get3A_104, %get3A_105] {strides = array<i32>} : memref<2x128xf32, #tpu.memory_space<vmem>>, vector<16xf32>,
    %get3A_107 = arith.constant 0 : i32
    %get3A_108 = arith.index_cast %get3A_107 : i32 to index
    %get3A_109 = arith.constant 16 : index
    %get3A_110 = tpu.vector_load %arg10[%get3A_108, %get3A_109] {strides = array<i32>} : memref<2x128xi32, #tpu.memory_space<vmem>>, vector<16xi32>,
    tpu.vector_store_idx %arg15[%get3A_110], %get3A_106 {add = true} : memref<10000xf32, #tpu.memory_space<vmem>>[vector<16xi32>], vector<16xf32>,
    %get3A_111 = arith.constant 0 : i32
    %get3A_112 = arith.index_cast %get3A_111 : i32 to index
    %get3A_113 = arith.constant 32 : index
    %get3A_114 = tpu.vector_load %arg9[%get3A_112, %get3A_113] {strides = array<i32>} : memref<2x128xf32, #tpu.memory_space<vmem>>, vector<16xf32>,
    %get3A_115 = arith.constant 0 : i32
    %get3A_116 = arith.index_cast %get3A_115 : i32 to index
    %get3A_117 = arith.constant 32 : index
    %get3A_118 = tpu.vector_load %arg10[%get3A_116, %get3A_117] {strides = array<i32>} : memref<2x128xi32, #tpu.memory_space<vmem>>, vector<16xi32>,
    tpu.vector_store_idx %arg15[%get3A_118], %get3A_114 {add = true} : memref<10000xf32, #tpu.memory_space<vmem>>[vector<16xi32>], vector<16xf32>,
    %get3A_119 = arith.constant 0 : i32
    %get3A_120 = arith.index_cast %get3A_119 : i32 to index
    %get3A_121 = arith.constant 48 : index
    %get3A_122 = tpu.vector_load %arg9[%get3A_120, %get3A_121] {strides = array<i32>} : memref<2x128xf32, #tpu.memory_space<vmem>>, vector<16xf32>,
    %get3A_123 = arith.constant 0 : i32
    %get3A_124 = arith.index_cast %get3A_123 : i32 to index
    %get3A_125 = arith.constant 48 : index
    %get3A_126 = tpu.vector_load %arg10[%get3A_124, %get3A_125] {strides = array<i32>} : memref<2x128xi32, #tpu.memory_space<vmem>>, vector<16xi32>,
    tpu.vector_store_idx %arg15[%get3A_126], %get3A_122 {add = true} : memref<10000xf32, #tpu.memory_space<vmem>>[vector<16xi32>], vector<16xf32>,
    %get3A_127 = arith.constant 0 : i32
    %get3A_128 = arith.index_cast %get3A_127 : i32 to index
    %get3A_129 = arith.constant 64 : index
    %get3A_130 = tpu.vector_load %arg9[%get3A_128, %get3A_129] {strides = array<i32>} : memref<2x128xf32, #tpu.memory_space<vmem>>, vector<16xf32>,
    %get3A_131 = arith.constant 0 : i32
    %get3A_132 = arith.index_cast %get3A_131 : i32 to index
    %get3A_133 = arith.constant 64 : index
    %get3A_134 = tpu.vector_load %arg10[%get3A_132, %get3A_133] {strides = array<i32>} : memref<2x128xi32, #tpu.memory_space<vmem>>, vector<16xi32>,
    tpu.vector_store_idx %arg15[%get3A_134], %get3A_130 {add = true} : memref<10000xf32, #tpu.memory_space<vmem>>[vector<16xi32>], vector<16xf32>,
    %get3A_135 = arith.constant 0 : i32
    %get3A_136 = arith.index_cast %get3A_135 : i32 to index
    %get3A_137 = arith.constant 80 : index
    %get3A_138 = tpu.vector_load %arg9[%get3A_136, %get3A_137] {strides = array<i32>} : memref<2x128xf32, #tpu.memory_space<vmem>>, vector<16xf32>,
    %get3A_139 = arith.constant 0 : i32
    %get3A_140 = arith.index_cast %get3A_139 : i32 to index
    %get3A_141 = arith.constant 80 : index
    %get3A_142 = tpu.vector_load %arg10[%get3A_140, %get3A_141] {strides = array<i32>} : memref<2x128xi32, #tpu.memory_space<vmem>>, vector<16xi32>,
    tpu.vector_store_idx %arg15[%get3A_142], %get3A_138 {add = true} : memref<10000xf32, #tpu.memory_space<vmem>>[vector<16xi32>], vector<16xf32>,
    %get3A_143 = arith.constant 0 : i32
    %get3A_144 = arith.index_cast %get3A_143 : i32 to index
    %get3A_145 = arith.constant 96 : index
    %get3A_146 = tpu.vector_load %arg9[%get3A_144, %get3A_145] {strides = array<i32>} : memref<2x128xf32, #tpu.memory_space<vmem>>, vector<16xf32>,
    %get3A_147 = arith.constant 0 : i32
    %get3A_148 = arith.index_cast %get3A_147 : i32 to index
    %get3A_149 = arith.constant 96 : index
    %get3A_150 = tpu.vector_load %arg10[%get3A_148, %get3A_149] {strides = array<i32>} : memref<2x128xi32, #tpu.memory_space<vmem>>, vector<16xi32>,
    tpu.vector_store_idx %arg15[%get3A_150], %get3A_146 {add = true} : memref<10000xf32, #tpu.memory_space<vmem>>[vector<16xi32>], vector<16xf32>,
    %get3A_151 = arith.constant 0 : i32
    %get3A_152 = arith.index_cast %get3A_151 : i32 to index
    %get3A_153 = arith.constant 112 : index
    %get3A_154 = tpu.vector_load %arg9[%get3A_152, %get3A_153] {strides = array<i32>} : memref<2x128xf32, #tpu.memory_space<vmem>>, vector<16xf32>,
    %get3A_155 = arith.constant 0 : i32
    %get3A_156 = arith.index_cast %get3A_155 : i32 to index
    %get3A_157 = arith.constant 112 : index
    %get3A_158 = tpu.vector_load %arg10[%get3A_156, %get3A_157] {strides = array<i32>} : memref<2x128xi32, #tpu.memory_space<vmem>>, vector<16xi32>,
    tpu.vector_store_idx %arg15[%get3A_158], %get3A_154 {add = true} : memref<10000xf32, #tpu.memory_space<vmem>>[vector<16xi32>], vector<16xf32>,
    %dma_wait3A_159 = arith.constant 0 : i32
    %dma_wait3A_160 = arith.constant 0 : i32
    %dma_wait3A_161 = arith.constant 0 : i32
    %dma_wait3A_162 = arith.constant 0 : i32
    %dma_wait3A_163 = tpu.memref_slice %arg8[%dma_wait3A_159, %dma_wait3A_161, %dma_wait3A_162] : memref<2x128x128xf32, #tpu.memory_space<vmem>> -> memref<1x128x128xf32, #tpu.memory_space<vmem>>
    %dma_wait3A_164 = tpu.memref_squeeze %dma_wait3A_163 : memref<1x128x128xf32, #tpu.memory_space<vmem>> -> memref<128x128xf32, #tpu.memory_space<vmem>>
    %dma_wait3A_165 = arith.constant 0 : i32
    %dma_wait3A_166 = tpu.memref_slice %arg10[%dma_wait3A_160, %dma_wait3A_165] : memref<2x128xi32, #tpu.memory_space<vmem>> -> memref<1x128xi32, #tpu.memory_space<vmem>>
    %dma_wait3A_167 = tpu.memref_squeeze %dma_wait3A_166 : memref<1x128xi32, #tpu.memory_space<vmem>> -> memref<128xi32, #tpu.memory_space<vmem>>
    %dma_wait3A_168 = arith.constant 0 : i32
    %dma_wait3A_169 = arith.constant 0 : i32
    %dma_wait3A_170 = tpu.memref_slice %arg16[%dma_wait3A_168, %dma_wait3A_169] : memref<10000x128xf32, #tpu.memory_space<vmem_shared>> -> memref<10000x128xf32, #tpu.memory_space<vmem_shared>>
    tpu.wait_indirect_dma semaphore(%arg19 : memref<!tpu.dma_semaphore, #tpu.memory_space<semaphore_mem>>) src(%dma_wait3A_164 : memref<128x128xf32, #tpu.memory_space<vmem>>) dst(%dma_wait3A_170 : memref<10000x128xf32, #tpu.memory_space<vmem_shared>>)
    %add3A_171 = arith.constant 4992 : i32
    %add3A_172 = arith.addi %mul3A_2, %add3A_171 : i32
    %multiple_of3A_173 = tpu.assume_multiple %add3A_172, 8 : i32
    "tpu.region"() ({
      %run_scoped3A = tpu.sem_alloc : memref<!tpu.dma_semaphore, #tpu.memory_space<semaphore_mem>>
      %dma_start3A_189 = tpu.memref_slice %arg4[%multiple_of3A_173] : memref<160000xi32, #tpu.memory_space<hbm>> -> memref<8xi32, #tpu.memory_space<hbm>>
      %dma_start3A_190 = tpu.memref_slice %arg4[%multiple_of3A_173] : memref<160000xi32, #tpu.memory_space<hbm>> -> memref<8xi32, #tpu.memory_space<hbm>>
      tpu.enqueue_dma source(%dma_start3A_190 : memref<8xi32, #tpu.memory_space<hbm>>) target(%arg13 : memref<8xi32, #tpu.memory_space<vmem>>) target_semaphore(%run_scoped3A : memref<!tpu.dma_semaphore, #tpu.memory_space<semaphore_mem>>)
      %dma_wait3A_191 = tpu.memref_slice %arg4[%multiple_of3A_173] : memref<160000xi32, #tpu.memory_space<hbm>> -> memref<8xi32, #tpu.memory_space<hbm>>
      %dma_wait3A_192 = tpu.memref_slice %arg4[%multiple_of3A_173] : memref<160000xi32, #tpu.memory_space<hbm>> -> memref<8xi32, #tpu.memory_space<hbm>>
      tpu.wait_dma2 semaphore(%run_scoped3A : memref<!tpu.dma_semaphore, #tpu.memory_space<semaphore_mem>>) src(%dma_wait3A_192 : memref<8xi32, #tpu.memory_space<hbm>>) dst(%arg13 : memref<8xi32, #tpu.memory_space<vmem>>)
      tpu.yield
    }) : () -> ()
    "tpu.region"() ({
      %run_scoped3A = tpu.sem_alloc : memref<!tpu.dma_semaphore, #tpu.memory_space<semaphore_mem>>
      %dma_start3A_189 = arith.constant 0 : i32
      %dma_start3A_190 = tpu.memref_slice %arg14[%dma_start3A_189] : memref<16xi32, #tpu.memory_space<vmem>> -> memref<8xi32, #tpu.memory_space<vmem>>
      %dma_start3A_191 = tpu.memref_slice %arg4[%multiple_of3A_173] : memref<160000xi32, #tpu.memory_space<hbm>> -> memref<8xi32, #tpu.memory_space<hbm>>
      %dma_start3A_192 = arith.constant 0 : i32
      %dma_start3A_193 = tpu.memref_slice %arg14[%dma_start3A_192] : memref<16xi32, #tpu.memory_space<vmem>> -> memref<8xi32, #tpu.memory_space<vmem>>
      %dma_start3A_194 = tpu.memref_slice %arg4[%multiple_of3A_173] : memref<160000xi32, #tpu.memory_space<hbm>> -> memref<8xi32, #tpu.memory_space<hbm>>
      tpu.enqueue_dma source(%dma_start3A_194 : memref<8xi32, #tpu.memory_space<hbm>>) target(%dma_start3A_193 : memref<8xi32, #tpu.memory_space<vmem>>) target_semaphore(%run_scoped3A : memref<!tpu.dma_semaphore, #tpu.memory_space<semaphore_mem>>)
      %dma_wait3A_195 = arith.constant 0 : i32
      %dma_wait3A_196 = tpu.memref_slice %arg14[%dma_wait3A_195] : memref<16xi32, #tpu.memory_space<vmem>> -> memref<8xi32, #tpu.memory_space<vmem>>
      %dma_wait3A_197 = tpu.memref_slice %arg4[%multiple_of3A_173] : memref<160000xi32, #tpu.memory_space<hbm>> -> memref<8xi32, #tpu.memory_space<hbm>>
      %dma_wait3A_198 = arith.constant 0 : i32
      %dma_wait3A_199 = tpu.memref_slice %arg14[%dma_wait3A_198] : memref<16xi32, #tpu.memory_space<vmem>> -> memref<8xi32, #tpu.memory_space<vmem>>
      %dma_wait3A_200 = tpu.memref_slice %arg4[%multiple_of3A_173] : memref<160000xi32, #tpu.memory_space<hbm>> -> memref<8xi32, #tpu.memory_space<hbm>>
      tpu.wait_dma2 semaphore(%run_scoped3A : memref<!tpu.dma_semaphore, #tpu.memory_space<semaphore_mem>>) src(%dma_wait3A_200 : memref<8xi32, #tpu.memory_space<hbm>>) dst(%dma_wait3A_199 : memref<8xi32, #tpu.memory_space<vmem>>)
      tpu.yield
    }) : () -> ()
    "tpu.region"() ({
      %run_scoped3A = tpu.sem_alloc : memref<!tpu.dma_semaphore, #tpu.memory_space<semaphore_mem>>
      %dma_start3A_189 = arith.constant 0 : i32
      %dma_start3A_190 = tpu.memref_slice %arg2[%multiple_of3A_173, %dma_start3A_189] : memref<160000x128xf32, #tpu.memory_space<hbm>> -> memref<8x128xf32, #tpu.memory_space<hbm>>
      %dma_start3A_191 = arith.constant 0 : i32
      %dma_start3A_192 = tpu.memref_slice %arg2[%multiple_of3A_173, %dma_start3A_191] : memref<160000x128xf32, #tpu.memory_space<hbm>> -> memref<8x128xf32, #tpu.memory_space<hbm>>
      tpu.enqueue_dma source(%dma_start3A_192 : memref<8x128xf32, #tpu.memory_space<hbm>>) target(%arg11 : memref<8x128xf32, #tpu.memory_space<vmem>>) target_semaphore(%run_scoped3A : memref<!tpu.dma_semaphore, #tpu.memory_space<semaphore_mem>>)
      %dma_wait3A_193 = arith.constant 0 : i32
      %dma_wait3A_194 = tpu.memref_slice %arg2[%multiple_of3A_173, %dma_wait3A_193] : memref<160000x128xf32, #tpu.memory_space<hbm>> -> memref<8x128xf32, #tpu.memory_space<hbm>>
      %dma_wait3A_195 = arith.constant 0 : i32
      %dma_wait3A_196 = tpu.memref_slice %arg2[%multiple_of3A_173, %dma_wait3A_195] : memref<160000x128xf32, #tpu.memory_space<hbm>> -> memref<8x128xf32, #tpu.memory_space<hbm>>
      tpu.wait_dma2 semaphore(%run_scoped3A : memref<!tpu.dma_semaphore, #tpu.memory_space<semaphore_mem>>) src(%dma_wait3A_196 : memref<8x128xf32, #tpu.memory_space<hbm>>) dst(%arg11 : memref<8x128xf32, #tpu.memory_space<vmem>>)
      tpu.yield
    }) : () -> ()
    "tpu.region"() ({
      %run_scoped3A = tpu.sem_alloc : memref<!tpu.dma_semaphore, #tpu.memory_space<semaphore_mem>>
      %dma_start3A_189 = arith.constant 0 : i32
      %dma_start3A_190 = tpu.memref_slice %arg12[%dma_start3A_189] : memref<16xf32, #tpu.memory_space<vmem>> -> memref<8xf32, #tpu.memory_space<vmem>>
      %dma_start3A_191 = tpu.memref_slice %arg3[%multiple_of3A_173] : memref<160000xf32, #tpu.memory_space<hbm>> -> memref<8xf32, #tpu.memory_space<hbm>>
      %dma_start3A_192 = arith.constant 0 : i32
      %dma_start3A_193 = tpu.memref_slice %arg12[%dma_start3A_192] : memref<16xf32, #tpu.memory_space<vmem>> -> memref<8xf32, #tpu.memory_space<vmem>>
      %dma_start3A_194 = tpu.memref_slice %arg3[%multiple_of3A_173] : memref<160000xf32, #tpu.memory_space<hbm>> -> memref<8xf32, #tpu.memory_space<hbm>>
      tpu.enqueue_dma source(%dma_start3A_194 : memref<8xf32, #tpu.memory_space<hbm>>) target(%dma_start3A_193 : memref<8xf32, #tpu.memory_space<vmem>>) target_semaphore(%run_scoped3A : memref<!tpu.dma_semaphore, #tpu.memory_space<semaphore_mem>>)
      %dma_wait3A_195 = arith.constant 0 : i32
      %dma_wait3A_196 = tpu.memref_slice %arg12[%dma_wait3A_195] : memref<16xf32, #tpu.memory_space<vmem>> -> memref<8xf32, #tpu.memory_space<vmem>>
      %dma_wait3A_197 = tpu.memref_slice %arg3[%multiple_of3A_173] : memref<160000xf32, #tpu.memory_space<hbm>> -> memref<8xf32, #tpu.memory_space<hbm>>
      %dma_wait3A_198 = arith.constant 0 : i32
      %dma_wait3A_199 = tpu.memref_slice %arg12[%dma_wait3A_198] : memref<16xf32, #tpu.memory_space<vmem>> -> memref<8xf32, #tpu.memory_space<vmem>>
      %dma_wait3A_200 = tpu.memref_slice %arg3[%multiple_of3A_173] : memref<160000xf32, #tpu.memory_space<hbm>> -> memref<8xf32, #tpu.memory_space<hbm>>
      tpu.wait_dma2 semaphore(%run_scoped3A : memref<!tpu.dma_semaphore, #tpu.memory_space<semaphore_mem>>) src(%dma_wait3A_200 : memref<8xf32, #tpu.memory_space<hbm>>) dst(%dma_wait3A_199 : memref<8xf32, #tpu.memory_space<vmem>>)
      tpu.yield
    }) : () -> ()
    "tpu.region"() ({
      %run_scoped3A = tpu.sem_alloc : memref<!tpu.dma_semaphore, #tpu.memory_space<semaphore_mem>>
      %dma_start3A_189 = arith.constant 0 : i32
      %dma_start3A_190 = arith.constant 0 : i32
      %dma_start3A_191 = tpu.memref_slice %arg16[%dma_start3A_189, %dma_start3A_190] : memref<10000x128xf32, #tpu.memory_space<vmem_shared>> -> memref<10000x128xf32, #tpu.memory_space<vmem_shared>>
      tpu.enqueue_indirect_dma source(%arg11 : memref<8x128xf32, #tpu.memory_space<vmem>>) target(%dma_start3A_191 : memref<10000x128xf32, #tpu.memory_space<vmem_shared>>) offsets(%arg13 : memref<8xi32, #tpu.memory_space<vmem>>) semaphore(%run_scoped3A : memref<!tpu.dma_semaphore, #tpu.memory_space<semaphore_mem>>) {add = true}
      %dma_wait3A_192 = arith.constant 0 : i32
      %dma_wait3A_193 = arith.constant 0 : i32
      %dma_wait3A_194 = tpu.memref_slice %arg16[%dma_wait3A_192, %dma_wait3A_193] : memref<10000x128xf32, #tpu.memory_space<vmem_shared>> -> memref<10000x128xf32, #tpu.memory_space<vmem_shared>>
      tpu.wait_indirect_dma semaphore(%run_scoped3A : memref<!tpu.dma_semaphore, #tpu.memory_space<semaphore_mem>>) src(%arg11 : memref<8x128xf32, #tpu.memory_space<vmem>>) dst(%dma_wait3A_194 : memref<10000x128xf32, #tpu.memory_space<vmem_shared>>)
      tpu.yield
    }) : () -> ()
    %get3A_174 = arith.constant 0 : index
    %get3A_175 = tpu.vector_load %arg12[%get3A_174] {strides = array<i32>} : memref<16xf32, #tpu.memory_space<vmem>>, vector<16xf32>,
    %get3A_176 = arith.constant 0 : index
    %get3A_177 = tpu.vector_load %arg14[%get3A_176] {strides = array<i32>} : memref<16xi32, #tpu.memory_space<vmem>>, vector<16xi32>,
    %iota3A = tpu.iota {dimensions = array<i32: 0>} : vector<16xi32>
    %add3A_178 = arith.constant 0 : i32
    %add3A_179 = vector.broadcast %add3A_178 : i32 to vector<16xi32>
    %add3A_180 = arith.addi %iota3A, %add3A_179 : vector<16xi32>
    %lt3A = arith.constant 8 : i32
    %lt3A_181 = vector.broadcast %lt3A : i32 to vector<16xi32>
    %lt3A_182 = arith.cmpi slt, %add3A_180, %lt3A_181 : vector<16xi32>
    tpu.vector_store_idx %arg15[%get3A_177], %get3A_175 masked %lt3A_182 {add = true} : memref<10000xf32, #tpu.memory_space<vmem>>[vector<16xi32>], vector<16xf32>, vector<16xi1>
    %barrier3A_183 = arith.constant 0 : index
    tpu.barrier barrier_id(%barrier3A_183)
    "tpu.region"() ({
      %run_scoped3A = tpu.sem_alloc : memref<!tpu.dma_semaphore, #tpu.memory_space<semaphore_mem>>
      %dma_start3A_189 = arith.constant 0 : i32
      %dma_start3A_190 = tpu.memref_slice %arg6[%arg0, %mul3A_4, %dma_start3A_189] : memref<2x10000x128xf32, #tpu.memory_space<hbm>> -> memref<1x624x128xf32, #tpu.memory_space<hbm>>
      %dma_start3A_191 = tpu.memref_squeeze %dma_start3A_190 : memref<1x624x128xf32, #tpu.memory_space<hbm>> -> memref<624x128xf32, #tpu.memory_space<hbm>>
      %dma_start3A_192 = arith.constant 0 : i32
      %dma_start3A_193 = tpu.memref_slice %arg16[%mul3A_4, %dma_start3A_192] : memref<10000x128xf32, #tpu.memory_space<vmem_shared>> -> memref<624x128xf32, #tpu.memory_space<vmem_shared>>
      tpu.enqueue_dma source(%dma_start3A_193 : memref<624x128xf32, #tpu.memory_space<vmem_shared>>) target(%dma_start3A_191 : memref<624x128xf32, #tpu.memory_space<hbm>>) target_semaphore(%run_scoped3A : memref<!tpu.dma_semaphore, #tpu.memory_space<semaphore_mem>>)
      %dma_wait3A_194 = arith.constant 0 : i32
      %dma_wait3A_195 = tpu.memref_slice %arg6[%arg0, %mul3A_4, %dma_wait3A_194] : memref<2x10000x128xf32, #tpu.memory_space<hbm>> -> memref<1x624x128xf32, #tpu.memory_space<hbm>>
      %dma_wait3A_196 = tpu.memref_squeeze %dma_wait3A_195 : memref<1x624x128xf32, #tpu.memory_space<hbm>> -> memref<624x128xf32, #tpu.memory_space<hbm>>
      %dma_wait3A_197 = arith.constant 0 : i32
      %dma_wait3A_198 = tpu.memref_slice %arg16[%mul3A_4, %dma_wait3A_197] : memref<10000x128xf32, #tpu.memory_space<vmem_shared>> -> memref<624x128xf32, #tpu.memory_space<vmem_shared>>
      tpu.wait_dma2 semaphore(%run_scoped3A : memref<!tpu.dma_semaphore, #tpu.memory_space<semaphore_mem>>) src(%dma_wait3A_198 : memref<624x128xf32, #tpu.memory_space<vmem_shared>>) dst(%dma_wait3A_196 : memref<624x128xf32, #tpu.memory_space<hbm>>)
      tpu.yield
    }) : () -> ()
    %eq3A_184 = arith.constant 15 : i32
    %eq3A_185 = arith.cmpi eq, %arg1, %eq3A_184 : i32
    %convert_element_type3A_186 = arith.extui %eq3A_185 : i1 to i32
    %cond3A_187 = arith.constant 0 : i32
    %cond3A_188 = arith.cmpi ne, %convert_element_type3A_186, %cond3A_187 : i32
    scf.if %cond3A_188 {
      "tpu.region"() ({
        %run_scoped3A = tpu.sem_alloc : memref<!tpu.dma_semaphore, #tpu.memory_space<semaphore_mem>>
        %dma_start3A_189 = arith.constant 9984 : i32
        %dma_start3A_190 = arith.constant 0 : i32
        %dma_start3A_191 = tpu.memref_slice %arg6[%arg0, %dma_start3A_189, %dma_start3A_190] : memref<2x10000x128xf32, #tpu.memory_space<hbm>> -> memref<1x16x128xf32, #tpu.memory_space<hbm>>
        %dma_start3A_192 = tpu.memref_squeeze %dma_start3A_191 : memref<1x16x128xf32, #tpu.memory_space<hbm>> -> memref<16x128xf32, #tpu.memory_space<hbm>>
        %dma_start3A_193 = arith.constant 9984 : i32
        %dma_start3A_194 = arith.constant 0 : i32
        %dma_start3A_195 = tpu.memref_slice %arg16[%dma_start3A_193, %dma_start3A_194] : memref<10000x128xf32, #tpu.memory_space<vmem_shared>> -> memref<16x128xf32, #tpu.memory_space<vmem_shared>>
        tpu.enqueue_dma source(%dma_start3A_195 : memref<16x128xf32, #tpu.memory_space<vmem_shared>>) target(%dma_start3A_192 : memref<16x128xf32, #tpu.memory_space<hbm>>) target_semaphore(%run_scoped3A : memref<!tpu.dma_semaphore, #tpu.memory_space<semaphore_mem>>)
        %dma_wait3A_196 = arith.constant 9984 : i32
        %dma_wait3A_197 = arith.constant 0 : i32
        %dma_wait3A_198 = tpu.memref_slice %arg6[%arg0, %dma_wait3A_196, %dma_wait3A_197] : memref<2x10000x128xf32, #tpu.memory_space<hbm>> -> memref<1x16x128xf32, #tpu.memory_space<hbm>>
        %dma_wait3A_199 = tpu.memref_squeeze %dma_wait3A_198 : memref<1x16x128xf32, #tpu.memory_space<hbm>> -> memref<16x128xf32, #tpu.memory_space<hbm>>
        %dma_wait3A_200 = arith.constant 9984 : i32
        %dma_wait3A_201 = arith.constant 0 : i32
        %dma_wait3A_202 = tpu.memref_slice %arg16[%dma_wait3A_200, %dma_wait3A_201] : memref<10000x128xf32, #tpu.memory_space<vmem_shared>> -> memref<16x128xf32, #tpu.memory_space<vmem_shared>>
        tpu.wait_dma2 semaphore(%run_scoped3A : memref<!tpu.dma_semaphore, #tpu.memory_space<semaphore_mem>>) src(%dma_wait3A_202 : memref<16x128xf32, #tpu.memory_space<vmem_shared>>) dst(%dma_wait3A_199 : memref<16x128xf32, #tpu.memory_space<hbm>>)
        tpu.yield
      }) : () -> ()
    } else {
    }
    "tpu.region"() ({
      %run_scoped3A = tpu.sem_alloc : memref<!tpu.dma_semaphore, #tpu.memory_space<semaphore_mem>>
      %dma_start3A_189 = arith.constant 0 : i32
      %dma_start3A_190 = tpu.memref_slice %arg7[%add3A, %dma_start3A_189] : memref<32x10000xf32, #tpu.memory_space<hbm>> -> memref<1x10000xf32, #tpu.memory_space<hbm>>
      %dma_start3A_191 = tpu.memref_squeeze %dma_start3A_190 : memref<1x10000xf32, #tpu.memory_space<hbm>> -> memref<10000xf32, #tpu.memory_space<hbm>>
      %dma_start3A_192 = arith.constant 0 : i32
      %dma_start3A_193 = tpu.memref_slice %arg7[%add3A, %dma_start3A_192] : memref<32x10000xf32, #tpu.memory_space<hbm>> -> memref<1x10000xf32, #tpu.memory_space<hbm>>
      %dma_start3A_194 = tpu.memref_squeeze %dma_start3A_193 : memref<1x10000xf32, #tpu.memory_space<hbm>> -> memref<10000xf32, #tpu.memory_space<hbm>>
      tpu.enqueue_dma source(%arg15 : memref<10000xf32, #tpu.memory_space<vmem>>) target(%dma_start3A_194 : memref<10000xf32, #tpu.memory_space<hbm>>) target_semaphore(%run_scoped3A : memref<!tpu.dma_semaphore, #tpu.memory_space<semaphore_mem>>)
      %dma_wait3A_195 = arith.constant 0 : i32
      %dma_wait3A_196 = tpu.memref_slice %arg7[%add3A, %dma_wait3A_195] : memref<32x10000xf32, #tpu.memory_space<hbm>> -> memref<1x10000xf32, #tpu.memory_space<hbm>>
      %dma_wait3A_197 = tpu.memref_squeeze %dma_wait3A_196 : memref<1x10000xf32, #tpu.memory_space<hbm>> -> memref<10000xf32, #tpu.memory_space<hbm>>
      %dma_wait3A_198 = arith.constant 0 : i32
      %dma_wait3A_199 = tpu.memref_slice %arg7[%add3A, %dma_wait3A_198] : memref<32x10000xf32, #tpu.memory_space<hbm>> -> memref<1x10000xf32, #tpu.memory_space<hbm>>
      %dma_wait3A_200 = tpu.memref_squeeze %dma_wait3A_199 : memref<1x10000xf32, #tpu.memory_space<hbm>> -> memref<10000xf32, #tpu.memory_space<hbm>>
      tpu.wait_dma2 semaphore(%run_scoped3A : memref<!tpu.dma_semaphore, #tpu.memory_space<semaphore_mem>>) src(%arg15 : memref<10000xf32, #tpu.memory_space<vmem>>) dst(%dma_wait3A_200 : memref<10000xf32, #tpu.memory_space<hbm>>)
      tpu.yield
    }) : () -> ()
    return
  }
}

#map = affine_map<(d0, d1) -> (0, 0)>
#map1 = affine_map<(d0, d1) -> (0)>
#map2 = affine_map<(d0, d1) -> (0, 0, 0)>
module attributes {stable_mosaic.version = 14 : i64} {
  func.func @_stage_b_body(%arg0: i32, %arg1: i32, %arg2: memref<160000x128xf32, #tpu.memory_space<hbm>>, %arg3: memref<160000xf32, #tpu.memory_space<hbm>>, %arg4: memref<160000xi32, #tpu.memory_space<hbm>>, %arg5: memref<2x10000x128xf32, #tpu.memory_space<hbm>>, %arg6: memref<2x10000x128xf32, #tpu.memory_space<hbm>>, %arg7: memref<32x10000xf32, #tpu.memory_space<hbm>>, %arg8: memref<2x128x128xf32, #tpu.memory_space<vmem>>, %arg9: memref<2x128xf32, #tpu.memory_space<vmem>>, %arg10: memref<2x128xi32, #tpu.memory_space<vmem>>, %arg11: memref<8x128xf32, #tpu.memory_space<vmem>>, %arg12: memref<16xf32, #tpu.memory_space<vmem>>, %arg13: memref<8xi32, #tpu.memory_space<vmem>>, %arg14: memref<16xi32, #tpu.memory_space<vmem>>, %arg15: memref<10000xf32, #tpu.memory_space<vmem>>, %arg16: memref<10000x128xf32, #tpu.memory_space<vmem_shared>>, %arg17: memref<!tpu.dma_semaphore, #tpu.memory_space<semaphore_mem>>, %arg18: memref<!tpu.dma_semaphore, #tpu.memory_space<semaphore_mem>>, %arg19: memref<!tpu.dma_semaphore, #tpu.memory_space<semaphore_mem>>) attributes {dimension_semantics = [#tpu.dimension_semantics<core_parallel>, #tpu.dimension_semantics<subcore_parallel>], iteration_bounds = array<i64: 2, 16>, scalar_prefetch = 0 : i64, scratch_operands = 12 : i64, tpu.core_type = #tpu.core_type<sc_vector_subcore>, window_params = [{transform_indices = #map}, {transform_indices = #map1}, {transform_indices = #map1}, {transform_indices = #map2}, {transform_indices = #map2}, {transform_indices = #map}]} {
    %mul3A = arith.constant 2 : i32
    %mul3A_0 = arith.muli %arg1, %mul3A : i32
    %add3A = arith.addi %mul3A_0, %arg0 : i32
    %mul3A_1 = arith.constant 5000 : i32
    %mul3A_2 = arith.muli %add3A, %mul3A_1 : i32
    %mul3A_3 = arith.constant 624 : i32
    %mul3A_4 = arith.muli %arg1, %mul3A_3 : i32
    "tpu.region"() ({
      %run_scoped3A = tpu.sem_alloc : memref<!tpu.dma_semaphore, #tpu.memory_space<semaphore_mem>>
      %dma_start3A_189 = arith.constant 0 : i32
      %dma_start3A_190 = tpu.memref_slice %arg16[%mul3A_4, %dma_start3A_189] : memref<10000x128xf32, #tpu.memory_space<vmem_shared>> -> memref<624x128xf32, #tpu.memory_space<vmem_shared>>
      %dma_start3A_191 = arith.constant 0 : i32
      %dma_start3A_192 = tpu.memref_slice %arg5[%arg0, %mul3A_4, %dma_start3A_191] : memref<2x10000x128xf32, #tpu.memory_space<hbm>> -> memref<1x624x128xf32, #tpu.memory_space<hbm>>
      %dma_start3A_193 = tpu.memref_squeeze %dma_start3A_192 : memref<1x624x128xf32, #tpu.memory_space<hbm>> -> memref<624x128xf32, #tpu.memory_space<hbm>>
      tpu.enqueue_dma source(%dma_start3A_193 : memref<624x128xf32, #tpu.memory_space<hbm>>) target(%dma_start3A_190 : memref<624x128xf32, #tpu.memory_space<vmem_shared>>) target_semaphore(%run_scoped3A : memref<!tpu.dma_semaphore, #tpu.memory_space<semaphore_mem>>)
      %dma_wait3A_194 = arith.constant 0 : i32
      %dma_wait3A_195 = tpu.memref_slice %arg16[%mul3A_4, %dma_wait3A_194] : memref<10000x128xf32, #tpu.memory_space<vmem_shared>> -> memref<624x128xf32, #tpu.memory_space<vmem_shared>>
      %dma_wait3A_196 = arith.constant 0 : i32
      %dma_wait3A_197 = tpu.memref_slice %arg5[%arg0, %mul3A_4, %dma_wait3A_196] : memref<2x10000x128xf32, #tpu.memory_space<hbm>> -> memref<1x624x128xf32, #tpu.memory_space<hbm>>
      %dma_wait3A_198 = tpu.memref_squeeze %dma_wait3A_197 : memref<1x624x128xf32, #tpu.memory_space<hbm>> -> memref<624x128xf32, #tpu.memory_space<hbm>>
      tpu.wait_dma2 semaphore(%run_scoped3A : memref<!tpu.dma_semaphore, #tpu.memory_space<semaphore_mem>>) src(%dma_wait3A_198 : memref<624x128xf32, #tpu.memory_space<hbm>>) dst(%dma_wait3A_195 : memref<624x128xf32, #tpu.memory_space<vmem_shared>>)
      tpu.yield
    }) : () -> ()
    %eq3A = arith.constant 15 : i32
    %eq3A_5 = arith.cmpi eq, %arg1, %eq3A : i32
    %convert_element_type3A = arith.extui %eq3A_5 : i1 to i32
    %cond3A = arith.constant 0 : i32
    %cond3A_6 = arith.cmpi ne, %convert_element_type3A, %cond3A : i32
    scf.if %cond3A_6 {
      "tpu.region"() ({
        %run_scoped3A = tpu.sem_alloc : memref<!tpu.dma_semaphore, #tpu.memory_space<semaphore_mem>>
        %dma_start3A_189 = arith.constant 9984 : i32
        %dma_start3A_190 = arith.constant 0 : i32
        %dma_start3A_191 = tpu.memref_slice %arg16[%dma_start3A_189, %dma_start3A_190] : memref<10000x128xf32, #tpu.memory_space<vmem_shared>> -> memref<16x128xf32, #tpu.memory_space<vmem_shared>>
        %dma_start3A_192 = arith.constant 9984 : i32
        %dma_start3A_193 = arith.constant 0 : i32
        %dma_start3A_194 = tpu.memref_slice %arg5[%arg0, %dma_start3A_192, %dma_start3A_193] : memref<2x10000x128xf32, #tpu.memory_space<hbm>> -> memref<1x16x128xf32, #tpu.memory_space<hbm>>
        %dma_start3A_195 = tpu.memref_squeeze %dma_start3A_194 : memref<1x16x128xf32, #tpu.memory_space<hbm>> -> memref<16x128xf32, #tpu.memory_space<hbm>>
        tpu.enqueue_dma source(%dma_start3A_195 : memref<16x128xf32, #tpu.memory_space<hbm>>) target(%dma_start3A_191 : memref<16x128xf32, #tpu.memory_space<vmem_shared>>) target_semaphore(%run_scoped3A : memref<!tpu.dma_semaphore, #tpu.memory_space<semaphore_mem>>)
        %dma_wait3A_196 = arith.constant 9984 : i32
        %dma_wait3A_197 = arith.constant 0 : i32
        %dma_wait3A_198 = tpu.memref_slice %arg16[%dma_wait3A_196, %dma_wait3A_197] : memref<10000x128xf32, #tpu.memory_space<vmem_shared>> -> memref<16x128xf32, #tpu.memory_space<vmem_shared>>
        %dma_wait3A_199 = arith.constant 9984 : i32
        %dma_wait3A_200 = arith.constant 0 : i32
        %dma_wait3A_201 = tpu.memref_slice %arg5[%arg0, %dma_wait3A_199, %dma_wait3A_200] : memref<2x10000x128xf32, #tpu.memory_space<hbm>> -> memref<1x16x128xf32, #tpu.memory_space<hbm>>
        %dma_wait3A_202 = tpu.memref_squeeze %dma_wait3A_201 : memref<1x16x128xf32, #tpu.memory_space<hbm>> -> memref<16x128xf32, #tpu.memory_space<hbm>>
        tpu.wait_dma2 semaphore(%run_scoped3A : memref<!tpu.dma_semaphore, #tpu.memory_space<semaphore_mem>>) src(%dma_wait3A_202 : memref<16x128xf32, #tpu.memory_space<hbm>>) dst(%dma_wait3A_198 : memref<16x128xf32, #tpu.memory_space<vmem_shared>>)
        tpu.yield
      }) : () -> ()
    } else {
    }
    %broadcast_in_dim3A = arith.constant 0.000000e+00 : f32
    %broadcast_in_dim3A_7 = vector.broadcast %broadcast_in_dim3A : f32 to vector<16xf32>
    %scan3A = arith.constant 0 : i32
    %scan3A_8 = arith.constant 0 : i32
    %scan3A_9 = arith.constant 625 : i32
    %scan3A_10 = arith.addi %scan3A_8, %scan3A_9 : i32
    %scan3A_11 = arith.constant 1 : i32
    scf.for %scan3A_189 = %scan3A_8 to %scan3A_10 step %scan3A_11  : i32 {
      %mul3A_190 = arith.constant 16 : i32
      %mul3A_191 = arith.muli %scan3A_189, %mul3A_190 : i32
      %swap3A = arith.index_cast %mul3A_191 : i32 to index
      %swap3A_192 = tpu.vector_load %arg15[%swap3A] {strides = array<i32>} : memref<10000xf32, #tpu.memory_space<vmem>>, vector<16xf32>,
      tpu.vector_store %arg15[%swap3A], %broadcast_in_dim3A_7 {strides = array<i32>} : memref<10000xf32, #tpu.memory_space<vmem>>, vector<16xf32>,
    }
    %scan3A_12 = arith.constant 625 : i32
    %barrier3A = arith.constant 0 : index
    tpu.barrier barrier_id(%barrier3A)
    %add3A_13 = arith.constant 0 : i32
    %add3A_14 = arith.addi %mul3A_2, %add3A_13 : i32
    %multiple_of3A = tpu.assume_multiple %add3A_14, 8 : i32
    %dma_start3A = arith.constant 0 : i32
    %dma_start3A_15 = arith.constant 0 : i32
    %dma_start3A_16 = tpu.memref_slice %arg10[%dma_start3A, %dma_start3A_15] : memref<2x128xi32, #tpu.memory_space<vmem>> -> memref<1x128xi32, #tpu.memory_space<vmem>>
    %dma_start3A_17 = tpu.memref_squeeze %dma_start3A_16 : memref<1x128xi32, #tpu.memory_space<vmem>> -> memref<128xi32, #tpu.memory_space<vmem>>
    %dma_start3A_18 = tpu.memref_slice %arg4[%multiple_of3A] : memref<160000xi32, #tpu.memory_space<hbm>> -> memref<128xi32, #tpu.memory_space<hbm>>
    %dma_start3A_19 = arith.constant 0 : i32
    %dma_start3A_20 = tpu.memref_slice %arg10[%dma_start3A, %dma_start3A_19] : memref<2x128xi32, #tpu.memory_space<vmem>> -> memref<1x128xi32, #tpu.memory_space<vmem>>
    %dma_start3A_21 = tpu.memref_squeeze %dma_start3A_20 : memref<1x128xi32, #tpu.memory_space<vmem>> -> memref<128xi32, #tpu.memory_space<vmem>>
    %dma_start3A_22 = tpu.memref_slice %arg4[%multiple_of3A] : memref<160000xi32, #tpu.memory_space<hbm>> -> memref<128xi32, #tpu.memory_space<hbm>>
    tpu.enqueue_dma source(%dma_start3A_22 : memref<128xi32, #tpu.memory_space<hbm>>) target(%dma_start3A_21 : memref<128xi32, #tpu.memory_space<vmem>>) target_semaphore(%arg17 : memref<!tpu.dma_semaphore, #tpu.memory_space<semaphore_mem>>)
    %dma_start3A_23 = arith.constant 0 : i32
    %dma_start3A_24 = arith.constant 0 : i32
    %dma_start3A_25 = arith.constant 0 : i32
    %dma_start3A_26 = tpu.memref_slice %arg8[%dma_start3A_23, %dma_start3A_24, %dma_start3A_25] : memref<2x128x128xf32, #tpu.memory_space<vmem>> -> memref<1x128x128xf32, #tpu.memory_space<vmem>>
    %dma_start3A_27 = tpu.memref_squeeze %dma_start3A_26 : memref<1x128x128xf32, #tpu.memory_space<vmem>> -> memref<128x128xf32, #tpu.memory_space<vmem>>
    %dma_start3A_28 = arith.constant 0 : i32
    %dma_start3A_29 = tpu.memref_slice %arg2[%multiple_of3A, %dma_start3A_28] : memref<160000x128xf32, #tpu.memory_space<hbm>> -> memref<128x128xf32, #tpu.memory_space<hbm>>
    %dma_start3A_30 = arith.constant 0 : i32
    %dma_start3A_31 = arith.constant 0 : i32
    %dma_start3A_32 = tpu.memref_slice %arg8[%dma_start3A_23, %dma_start3A_30, %dma_start3A_31] : memref<2x128x128xf32, #tpu.memory_space<vmem>> -> memref<1x128x128xf32, #tpu.memory_space<vmem>>
    %dma_start3A_33 = tpu.memref_squeeze %dma_start3A_32 : memref<1x128x128xf32, #tpu.memory_space<vmem>> -> memref<128x128xf32, #tpu.memory_space<vmem>>
    %dma_start3A_34 = arith.constant 0 : i32
    %dma_start3A_35 = tpu.memref_slice %arg2[%multiple_of3A, %dma_start3A_34] : memref<160000x128xf32, #tpu.memory_space<hbm>> -> memref<128x128xf32, #tpu.memory_space<hbm>>
    tpu.enqueue_dma source(%dma_start3A_35 : memref<128x128xf32, #tpu.memory_space<hbm>>) target(%dma_start3A_33 : memref<128x128xf32, #tpu.memory_space<vmem>>) target_semaphore(%arg17 : memref<!tpu.dma_semaphore, #tpu.memory_space<semaphore_mem>>)
    %dma_start3A_36 = arith.constant 0 : i32
    %dma_start3A_37 = arith.constant 0 : i32
    %dma_start3A_38 = tpu.memref_slice %arg9[%dma_start3A_36, %dma_start3A_37] : memref<2x128xf32, #tpu.memory_space<vmem>> -> memref<1x128xf32, #tpu.memory_space<vmem>>
    %dma_start3A_39 = tpu.memref_squeeze %dma_start3A_38 : memref<1x128xf32, #tpu.memory_space<vmem>> -> memref<128xf32, #tpu.memory_space<vmem>>
    %dma_start3A_40 = tpu.memref_slice %arg3[%multiple_of3A] : memref<160000xf32, #tpu.memory_space<hbm>> -> memref<128xf32, #tpu.memory_space<hbm>>
    %dma_start3A_41 = arith.constant 0 : i32
    %dma_start3A_42 = tpu.memref_slice %arg9[%dma_start3A_36, %dma_start3A_41] : memref<2x128xf32, #tpu.memory_space<vmem>> -> memref<1x128xf32, #tpu.memory_space<vmem>>
    %dma_start3A_43 = tpu.memref_squeeze %dma_start3A_42 : memref<1x128xf32, #tpu.memory_space<vmem>> -> memref<128xf32, #tpu.memory_space<vmem>>
    %dma_start3A_44 = tpu.memref_slice %arg3[%multiple_of3A] : memref<160000xf32, #tpu.memory_space<hbm>> -> memref<128xf32, #tpu.memory_space<hbm>>
    tpu.enqueue_dma source(%dma_start3A_44 : memref<128xf32, #tpu.memory_space<hbm>>) target(%dma_start3A_43 : memref<128xf32, #tpu.memory_space<vmem>>) target_semaphore(%arg17 : memref<!tpu.dma_semaphore, #tpu.memory_space<semaphore_mem>>)
    %scan3A_45 = arith.constant 0 : i32
    %scan3A_46 = arith.constant 0 : i32
    %scan3A_47 = arith.constant 19 : i32
    %scan3A_48 = arith.addi %scan3A_46, %scan3A_47 : i32
    %scan3A_49 = arith.constant 1 : i32
    scf.for %scan3A_189 = %scan3A_46 to %scan3A_48 step %scan3A_49  : i32 {
      %mul3A_190 = arith.constant 2 : i32
      %mul3A_191 = arith.muli %scan3A_189, %mul3A_190 : i32
      %add3A_192 = arith.constant 1 : i32
      %add3A_193 = arith.addi %mul3A_191, %add3A_192 : i32
      %mul3A_194 = arith.constant 128 : i32
      %mul3A_195 = arith.muli %add3A_193, %mul3A_194 : i32
      %add3A_196 = arith.addi %mul3A_2, %mul3A_195 : i32
      %multiple_of3A_197 = tpu.assume_multiple %add3A_196, 8 : i32
      %dma_start3A_198 = arith.constant 1 : i32
      %dma_start3A_199 = arith.constant 0 : i32
      %dma_start3A_200 = tpu.memref_slice %arg10[%dma_start3A_198, %dma_start3A_199] : memref<2x128xi32, #tpu.memory_space<vmem>> -> memref<1x128xi32, #tpu.memory_space<vmem>>
      %dma_start3A_201 = tpu.memref_squeeze %dma_start3A_200 : memref<1x128xi32, #tpu.memory_space<vmem>> -> memref<128xi32, #tpu.memory_space<vmem>>
      %dma_start3A_202 = tpu.memref_slice %arg4[%multiple_of3A_197] : memref<160000xi32, #tpu.memory_space<hbm>> -> memref<128xi32, #tpu.memory_space<hbm>>
      %dma_start3A_203 = arith.constant 0 : i32
      %dma_start3A_204 = tpu.memref_slice %arg10[%dma_start3A_198, %dma_start3A_203] : memref<2x128xi32, #tpu.memory_space<vmem>> -> memref<1x128xi32, #tpu.memory_space<vmem>>
      %dma_start3A_205 = tpu.memref_squeeze %dma_start3A_204 : memref<1x128xi32, #tpu.memory_space<vmem>> -> memref<128xi32, #tpu.memory_space<vmem>>
      %dma_start3A_206 = tpu.memref_slice %arg4[%multiple_of3A_197] : memref<160000xi32, #tpu.memory_space<hbm>> -> memref<128xi32, #tpu.memory_space<hbm>>
      tpu.enqueue_dma source(%dma_start3A_206 : memref<128xi32, #tpu.memory_space<hbm>>) target(%dma_start3A_205 : memref<128xi32, #tpu.memory_space<vmem>>) target_semaphore(%arg18 : memref<!tpu.dma_semaphore, #tpu.memory_space<semaphore_mem>>)
      %dma_start3A_207 = arith.constant 1 : i32
      %dma_start3A_208 = arith.constant 0 : i32
      %dma_start3A_209 = arith.constant 0 : i32
      %dma_start3A_210 = tpu.memref_slice %arg8[%dma_start3A_207, %dma_start3A_208, %dma_start3A_209] : memref<2x128x128xf32, #tpu.memory_space<vmem>> -> memref<1x128x128xf32, #tpu.memory_space<vmem>>
      %dma_start3A_211 = tpu.memref_squeeze %dma_start3A_210 : memref<1x128x128xf32, #tpu.memory_space<vmem>> -> memref<128x128xf32, #tpu.memory_space<vmem>>
      %dma_start3A_212 = arith.constant 0 : i32
      %dma_start3A_213 = tpu.memref_slice %arg2[%multiple_of3A_197, %dma_start3A_212] : memref<160000x128xf32, #tpu.memory_space<hbm>> -> memref<128x128xf32, #tpu.memory_space<hbm>>
      %dma_start3A_214 = arith.constant 0 : i32
      %dma_start3A_215 = arith.constant 0 : i32
      %dma_start3A_216 = tpu.memref_slice %arg8[%dma_start3A_207, %dma_start3A_214, %dma_start3A_215] : memref<2x128x128xf32, #tpu.memory_space<vmem>> -> memref<1x128x128xf32, #tpu.memory_space<vmem>>
      %dma_start3A_217 = tpu.memref_squeeze %dma_start3A_216 : memref<1x128x128xf32, #tpu.memory_space<vmem>> -> memref<128x128xf32, #tpu.memory_space<vmem>>
      %dma_start3A_218 = arith.constant 0 : i32
      %dma_start3A_219 = tpu.memref_slice %arg2[%multiple_of3A_197, %dma_start3A_218] : memref<160000x128xf32, #tpu.memory_space<hbm>> -> memref<128x128xf32, #tpu.memory_space<hbm>>
      tpu.enqueue_dma source(%dma_start3A_219 : memref<128x128xf32, #tpu.memory_space<hbm>>) target(%dma_start3A_217 : memref<128x128xf32, #tpu.memory_space<vmem>>) target_semaphore(%arg18 : memref<!tpu.dma_semaphore, #tpu.memory_space<semaphore_mem>>)
      %dma_start3A_220 = arith.constant 1 : i32
      %dma_start3A_221 = arith.constant 0 : i32
      %dma_start3A_222 = tpu.memref_slice %arg9[%dma_start3A_220, %dma_start3A_221] : memref<2x128xf32, #tpu.memory_space<vmem>> -> memref<1x128xf32, #tpu.memory_space<vmem>>
      %dma_start3A_223 = tpu.memref_squeeze %dma_start3A_222 : memref<1x128xf32, #tpu.memory_space<vmem>> -> memref<128xf32, #tpu.memory_space<vmem>>
      %dma_start3A_224 = tpu.memref_slice %arg3[%multiple_of3A_197] : memref<160000xf32, #tpu.memory_space<hbm>> -> memref<128xf32, #tpu.memory_space<hbm>>
      %dma_start3A_225 = arith.constant 0 : i32
      %dma_start3A_226 = tpu.memref_slice %arg9[%dma_start3A_220, %dma_start3A_225] : memref<2x128xf32, #tpu.memory_space<vmem>> -> memref<1x128xf32, #tpu.memory_space<vmem>>
      %dma_start3A_227 = tpu.memref_squeeze %dma_start3A_226 : memref<1x128xf32, #tpu.memory_space<vmem>> -> memref<128xf32, #tpu.memory_space<vmem>>
      %dma_start3A_228 = tpu.memref_slice %arg3[%multiple_of3A_197] : memref<160000xf32, #tpu.memory_space<hbm>> -> memref<128xf32, #tpu.memory_space<hbm>>
      tpu.enqueue_dma source(%dma_start3A_228 : memref<128xf32, #tpu.memory_space<hbm>>) target(%dma_start3A_227 : memref<128xf32, #tpu.memory_space<vmem>>) target_semaphore(%arg18 : memref<!tpu.dma_semaphore, #tpu.memory_space<semaphore_mem>>)
      %mul3A_229 = arith.constant 128 : i32
      %mul3A_230 = arith.muli %mul3A_191, %mul3A_229 : i32
      %add3A_231 = arith.addi %mul3A_2, %mul3A_230 : i32
      %multiple_of3A_232 = tpu.assume_multiple %add3A_231, 8 : i32
      %dma_wait3A_233 = arith.constant 0 : i32
      %dma_wait3A_234 = arith.constant 0 : i32
      %dma_wait3A_235 = tpu.memref_slice %arg10[%dma_wait3A_233, %dma_wait3A_234] : memref<2x128xi32, #tpu.memory_space<vmem>> -> memref<1x128xi32, #tpu.memory_space<vmem>>
      %dma_wait3A_236 = tpu.memref_squeeze %dma_wait3A_235 : memref<1x128xi32, #tpu.memory_space<vmem>> -> memref<128xi32, #tpu.memory_space<vmem>>
      %dma_wait3A_237 = tpu.memref_slice %arg4[%multiple_of3A_232] : memref<160000xi32, #tpu.memory_space<hbm>> -> memref<128xi32, #tpu.memory_space<hbm>>
      %dma_wait3A_238 = arith.constant 0 : i32
      %dma_wait3A_239 = tpu.memref_slice %arg10[%dma_wait3A_233, %dma_wait3A_238] : memref<2x128xi32, #tpu.memory_space<vmem>> -> memref<1x128xi32, #tpu.memory_space<vmem>>
      %dma_wait3A_240 = tpu.memref_squeeze %dma_wait3A_239 : memref<1x128xi32, #tpu.memory_space<vmem>> -> memref<128xi32, #tpu.memory_space<vmem>>
      %dma_wait3A_241 = tpu.memref_slice %arg4[%multiple_of3A_232] : memref<160000xi32, #tpu.memory_space<hbm>> -> memref<128xi32, #tpu.memory_space<hbm>>
      tpu.wait_dma2 semaphore(%arg17 : memref<!tpu.dma_semaphore, #tpu.memory_space<semaphore_mem>>) src(%dma_wait3A_241 : memref<128xi32, #tpu.memory_space<hbm>>) dst(%dma_wait3A_240 : memref<128xi32, #tpu.memory_space<vmem>>)
      %dma_wait3A_242 = arith.constant 0 : i32
      %dma_wait3A_243 = arith.constant 0 : i32
      %dma_wait3A_244 = arith.constant 0 : i32
      %dma_wait3A_245 = tpu.memref_slice %arg8[%dma_wait3A_242, %dma_wait3A_243, %dma_wait3A_244] : memref<2x128x128xf32, #tpu.memory_space<vmem>> -> memref<1x128x128xf32, #tpu.memory_space<vmem>>
      %dma_wait3A_246 = tpu.memref_squeeze %dma_wait3A_245 : memref<1x128x128xf32, #tpu.memory_space<vmem>> -> memref<128x128xf32, #tpu.memory_space<vmem>>
      %dma_wait3A_247 = arith.constant 0 : i32
      %dma_wait3A_248 = tpu.memref_slice %arg2[%multiple_of3A_232, %dma_wait3A_247] : memref<160000x128xf32, #tpu.memory_space<hbm>> -> memref<128x128xf32, #tpu.memory_space<hbm>>
      %dma_wait3A_249 = arith.constant 0 : i32
      %dma_wait3A_250 = arith.constant 0 : i32
      %dma_wait3A_251 = tpu.memref_slice %arg8[%dma_wait3A_242, %dma_wait3A_249, %dma_wait3A_250] : memref<2x128x128xf32, #tpu.memory_space<vmem>> -> memref<1x128x128xf32, #tpu.memory_space<vmem>>
      %dma_wait3A_252 = tpu.memref_squeeze %dma_wait3A_251 : memref<1x128x128xf32, #tpu.memory_space<vmem>> -> memref<128x128xf32, #tpu.memory_space<vmem>>
      %dma_wait3A_253 = arith.constant 0 : i32
      %dma_wait3A_254 = tpu.memref_slice %arg2[%multiple_of3A_232, %dma_wait3A_253] : memref<160000x128xf32, #tpu.memory_space<hbm>> -> memref<128x128xf32, #tpu.memory_space<hbm>>
      tpu.wait_dma2 semaphore(%arg17 : memref<!tpu.dma_semaphore, #tpu.memory_space<semaphore_mem>>) src(%dma_wait3A_254 : memref<128x128xf32, #tpu.memory_space<hbm>>) dst(%dma_wait3A_252 : memref<128x128xf32, #tpu.memory_space<vmem>>)
      %dma_wait3A_255 = arith.constant 0 : i32
      %dma_wait3A_256 = arith.constant 0 : i32
      %dma_wait3A_257 = tpu.memref_slice %arg9[%dma_wait3A_255, %dma_wait3A_256] : memref<2x128xf32, #tpu.memory_space<vmem>> -> memref<1x128xf32, #tpu.memory_space<vmem>>
      %dma_wait3A_258 = tpu.memref_squeeze %dma_wait3A_257 : memref<1x128xf32, #tpu.memory_space<vmem>> -> memref<128xf32, #tpu.memory_space<vmem>>
      %dma_wait3A_259 = tpu.memref_slice %arg3[%multiple_of3A_232] : memref<160000xf32, #tpu.memory_space<hbm>> -> memref<128xf32, #tpu.memory_space<hbm>>
      %dma_wait3A_260 = arith.constant 0 : i32
      %dma_wait3A_261 = tpu.memref_slice %arg9[%dma_wait3A_255, %dma_wait3A_260] : memref<2x128xf32, #tpu.memory_space<vmem>> -> memref<1x128xf32, #tpu.memory_space<vmem>>
      %dma_wait3A_262 = tpu.memref_squeeze %dma_wait3A_261 : memref<1x128xf32, #tpu.memory_space<vmem>> -> memref<128xf32, #tpu.memory_space<vmem>>
      %dma_wait3A_263 = tpu.memref_slice %arg3[%multiple_of3A_232] : memref<160000xf32, #tpu.memory_space<hbm>> -> memref<128xf32, #tpu.memory_space<hbm>>
      tpu.wait_dma2 semaphore(%arg17 : memref<!tpu.dma_semaphore, #tpu.memory_space<semaphore_mem>>) src(%dma_wait3A_263 : memref<128xf32, #tpu.memory_space<hbm>>) dst(%dma_wait3A_262 : memref<128xf32, #tpu.memory_space<vmem>>)
      %dma_start3A_264 = arith.constant 0 : i32
      %dma_start3A_265 = arith.constant 0 : i32
      %dma_start3A_266 = arith.constant 0 : i32
      %dma_start3A_267 = arith.constant 0 : i32
      %dma_start3A_268 = tpu.memref_slice %arg8[%dma_start3A_264, %dma_start3A_266, %dma_start3A_267] : memref<2x128x128xf32, #tpu.memory_space<vmem>> -> memref<1x128x128xf32, #tpu.memory_space<vmem>>
      %dma_start3A_269 = tpu.memref_squeeze %dma_start3A_268 : memref<1x128x128xf32, #tpu.memory_space<vmem>> -> memref<128x128xf32, #tpu.memory_space<vmem>>
      %dma_start3A_270 = arith.constant 0 : i32
      %dma_start3A_271 = tpu.memref_slice %arg10[%dma_start3A_265, %dma_start3A_270] : memref<2x128xi32, #tpu.memory_space<vmem>> -> memref<1x128xi32, #tpu.memory_space<vmem>>
      %dma_start3A_272 = tpu.memref_squeeze %dma_start3A_271 : memref<1x128xi32, #tpu.memory_space<vmem>> -> memref<128xi32, #tpu.memory_space<vmem>>
      %dma_start3A_273 = arith.constant 0 : i32
      %dma_start3A_274 = arith.constant 0 : i32
      %dma_start3A_275 = tpu.memref_slice %arg16[%dma_start3A_273, %dma_start3A_274] : memref<10000x128xf32, #tpu.memory_space<vmem_shared>> -> memref<10000x128xf32, #tpu.memory_space<vmem_shared>>
      tpu.enqueue_indirect_dma source(%dma_start3A_269 : memref<128x128xf32, #tpu.memory_space<vmem>>) target(%dma_start3A_275 : memref<10000x128xf32, #tpu.memory_space<vmem_shared>>) offsets(%dma_start3A_272 : memref<128xi32, #tpu.memory_space<vmem>>) semaphore(%arg19 : memref<!tpu.dma_semaphore, #tpu.memory_space<semaphore_mem>>) {add = true}
      %get3A_276 = arith.constant 0 : i32
      %get3A_277 = arith.index_cast %get3A_276 : i32 to index
      %get3A_278 = arith.constant 0 : index
      %get3A_279 = tpu.vector_load %arg9[%get3A_277, %get3A_278] {strides = array<i32>} : memref<2x128xf32, #tpu.memory_space<vmem>>, vector<16xf32>,
      %get3A_280 = arith.constant 0 : i32
      %get3A_281 = arith.index_cast %get3A_280 : i32 to index
      %get3A_282 = arith.constant 0 : index
      %get3A_283 = tpu.vector_load %arg10[%get3A_281, %get3A_282] {strides = array<i32>} : memref<2x128xi32, #tpu.memory_space<vmem>>, vector<16xi32>,
      tpu.vector_store_idx %arg15[%get3A_283], %get3A_279 {add = true} : memref<10000xf32, #tpu.memory_space<vmem>>[vector<16xi32>], vector<16xf32>,
      %get3A_284 = arith.constant 0 : i32
      %get3A_285 = arith.index_cast %get3A_284 : i32 to index
      %get3A_286 = arith.constant 16 : index
      %get3A_287 = tpu.vector_load %arg9[%get3A_285, %get3A_286] {strides = array<i32>} : memref<2x128xf32, #tpu.memory_space<vmem>>, vector<16xf32>,
      %get3A_288 = arith.constant 0 : i32
      %get3A_289 = arith.index_cast %get3A_288 : i32 to index
      %get3A_290 = arith.constant 16 : index
      %get3A_291 = tpu.vector_load %arg10[%get3A_289, %get3A_290] {strides = array<i32>} : memref<2x128xi32, #tpu.memory_space<vmem>>, vector<16xi32>,
      tpu.vector_store_idx %arg15[%get3A_291], %get3A_287 {add = true} : memref<10000xf32, #tpu.memory_space<vmem>>[vector<16xi32>], vector<16xf32>,
      %get3A_292 = arith.constant 0 : i32
      %get3A_293 = arith.index_cast %get3A_292 : i32 to index
      %get3A_294 = arith.constant 32 : index
      %get3A_295 = tpu.vector_load %arg9[%get3A_293, %get3A_294] {strides = array<i32>} : memref<2x128xf32, #tpu.memory_space<vmem>>, vector<16xf32>,
      %get3A_296 = arith.constant 0 : i32
      %get3A_297 = arith.index_cast %get3A_296 : i32 to index
      %get3A_298 = arith.constant 32 : index
      %get3A_299 = tpu.vector_load %arg10[%get3A_297, %get3A_298] {strides = array<i32>} : memref<2x128xi32, #tpu.memory_space<vmem>>, vector<16xi32>,
      tpu.vector_store_idx %arg15[%get3A_299], %get3A_295 {add = true} : memref<10000xf32, #tpu.memory_space<vmem>>[vector<16xi32>], vector<16xf32>,
      %get3A_300 = arith.constant 0 : i32
      %get3A_301 = arith.index_cast %get3A_300 : i32 to index
      %get3A_302 = arith.constant 48 : index
      %get3A_303 = tpu.vector_load %arg9[%get3A_301, %get3A_302] {strides = array<i32>} : memref<2x128xf32, #tpu.memory_space<vmem>>, vector<16xf32>,
      %get3A_304 = arith.constant 0 : i32
      %get3A_305 = arith.index_cast %get3A_304 : i32 to index
      %get3A_306 = arith.constant 48 : index
      %get3A_307 = tpu.vector_load %arg10[%get3A_305, %get3A_306] {strides = array<i32>} : memref<2x128xi32, #tpu.memory_space<vmem>>, vector<16xi32>,
      tpu.vector_store_idx %arg15[%get3A_307], %get3A_303 {add = true} : memref<10000xf32, #tpu.memory_space<vmem>>[vector<16xi32>], vector<16xf32>,
      %get3A_308 = arith.constant 0 : i32
      %get3A_309 = arith.index_cast %get3A_308 : i32 to index
      %get3A_310 = arith.constant 64 : index
      %get3A_311 = tpu.vector_load %arg9[%get3A_309, %get3A_310] {strides = array<i32>} : memref<2x128xf32, #tpu.memory_space<vmem>>, vector<16xf32>,
      %get3A_312 = arith.constant 0 : i32
      %get3A_313 = arith.index_cast %get3A_312 : i32 to index
      %get3A_314 = arith.constant 64 : index
      %get3A_315 = tpu.vector_load %arg10[%get3A_313, %get3A_314] {strides = array<i32>} : memref<2x128xi32, #tpu.memory_space<vmem>>, vector<16xi32>,
      tpu.vector_store_idx %arg15[%get3A_315], %get3A_311 {add = true} : memref<10000xf32, #tpu.memory_space<vmem>>[vector<16xi32>], vector<16xf32>,
      %get3A_316 = arith.constant 0 : i32
      %get3A_317 = arith.index_cast %get3A_316 : i32 to index
      %get3A_318 = arith.constant 80 : index
      %get3A_319 = tpu.vector_load %arg9[%get3A_317, %get3A_318] {strides = array<i32>} : memref<2x128xf32, #tpu.memory_space<vmem>>, vector<16xf32>,
      %get3A_320 = arith.constant 0 : i32
      %get3A_321 = arith.index_cast %get3A_320 : i32 to index
      %get3A_322 = arith.constant 80 : index
      %get3A_323 = tpu.vector_load %arg10[%get3A_321, %get3A_322] {strides = array<i32>} : memref<2x128xi32, #tpu.memory_space<vmem>>, vector<16xi32>,
      tpu.vector_store_idx %arg15[%get3A_323], %get3A_319 {add = true} : memref<10000xf32, #tpu.memory_space<vmem>>[vector<16xi32>], vector<16xf32>,
      %get3A_324 = arith.constant 0 : i32
      %get3A_325 = arith.index_cast %get3A_324 : i32 to index
      %get3A_326 = arith.constant 96 : index
      %get3A_327 = tpu.vector_load %arg9[%get3A_325, %get3A_326] {strides = array<i32>} : memref<2x128xf32, #tpu.memory_space<vmem>>, vector<16xf32>,
      %get3A_328 = arith.constant 0 : i32
      %get3A_329 = arith.index_cast %get3A_328 : i32 to index
      %get3A_330 = arith.constant 96 : index
      %get3A_331 = tpu.vector_load %arg10[%get3A_329, %get3A_330] {strides = array<i32>} : memref<2x128xi32, #tpu.memory_space<vmem>>, vector<16xi32>,
      tpu.vector_store_idx %arg15[%get3A_331], %get3A_327 {add = true} : memref<10000xf32, #tpu.memory_space<vmem>>[vector<16xi32>], vector<16xf32>,
      %get3A_332 = arith.constant 0 : i32
      %get3A_333 = arith.index_cast %get3A_332 : i32 to index
      %get3A_334 = arith.constant 112 : index
      %get3A_335 = tpu.vector_load %arg9[%get3A_333, %get3A_334] {strides = array<i32>} : memref<2x128xf32, #tpu.memory_space<vmem>>, vector<16xf32>,
      %get3A_336 = arith.constant 0 : i32
      %get3A_337 = arith.index_cast %get3A_336 : i32 to index
      %get3A_338 = arith.constant 112 : index
      %get3A_339 = tpu.vector_load %arg10[%get3A_337, %get3A_338] {strides = array<i32>} : memref<2x128xi32, #tpu.memory_space<vmem>>, vector<16xi32>,
      tpu.vector_store_idx %arg15[%get3A_339], %get3A_335 {add = true} : memref<10000xf32, #tpu.memory_space<vmem>>[vector<16xi32>], vector<16xf32>,
      %dma_wait3A_340 = arith.constant 0 : i32
      %dma_wait3A_341 = arith.constant 0 : i32
      %dma_wait3A_342 = arith.constant 0 : i32
      %dma_wait3A_343 = arith.constant 0 : i32
      %dma_wait3A_344 = tpu.memref_slice %arg8[%dma_wait3A_340, %dma_wait3A_342, %dma_wait3A_343] : memref<2x128x128xf32, #tpu.memory_space<vmem>> -> memref<1x128x128xf32, #tpu.memory_space<vmem>>
      %dma_wait3A_345 = tpu.memref_squeeze %dma_wait3A_344 : memref<1x128x128xf32, #tpu.memory_space<vmem>> -> memref<128x128xf32, #tpu.memory_space<vmem>>
      %dma_wait3A_346 = arith.constant 0 : i32
      %dma_wait3A_347 = tpu.memref_slice %arg10[%dma_wait3A_341, %dma_wait3A_346] : memref<2x128xi32, #tpu.memory_space<vmem>> -> memref<1x128xi32, #tpu.memory_space<vmem>>
      %dma_wait3A_348 = tpu.memref_squeeze %dma_wait3A_347 : memref<1x128xi32, #tpu.memory_space<vmem>> -> memref<128xi32, #tpu.memory_space<vmem>>
      %dma_wait3A_349 = arith.constant 0 : i32
      %dma_wait3A_350 = arith.constant 0 : i32
      %dma_wait3A_351 = tpu.memref_slice %arg16[%dma_wait3A_349, %dma_wait3A_350] : memref<10000x128xf32, #tpu.memory_space<vmem_shared>> -> memref<10000x128xf32, #tpu.memory_space<vmem_shared>>
      tpu.wait_indirect_dma semaphore(%arg19 : memref<!tpu.dma_semaphore, #tpu.memory_space<semaphore_mem>>) src(%dma_wait3A_345 : memref<128x128xf32, #tpu.memory_space<vmem>>) dst(%dma_wait3A_351 : memref<10000x128xf32, #tpu.memory_space<vmem_shared>>)
      %add3A_352 = arith.constant 2 : i32
      %add3A_353 = arith.addi %mul3A_191, %add3A_352 : i32
      %lt3A_354 = arith.constant 39 : i32
      %lt3A_355 = arith.cmpi slt, %add3A_353, %lt3A_354 : i32
      %convert_element_type3A_356 = arith.extui %lt3A_355 : i1 to i32
      %cond3A_357 = arith.constant 0 : i32
      %cond3A_358 = arith.cmpi ne, %convert_element_type3A_356, %cond3A_357 : i32
      scf.if %cond3A_358 {
        %add3A_486 = arith.constant 2 : i32
        %add3A_487 = arith.addi %mul3A_191, %add3A_486 : i32
        %mul3A_488 = arith.constant 128 : i32
        %mul3A_489 = arith.muli %add3A_487, %mul3A_488 : i32
        %add3A_490 = arith.addi %mul3A_2, %mul3A_489 : i32
        %multiple_of3A_491 = tpu.assume_multiple %add3A_490, 8 : i32
        %dma_start3A_492 = arith.constant 0 : i32
        %dma_start3A_493 = arith.constant 0 : i32
        %dma_start3A_494 = tpu.memref_slice %arg10[%dma_start3A_492, %dma_start3A_493] : memref<2x128xi32, #tpu.memory_space<vmem>> -> memref<1x128xi32, #tpu.memory_space<vmem>>
        %dma_start3A_495 = tpu.memref_squeeze %dma_start3A_494 : memref<1x128xi32, #tpu.memory_space<vmem>> -> memref<128xi32, #tpu.memory_space<vmem>>
        %dma_start3A_496 = tpu.memref_slice %arg4[%multiple_of3A_491] : memref<160000xi32, #tpu.memory_space<hbm>> -> memref<128xi32, #tpu.memory_space<hbm>>
        %dma_start3A_497 = arith.constant 0 : i32
        %dma_start3A_498 = tpu.memref_slice %arg10[%dma_start3A_492, %dma_start3A_497] : memref<2x128xi32, #tpu.memory_space<vmem>> -> memref<1x128xi32, #tpu.memory_space<vmem>>
        %dma_start3A_499 = tpu.memref_squeeze %dma_start3A_498 : memref<1x128xi32, #tpu.memory_space<vmem>> -> memref<128xi32, #tpu.memory_space<vmem>>
        %dma_start3A_500 = tpu.memref_slice %arg4[%multiple_of3A_491] : memref<160000xi32, #tpu.memory_space<hbm>> -> memref<128xi32, #tpu.memory_space<hbm>>
        tpu.enqueue_dma source(%dma_start3A_500 : memref<128xi32, #tpu.memory_space<hbm>>) target(%dma_start3A_499 : memref<128xi32, #tpu.memory_space<vmem>>) target_semaphore(%arg17 : memref<!tpu.dma_semaphore, #tpu.memory_space<semaphore_mem>>)
        %dma_start3A_501 = arith.constant 0 : i32
        %dma_start3A_502 = arith.constant 0 : i32
        %dma_start3A_503 = arith.constant 0 : i32
        %dma_start3A_504 = tpu.memref_slice %arg8[%dma_start3A_501, %dma_start3A_502, %dma_start3A_503] : memref<2x128x128xf32, #tpu.memory_space<vmem>> -> memref<1x128x128xf32, #tpu.memory_space<vmem>>
        %dma_start3A_505 = tpu.memref_squeeze %dma_start3A_504 : memref<1x128x128xf32, #tpu.memory_space<vmem>> -> memref<128x128xf32, #tpu.memory_space<vmem>>
        %dma_start3A_506 = arith.constant 0 : i32
        %dma_start3A_507 = tpu.memref_slice %arg2[%multiple_of3A_491, %dma_start3A_506] : memref<160000x128xf32, #tpu.memory_space<hbm>> -> memref<128x128xf32, #tpu.memory_space<hbm>>
        %dma_start3A_508 = arith.constant 0 : i32
        %dma_start3A_509 = arith.constant 0 : i32
        %dma_start3A_510 = tpu.memref_slice %arg8[%dma_start3A_501, %dma_start3A_508, %dma_start3A_509] : memref<2x128x128xf32, #tpu.memory_space<vmem>> -> memref<1x128x128xf32, #tpu.memory_space<vmem>>
        %dma_start3A_511 = tpu.memref_squeeze %dma_start3A_510 : memref<1x128x128xf32, #tpu.memory_space<vmem>> -> memref<128x128xf32, #tpu.memory_space<vmem>>
        %dma_start3A_512 = arith.constant 0 : i32
        %dma_start3A_513 = tpu.memref_slice %arg2[%multiple_of3A_491, %dma_start3A_512] : memref<160000x128xf32, #tpu.memory_space<hbm>> -> memref<128x128xf32, #tpu.memory_space<hbm>>
        tpu.enqueue_dma source(%dma_start3A_513 : memref<128x128xf32, #tpu.memory_space<hbm>>) target(%dma_start3A_511 : memref<128x128xf32, #tpu.memory_space<vmem>>) target_semaphore(%arg17 : memref<!tpu.dma_semaphore, #tpu.memory_space<semaphore_mem>>)
        %dma_start3A_514 = arith.constant 0 : i32
        %dma_start3A_515 = arith.constant 0 : i32
        %dma_start3A_516 = tpu.memref_slice %arg9[%dma_start3A_514, %dma_start3A_515] : memref<2x128xf32, #tpu.memory_space<vmem>> -> memref<1x128xf32, #tpu.memory_space<vmem>>
        %dma_start3A_517 = tpu.memref_squeeze %dma_start3A_516 : memref<1x128xf32, #tpu.memory_space<vmem>> -> memref<128xf32, #tpu.memory_space<vmem>>
        %dma_start3A_518 = tpu.memref_slice %arg3[%multiple_of3A_491] : memref<160000xf32, #tpu.memory_space<hbm>> -> memref<128xf32, #tpu.memory_space<hbm>>
        %dma_start3A_519 = arith.constant 0 : i32
        %dma_start3A_520 = tpu.memref_slice %arg9[%dma_start3A_514, %dma_start3A_519] : memref<2x128xf32, #tpu.memory_space<vmem>> -> memref<1x128xf32, #tpu.memory_space<vmem>>
        %dma_start3A_521 = tpu.memref_squeeze %dma_start3A_520 : memref<1x128xf32, #tpu.memory_space<vmem>> -> memref<128xf32, #tpu.memory_space<vmem>>
        %dma_start3A_522 = tpu.memref_slice %arg3[%multiple_of3A_491] : memref<160000xf32, #tpu.memory_space<hbm>> -> memref<128xf32, #tpu.memory_space<hbm>>
        tpu.enqueue_dma source(%dma_start3A_522 : memref<128xf32, #tpu.memory_space<hbm>>) target(%dma_start3A_521 : memref<128xf32, #tpu.memory_space<vmem>>) target_semaphore(%arg17 : memref<!tpu.dma_semaphore, #tpu.memory_space<semaphore_mem>>)
      } else {
      }
      %add3A_359 = arith.constant 1 : i32
      %add3A_360 = arith.addi %mul3A_191, %add3A_359 : i32
      %mul3A_361 = arith.constant 128 : i32
      %mul3A_362 = arith.muli %add3A_360, %mul3A_361 : i32
      %add3A_363 = arith.addi %mul3A_2, %mul3A_362 : i32
      %multiple_of3A_364 = tpu.assume_multiple %add3A_363, 8 : i32
      %dma_wait3A_365 = arith.constant 1 : i32
      %dma_wait3A_366 = arith.constant 0 : i32
      %dma_wait3A_367 = tpu.memref_slice %arg10[%dma_wait3A_365, %dma_wait3A_366] : memref<2x128xi32, #tpu.memory_space<vmem>> -> memref<1x128xi32, #tpu.memory_space<vmem>>
      %dma_wait3A_368 = tpu.memref_squeeze %dma_wait3A_367 : memref<1x128xi32, #tpu.memory_space<vmem>> -> memref<128xi32, #tpu.memory_space<vmem>>
      %dma_wait3A_369 = tpu.memref_slice %arg4[%multiple_of3A_364] : memref<160000xi32, #tpu.memory_space<hbm>> -> memref<128xi32, #tpu.memory_space<hbm>>
      %dma_wait3A_370 = arith.constant 0 : i32
      %dma_wait3A_371 = tpu.memref_slice %arg10[%dma_wait3A_365, %dma_wait3A_370] : memref<2x128xi32, #tpu.memory_space<vmem>> -> memref<1x128xi32, #tpu.memory_space<vmem>>
      %dma_wait3A_372 = tpu.memref_squeeze %dma_wait3A_371 : memref<1x128xi32, #tpu.memory_space<vmem>> -> memref<128xi32, #tpu.memory_space<vmem>>
      %dma_wait3A_373 = tpu.memref_slice %arg4[%multiple_of3A_364] : memref<160000xi32, #tpu.memory_space<hbm>> -> memref<128xi32, #tpu.memory_space<hbm>>
      tpu.wait_dma2 semaphore(%arg18 : memref<!tpu.dma_semaphore, #tpu.memory_space<semaphore_mem>>) src(%dma_wait3A_373 : memref<128xi32, #tpu.memory_space<hbm>>) dst(%dma_wait3A_372 : memref<128xi32, #tpu.memory_space<vmem>>)
      %dma_wait3A_374 = arith.constant 1 : i32
      %dma_wait3A_375 = arith.constant 0 : i32
      %dma_wait3A_376 = arith.constant 0 : i32
      %dma_wait3A_377 = tpu.memref_slice %arg8[%dma_wait3A_374, %dma_wait3A_375, %dma_wait3A_376] : memref<2x128x128xf32, #tpu.memory_space<vmem>> -> memref<1x128x128xf32, #tpu.memory_space<vmem>>
      %dma_wait3A_378 = tpu.memref_squeeze %dma_wait3A_377 : memref<1x128x128xf32, #tpu.memory_space<vmem>> -> memref<128x128xf32, #tpu.memory_space<vmem>>
      %dma_wait3A_379 = arith.constant 0 : i32
      %dma_wait3A_380 = tpu.memref_slice %arg2[%multiple_of3A_364, %dma_wait3A_379] : memref<160000x128xf32, #tpu.memory_space<hbm>> -> memref<128x128xf32, #tpu.memory_space<hbm>>
      %dma_wait3A_381 = arith.constant 0 : i32
      %dma_wait3A_382 = arith.constant 0 : i32
      %dma_wait3A_383 = tpu.memref_slice %arg8[%dma_wait3A_374, %dma_wait3A_381, %dma_wait3A_382] : memref<2x128x128xf32, #tpu.memory_space<vmem>> -> memref<1x128x128xf32, #tpu.memory_space<vmem>>
      %dma_wait3A_384 = tpu.memref_squeeze %dma_wait3A_383 : memref<1x128x128xf32, #tpu.memory_space<vmem>> -> memref<128x128xf32, #tpu.memory_space<vmem>>
      %dma_wait3A_385 = arith.constant 0 : i32
      %dma_wait3A_386 = tpu.memref_slice %arg2[%multiple_of3A_364, %dma_wait3A_385] : memref<160000x128xf32, #tpu.memory_space<hbm>> -> memref<128x128xf32, #tpu.memory_space<hbm>>
      tpu.wait_dma2 semaphore(%arg18 : memref<!tpu.dma_semaphore, #tpu.memory_space<semaphore_mem>>) src(%dma_wait3A_386 : memref<128x128xf32, #tpu.memory_space<hbm>>) dst(%dma_wait3A_384 : memref<128x128xf32, #tpu.memory_space<vmem>>)
      %dma_wait3A_387 = arith.constant 1 : i32
      %dma_wait3A_388 = arith.constant 0 : i32
      %dma_wait3A_389 = tpu.memref_slice %arg9[%dma_wait3A_387, %dma_wait3A_388] : memref<2x128xf32, #tpu.memory_space<vmem>> -> memref<1x128xf32, #tpu.memory_space<vmem>>
      %dma_wait3A_390 = tpu.memref_squeeze %dma_wait3A_389 : memref<1x128xf32, #tpu.memory_space<vmem>> -> memref<128xf32, #tpu.memory_space<vmem>>
      %dma_wait3A_391 = tpu.memref_slice %arg3[%multiple_of3A_364] : memref<160000xf32, #tpu.memory_space<hbm>> -> memref<128xf32, #tpu.memory_space<hbm>>
      %dma_wait3A_392 = arith.constant 0 : i32
      %dma_wait3A_393 = tpu.memref_slice %arg9[%dma_wait3A_387, %dma_wait3A_392] : memref<2x128xf32, #tpu.memory_space<vmem>> -> memref<1x128xf32, #tpu.memory_space<vmem>>
      %dma_wait3A_394 = tpu.memref_squeeze %dma_wait3A_393 : memref<1x128xf32, #tpu.memory_space<vmem>> -> memref<128xf32, #tpu.memory_space<vmem>>
      %dma_wait3A_395 = tpu.memref_slice %arg3[%multiple_of3A_364] : memref<160000xf32, #tpu.memory_space<hbm>> -> memref<128xf32, #tpu.memory_space<hbm>>
      tpu.wait_dma2 semaphore(%arg18 : memref<!tpu.dma_semaphore, #tpu.memory_space<semaphore_mem>>) src(%dma_wait3A_395 : memref<128xf32, #tpu.memory_space<hbm>>) dst(%dma_wait3A_394 : memref<128xf32, #tpu.memory_space<vmem>>)
      %add3A_396 = arith.constant 1 : i32
      %add3A_397 = arith.addi %mul3A_191, %add3A_396 : i32
      %dma_start3A_398 = arith.constant 1 : i32
      %dma_start3A_399 = arith.constant 1 : i32
      %dma_start3A_400 = arith.constant 0 : i32
      %dma_start3A_401 = arith.constant 0 : i32
      %dma_start3A_402 = tpu.memref_slice %arg8[%dma_start3A_398, %dma_start3A_400, %dma_start3A_401] : memref<2x128x128xf32, #tpu.memory_space<vmem>> -> memref<1x128x128xf32, #tpu.memory_space<vmem>>
      %dma_start3A_403 = tpu.memref_squeeze %dma_start3A_402 : memref<1x128x128xf32, #tpu.memory_space<vmem>> -> memref<128x128xf32, #tpu.memory_space<vmem>>
      %dma_start3A_404 = arith.constant 0 : i32
      %dma_start3A_405 = tpu.memref_slice %arg10[%dma_start3A_399, %dma_start3A_404] : memref<2x128xi32, #tpu.memory_space<vmem>> -> memref<1x128xi32, #tpu.memory_space<vmem>>
      %dma_start3A_406 = tpu.memref_squeeze %dma_start3A_405 : memref<1x128xi32, #tpu.memory_space<vmem>> -> memref<128xi32, #tpu.memory_space<vmem>>
      %dma_start3A_407 = arith.constant 0 : i32
      %dma_start3A_408 = arith.constant 0 : i32
      %dma_start3A_409 = tpu.memref_slice %arg16[%dma_start3A_407, %dma_start3A_408] : memref<10000x128xf32, #tpu.memory_space<vmem_shared>> -> memref<10000x128xf32, #tpu.memory_space<vmem_shared>>
      tpu.enqueue_indirect_dma source(%dma_start3A_403 : memref<128x128xf32, #tpu.memory_space<vmem>>) target(%dma_start3A_409 : memref<10000x128xf32, #tpu.memory_space<vmem_shared>>) offsets(%dma_start3A_406 : memref<128xi32, #tpu.memory_space<vmem>>) semaphore(%arg19 : memref<!tpu.dma_semaphore, #tpu.memory_space<semaphore_mem>>) {add = true}
      %get3A_410 = arith.constant 1 : i32
      %get3A_411 = arith.index_cast %get3A_410 : i32 to index
      %get3A_412 = arith.constant 0 : index
      %get3A_413 = tpu.vector_load %arg9[%get3A_411, %get3A_412] {strides = array<i32>} : memref<2x128xf32, #tpu.memory_space<vmem>>, vector<16xf32>,
      %get3A_414 = arith.constant 1 : i32
      %get3A_415 = arith.index_cast %get3A_414 : i32 to index
      %get3A_416 = arith.constant 0 : index
      %get3A_417 = tpu.vector_load %arg10[%get3A_415, %get3A_416] {strides = array<i32>} : memref<2x128xi32, #tpu.memory_space<vmem>>, vector<16xi32>,
      tpu.vector_store_idx %arg15[%get3A_417], %get3A_413 {add = true} : memref<10000xf32, #tpu.memory_space<vmem>>[vector<16xi32>], vector<16xf32>,
      %get3A_418 = arith.constant 1 : i32
      %get3A_419 = arith.index_cast %get3A_418 : i32 to index
      %get3A_420 = arith.constant 16 : index
      %get3A_421 = tpu.vector_load %arg9[%get3A_419, %get3A_420] {strides = array<i32>} : memref<2x128xf32, #tpu.memory_space<vmem>>, vector<16xf32>,
      %get3A_422 = arith.constant 1 : i32
      %get3A_423 = arith.index_cast %get3A_422 : i32 to index
      %get3A_424 = arith.constant 16 : index
      %get3A_425 = tpu.vector_load %arg10[%get3A_423, %get3A_424] {strides = array<i32>} : memref<2x128xi32, #tpu.memory_space<vmem>>, vector<16xi32>,
      tpu.vector_store_idx %arg15[%get3A_425], %get3A_421 {add = true} : memref<10000xf32, #tpu.memory_space<vmem>>[vector<16xi32>], vector<16xf32>,
      %get3A_426 = arith.constant 1 : i32
      %get3A_427 = arith.index_cast %get3A_426 : i32 to index
      %get3A_428 = arith.constant 32 : index
      %get3A_429 = tpu.vector_load %arg9[%get3A_427, %get3A_428] {strides = array<i32>} : memref<2x128xf32, #tpu.memory_space<vmem>>, vector<16xf32>,
      %get3A_430 = arith.constant 1 : i32
      %get3A_431 = arith.index_cast %get3A_430 : i32 to index
      %get3A_432 = arith.constant 32 : index
      %get3A_433 = tpu.vector_load %arg10[%get3A_431, %get3A_432] {strides = array<i32>} : memref<2x128xi32, #tpu.memory_space<vmem>>, vector<16xi32>,
      tpu.vector_store_idx %arg15[%get3A_433], %get3A_429 {add = true} : memref<10000xf32, #tpu.memory_space<vmem>>[vector<16xi32>], vector<16xf32>,
      %get3A_434 = arith.constant 1 : i32
      %get3A_435 = arith.index_cast %get3A_434 : i32 to index
      %get3A_436 = arith.constant 48 : index
      %get3A_437 = tpu.vector_load %arg9[%get3A_435, %get3A_436] {strides = array<i32>} : memref<2x128xf32, #tpu.memory_space<vmem>>, vector<16xf32>,
      %get3A_438 = arith.constant 1 : i32
      %get3A_439 = arith.index_cast %get3A_438 : i32 to index
      %get3A_440 = arith.constant 48 : index
      %get3A_441 = tpu.vector_load %arg10[%get3A_439, %get3A_440] {strides = array<i32>} : memref<2x128xi32, #tpu.memory_space<vmem>>, vector<16xi32>,
      tpu.vector_store_idx %arg15[%get3A_441], %get3A_437 {add = true} : memref<10000xf32, #tpu.memory_space<vmem>>[vector<16xi32>], vector<16xf32>,
      %get3A_442 = arith.constant 1 : i32
      %get3A_443 = arith.index_cast %get3A_442 : i32 to index
      %get3A_444 = arith.constant 64 : index
      %get3A_445 = tpu.vector_load %arg9[%get3A_443, %get3A_444] {strides = array<i32>} : memref<2x128xf32, #tpu.memory_space<vmem>>, vector<16xf32>,
      %get3A_446 = arith.constant 1 : i32
      %get3A_447 = arith.index_cast %get3A_446 : i32 to index
      %get3A_448 = arith.constant 64 : index
      %get3A_449 = tpu.vector_load %arg10[%get3A_447, %get3A_448] {strides = array<i32>} : memref<2x128xi32, #tpu.memory_space<vmem>>, vector<16xi32>,
      tpu.vector_store_idx %arg15[%get3A_449], %get3A_445 {add = true} : memref<10000xf32, #tpu.memory_space<vmem>>[vector<16xi32>], vector<16xf32>,
      %get3A_450 = arith.constant 1 : i32
      %get3A_451 = arith.index_cast %get3A_450 : i32 to index
      %get3A_452 = arith.constant 80 : index
      %get3A_453 = tpu.vector_load %arg9[%get3A_451, %get3A_452] {strides = array<i32>} : memref<2x128xf32, #tpu.memory_space<vmem>>, vector<16xf32>,
      %get3A_454 = arith.constant 1 : i32
      %get3A_455 = arith.index_cast %get3A_454 : i32 to index
      %get3A_456 = arith.constant 80 : index
      %get3A_457 = tpu.vector_load %arg10[%get3A_455, %get3A_456] {strides = array<i32>} : memref<2x128xi32, #tpu.memory_space<vmem>>, vector<16xi32>,
      tpu.vector_store_idx %arg15[%get3A_457], %get3A_453 {add = true} : memref<10000xf32, #tpu.memory_space<vmem>>[vector<16xi32>], vector<16xf32>,
      %get3A_458 = arith.constant 1 : i32
      %get3A_459 = arith.index_cast %get3A_458 : i32 to index
      %get3A_460 = arith.constant 96 : index
      %get3A_461 = tpu.vector_load %arg9[%get3A_459, %get3A_460] {strides = array<i32>} : memref<2x128xf32, #tpu.memory_space<vmem>>, vector<16xf32>,
      %get3A_462 = arith.constant 1 : i32
      %get3A_463 = arith.index_cast %get3A_462 : i32 to index
      %get3A_464 = arith.constant 96 : index
      %get3A_465 = tpu.vector_load %arg10[%get3A_463, %get3A_464] {strides = array<i32>} : memref<2x128xi32, #tpu.memory_space<vmem>>, vector<16xi32>,
      tpu.vector_store_idx %arg15[%get3A_465], %get3A_461 {add = true} : memref<10000xf32, #tpu.memory_space<vmem>>[vector<16xi32>], vector<16xf32>,
      %get3A_466 = arith.constant 1 : i32
      %get3A_467 = arith.index_cast %get3A_466 : i32 to index
      %get3A_468 = arith.constant 112 : index
      %get3A_469 = tpu.vector_load %arg9[%get3A_467, %get3A_468] {strides = array<i32>} : memref<2x128xf32, #tpu.memory_space<vmem>>, vector<16xf32>,
      %get3A_470 = arith.constant 1 : i32
      %get3A_471 = arith.index_cast %get3A_470 : i32 to index
      %get3A_472 = arith.constant 112 : index
      %get3A_473 = tpu.vector_load %arg10[%get3A_471, %get3A_472] {strides = array<i32>} : memref<2x128xi32, #tpu.memory_space<vmem>>, vector<16xi32>,
      tpu.vector_store_idx %arg15[%get3A_473], %get3A_469 {add = true} : memref<10000xf32, #tpu.memory_space<vmem>>[vector<16xi32>], vector<16xf32>,
      %dma_wait3A_474 = arith.constant 1 : i32
      %dma_wait3A_475 = arith.constant 1 : i32
      %dma_wait3A_476 = arith.constant 0 : i32
      %dma_wait3A_477 = arith.constant 0 : i32
      %dma_wait3A_478 = tpu.memref_slice %arg8[%dma_wait3A_474, %dma_wait3A_476, %dma_wait3A_477] : memref<2x128x128xf32, #tpu.memory_space<vmem>> -> memref<1x128x128xf32, #tpu.memory_space<vmem>>
      %dma_wait3A_479 = tpu.memref_squeeze %dma_wait3A_478 : memref<1x128x128xf32, #tpu.memory_space<vmem>> -> memref<128x128xf32, #tpu.memory_space<vmem>>
      %dma_wait3A_480 = arith.constant 0 : i32
      %dma_wait3A_481 = tpu.memref_slice %arg10[%dma_wait3A_475, %dma_wait3A_480] : memref<2x128xi32, #tpu.memory_space<vmem>> -> memref<1x128xi32, #tpu.memory_space<vmem>>
      %dma_wait3A_482 = tpu.memref_squeeze %dma_wait3A_481 : memref<1x128xi32, #tpu.memory_space<vmem>> -> memref<128xi32, #tpu.memory_space<vmem>>
      %dma_wait3A_483 = arith.constant 0 : i32
      %dma_wait3A_484 = arith.constant 0 : i32
      %dma_wait3A_485 = tpu.memref_slice %arg16[%dma_wait3A_483, %dma_wait3A_484] : memref<10000x128xf32, #tpu.memory_space<vmem_shared>> -> memref<10000x128xf32, #tpu.memory_space<vmem_shared>>
      tpu.wait_indirect_dma semaphore(%arg19 : memref<!tpu.dma_semaphore, #tpu.memory_space<semaphore_mem>>) src(%dma_wait3A_479 : memref<128x128xf32, #tpu.memory_space<vmem>>) dst(%dma_wait3A_485 : memref<10000x128xf32, #tpu.memory_space<vmem_shared>>)
    }
    %scan3A_50 = arith.constant 19 : i32
    %add3A_51 = arith.constant 4864 : i32
    %add3A_52 = arith.addi %mul3A_2, %add3A_51 : i32
    %multiple_of3A_53 = tpu.assume_multiple %add3A_52, 8 : i32
    %dma_wait3A = arith.constant 0 : i32
    %dma_wait3A_54 = arith.constant 0 : i32
    %dma_wait3A_55 = tpu.memref_slice %arg10[%dma_wait3A, %dma_wait3A_54] : memref<2x128xi32, #tpu.memory_space<vmem>> -> memref<1x128xi32, #tpu.memory_space<vmem>>
    %dma_wait3A_56 = tpu.memref_squeeze %dma_wait3A_55 : memref<1x128xi32, #tpu.memory_space<vmem>> -> memref<128xi32, #tpu.memory_space<vmem>>
    %dma_wait3A_57 = tpu.memref_slice %arg4[%multiple_of3A_53] : memref<160000xi32, #tpu.memory_space<hbm>> -> memref<128xi32, #tpu.memory_space<hbm>>
    %dma_wait3A_58 = arith.constant 0 : i32
    %dma_wait3A_59 = tpu.memref_slice %arg10[%dma_wait3A, %dma_wait3A_58] : memref<2x128xi32, #tpu.memory_space<vmem>> -> memref<1x128xi32, #tpu.memory_space<vmem>>
    %dma_wait3A_60 = tpu.memref_squeeze %dma_wait3A_59 : memref<1x128xi32, #tpu.memory_space<vmem>> -> memref<128xi32, #tpu.memory_space<vmem>>
    %dma_wait3A_61 = tpu.memref_slice %arg4[%multiple_of3A_53] : memref<160000xi32, #tpu.memory_space<hbm>> -> memref<128xi32, #tpu.memory_space<hbm>>
    tpu.wait_dma2 semaphore(%arg17 : memref<!tpu.dma_semaphore, #tpu.memory_space<semaphore_mem>>) src(%dma_wait3A_61 : memref<128xi32, #tpu.memory_space<hbm>>) dst(%dma_wait3A_60 : memref<128xi32, #tpu.memory_space<vmem>>)
    %dma_wait3A_62 = arith.constant 0 : i32
    %dma_wait3A_63 = arith.constant 0 : i32
    %dma_wait3A_64 = arith.constant 0 : i32
    %dma_wait3A_65 = tpu.memref_slice %arg8[%dma_wait3A_62, %dma_wait3A_63, %dma_wait3A_64] : memref<2x128x128xf32, #tpu.memory_space<vmem>> -> memref<1x128x128xf32, #tpu.memory_space<vmem>>
    %dma_wait3A_66 = tpu.memref_squeeze %dma_wait3A_65 : memref<1x128x128xf32, #tpu.memory_space<vmem>> -> memref<128x128xf32, #tpu.memory_space<vmem>>
    %dma_wait3A_67 = arith.constant 0 : i32
    %dma_wait3A_68 = tpu.memref_slice %arg2[%multiple_of3A_53, %dma_wait3A_67] : memref<160000x128xf32, #tpu.memory_space<hbm>> -> memref<128x128xf32, #tpu.memory_space<hbm>>
    %dma_wait3A_69 = arith.constant 0 : i32
    %dma_wait3A_70 = arith.constant 0 : i32
    %dma_wait3A_71 = tpu.memref_slice %arg8[%dma_wait3A_62, %dma_wait3A_69, %dma_wait3A_70] : memref<2x128x128xf32, #tpu.memory_space<vmem>> -> memref<1x128x128xf32, #tpu.memory_space<vmem>>
    %dma_wait3A_72 = tpu.memref_squeeze %dma_wait3A_71 : memref<1x128x128xf32, #tpu.memory_space<vmem>> -> memref<128x128xf32, #tpu.memory_space<vmem>>
    %dma_wait3A_73 = arith.constant 0 : i32
    %dma_wait3A_74 = tpu.memref_slice %arg2[%multiple_of3A_53, %dma_wait3A_73] : memref<160000x128xf32, #tpu.memory_space<hbm>> -> memref<128x128xf32, #tpu.memory_space<hbm>>
    tpu.wait_dma2 semaphore(%arg17 : memref<!tpu.dma_semaphore, #tpu.memory_space<semaphore_mem>>) src(%dma_wait3A_74 : memref<128x128xf32, #tpu.memory_space<hbm>>) dst(%dma_wait3A_72 : memref<128x128xf32, #tpu.memory_space<vmem>>)
    %dma_wait3A_75 = arith.constant 0 : i32
    %dma_wait3A_76 = arith.constant 0 : i32
    %dma_wait3A_77 = tpu.memref_slice %arg9[%dma_wait3A_75, %dma_wait3A_76] : memref<2x128xf32, #tpu.memory_space<vmem>> -> memref<1x128xf32, #tpu.memory_space<vmem>>
    %dma_wait3A_78 = tpu.memref_squeeze %dma_wait3A_77 : memref<1x128xf32, #tpu.memory_space<vmem>> -> memref<128xf32, #tpu.memory_space<vmem>>
    %dma_wait3A_79 = tpu.memref_slice %arg3[%multiple_of3A_53] : memref<160000xf32, #tpu.memory_space<hbm>> -> memref<128xf32, #tpu.memory_space<hbm>>
    %dma_wait3A_80 = arith.constant 0 : i32
    %dma_wait3A_81 = tpu.memref_slice %arg9[%dma_wait3A_75, %dma_wait3A_80] : memref<2x128xf32, #tpu.memory_space<vmem>> -> memref<1x128xf32, #tpu.memory_space<vmem>>
    %dma_wait3A_82 = tpu.memref_squeeze %dma_wait3A_81 : memref<1x128xf32, #tpu.memory_space<vmem>> -> memref<128xf32, #tpu.memory_space<vmem>>
    %dma_wait3A_83 = tpu.memref_slice %arg3[%multiple_of3A_53] : memref<160000xf32, #tpu.memory_space<hbm>> -> memref<128xf32, #tpu.memory_space<hbm>>
    tpu.wait_dma2 semaphore(%arg17 : memref<!tpu.dma_semaphore, #tpu.memory_space<semaphore_mem>>) src(%dma_wait3A_83 : memref<128xf32, #tpu.memory_space<hbm>>) dst(%dma_wait3A_82 : memref<128xf32, #tpu.memory_space<vmem>>)
    %dma_start3A_84 = arith.constant 0 : i32
    %dma_start3A_85 = arith.constant 0 : i32
    %dma_start3A_86 = arith.constant 0 : i32
    %dma_start3A_87 = arith.constant 0 : i32
    %dma_start3A_88 = tpu.memref_slice %arg8[%dma_start3A_84, %dma_start3A_86, %dma_start3A_87] : memref<2x128x128xf32, #tpu.memory_space<vmem>> -> memref<1x128x128xf32, #tpu.memory_space<vmem>>
    %dma_start3A_89 = tpu.memref_squeeze %dma_start3A_88 : memref<1x128x128xf32, #tpu.memory_space<vmem>> -> memref<128x128xf32, #tpu.memory_space<vmem>>
    %dma_start3A_90 = arith.constant 0 : i32
    %dma_start3A_91 = tpu.memref_slice %arg10[%dma_start3A_85, %dma_start3A_90] : memref<2x128xi32, #tpu.memory_space<vmem>> -> memref<1x128xi32, #tpu.memory_space<vmem>>
    %dma_start3A_92 = tpu.memref_squeeze %dma_start3A_91 : memref<1x128xi32, #tpu.memory_space<vmem>> -> memref<128xi32, #tpu.memory_space<vmem>>
    %dma_start3A_93 = arith.constant 0 : i32
    %dma_start3A_94 = arith.constant 0 : i32
    %dma_start3A_95 = tpu.memref_slice %arg16[%dma_start3A_93, %dma_start3A_94] : memref<10000x128xf32, #tpu.memory_space<vmem_shared>> -> memref<10000x128xf32, #tpu.memory_space<vmem_shared>>
    tpu.enqueue_indirect_dma source(%dma_start3A_89 : memref<128x128xf32, #tpu.memory_space<vmem>>) target(%dma_start3A_95 : memref<10000x128xf32, #tpu.memory_space<vmem_shared>>) offsets(%dma_start3A_92 : memref<128xi32, #tpu.memory_space<vmem>>) semaphore(%arg19 : memref<!tpu.dma_semaphore, #tpu.memory_space<semaphore_mem>>) {add = true}
    %get3A = arith.constant 0 : i32
    %get3A_96 = arith.index_cast %get3A : i32 to index
    %get3A_97 = arith.constant 0 : index
    %get3A_98 = tpu.vector_load %arg9[%get3A_96, %get3A_97] {strides = array<i32>} : memref<2x128xf32, #tpu.memory_space<vmem>>, vector<16xf32>,
    %get3A_99 = arith.constant 0 : i32
    %get3A_100 = arith.index_cast %get3A_99 : i32 to index
    %get3A_101 = arith.constant 0 : index
    %get3A_102 = tpu.vector_load %arg10[%get3A_100, %get3A_101] {strides = array<i32>} : memref<2x128xi32, #tpu.memory_space<vmem>>, vector<16xi32>,
    tpu.vector_store_idx %arg15[%get3A_102], %get3A_98 {add = true} : memref<10000xf32, #tpu.memory_space<vmem>>[vector<16xi32>], vector<16xf32>,
    %get3A_103 = arith.constant 0 : i32
    %get3A_104 = arith.index_cast %get3A_103 : i32 to index
    %get3A_105 = arith.constant 16 : index
    %get3A_106 = tpu.vector_load %arg9[%get3A_104, %get3A_105] {strides = array<i32>} : memref<2x128xf32, #tpu.memory_space<vmem>>, vector<16xf32>,
    %get3A_107 = arith.constant 0 : i32
    %get3A_108 = arith.index_cast %get3A_107 : i32 to index
    %get3A_109 = arith.constant 16 : index
    %get3A_110 = tpu.vector_load %arg10[%get3A_108, %get3A_109] {strides = array<i32>} : memref<2x128xi32, #tpu.memory_space<vmem>>, vector<16xi32>,
    tpu.vector_store_idx %arg15[%get3A_110], %get3A_106 {add = true} : memref<10000xf32, #tpu.memory_space<vmem>>[vector<16xi32>], vector<16xf32>,
    %get3A_111 = arith.constant 0 : i32
    %get3A_112 = arith.index_cast %get3A_111 : i32 to index
    %get3A_113 = arith.constant 32 : index
    %get3A_114 = tpu.vector_load %arg9[%get3A_112, %get3A_113] {strides = array<i32>} : memref<2x128xf32, #tpu.memory_space<vmem>>, vector<16xf32>,
    %get3A_115 = arith.constant 0 : i32
    %get3A_116 = arith.index_cast %get3A_115 : i32 to index
    %get3A_117 = arith.constant 32 : index
    %get3A_118 = tpu.vector_load %arg10[%get3A_116, %get3A_117] {strides = array<i32>} : memref<2x128xi32, #tpu.memory_space<vmem>>, vector<16xi32>,
    tpu.vector_store_idx %arg15[%get3A_118], %get3A_114 {add = true} : memref<10000xf32, #tpu.memory_space<vmem>>[vector<16xi32>], vector<16xf32>,
    %get3A_119 = arith.constant 0 : i32
    %get3A_120 = arith.index_cast %get3A_119 : i32 to index
    %get3A_121 = arith.constant 48 : index
    %get3A_122 = tpu.vector_load %arg9[%get3A_120, %get3A_121] {strides = array<i32>} : memref<2x128xf32, #tpu.memory_space<vmem>>, vector<16xf32>,
    %get3A_123 = arith.constant 0 : i32
    %get3A_124 = arith.index_cast %get3A_123 : i32 to index
    %get3A_125 = arith.constant 48 : index
    %get3A_126 = tpu.vector_load %arg10[%get3A_124, %get3A_125] {strides = array<i32>} : memref<2x128xi32, #tpu.memory_space<vmem>>, vector<16xi32>,
    tpu.vector_store_idx %arg15[%get3A_126], %get3A_122 {add = true} : memref<10000xf32, #tpu.memory_space<vmem>>[vector<16xi32>], vector<16xf32>,
    %get3A_127 = arith.constant 0 : i32
    %get3A_128 = arith.index_cast %get3A_127 : i32 to index
    %get3A_129 = arith.constant 64 : index
    %get3A_130 = tpu.vector_load %arg9[%get3A_128, %get3A_129] {strides = array<i32>} : memref<2x128xf32, #tpu.memory_space<vmem>>, vector<16xf32>,
    %get3A_131 = arith.constant 0 : i32
    %get3A_132 = arith.index_cast %get3A_131 : i32 to index
    %get3A_133 = arith.constant 64 : index
    %get3A_134 = tpu.vector_load %arg10[%get3A_132, %get3A_133] {strides = array<i32>} : memref<2x128xi32, #tpu.memory_space<vmem>>, vector<16xi32>,
    tpu.vector_store_idx %arg15[%get3A_134], %get3A_130 {add = true} : memref<10000xf32, #tpu.memory_space<vmem>>[vector<16xi32>], vector<16xf32>,
    %get3A_135 = arith.constant 0 : i32
    %get3A_136 = arith.index_cast %get3A_135 : i32 to index
    %get3A_137 = arith.constant 80 : index
    %get3A_138 = tpu.vector_load %arg9[%get3A_136, %get3A_137] {strides = array<i32>} : memref<2x128xf32, #tpu.memory_space<vmem>>, vector<16xf32>,
    %get3A_139 = arith.constant 0 : i32
    %get3A_140 = arith.index_cast %get3A_139 : i32 to index
    %get3A_141 = arith.constant 80 : index
    %get3A_142 = tpu.vector_load %arg10[%get3A_140, %get3A_141] {strides = array<i32>} : memref<2x128xi32, #tpu.memory_space<vmem>>, vector<16xi32>,
    tpu.vector_store_idx %arg15[%get3A_142], %get3A_138 {add = true} : memref<10000xf32, #tpu.memory_space<vmem>>[vector<16xi32>], vector<16xf32>,
    %get3A_143 = arith.constant 0 : i32
    %get3A_144 = arith.index_cast %get3A_143 : i32 to index
    %get3A_145 = arith.constant 96 : index
    %get3A_146 = tpu.vector_load %arg9[%get3A_144, %get3A_145] {strides = array<i32>} : memref<2x128xf32, #tpu.memory_space<vmem>>, vector<16xf32>,
    %get3A_147 = arith.constant 0 : i32
    %get3A_148 = arith.index_cast %get3A_147 : i32 to index
    %get3A_149 = arith.constant 96 : index
    %get3A_150 = tpu.vector_load %arg10[%get3A_148, %get3A_149] {strides = array<i32>} : memref<2x128xi32, #tpu.memory_space<vmem>>, vector<16xi32>,
    tpu.vector_store_idx %arg15[%get3A_150], %get3A_146 {add = true} : memref<10000xf32, #tpu.memory_space<vmem>>[vector<16xi32>], vector<16xf32>,
    %get3A_151 = arith.constant 0 : i32
    %get3A_152 = arith.index_cast %get3A_151 : i32 to index
    %get3A_153 = arith.constant 112 : index
    %get3A_154 = tpu.vector_load %arg9[%get3A_152, %get3A_153] {strides = array<i32>} : memref<2x128xf32, #tpu.memory_space<vmem>>, vector<16xf32>,
    %get3A_155 = arith.constant 0 : i32
    %get3A_156 = arith.index_cast %get3A_155 : i32 to index
    %get3A_157 = arith.constant 112 : index
    %get3A_158 = tpu.vector_load %arg10[%get3A_156, %get3A_157] {strides = array<i32>} : memref<2x128xi32, #tpu.memory_space<vmem>>, vector<16xi32>,
    tpu.vector_store_idx %arg15[%get3A_158], %get3A_154 {add = true} : memref<10000xf32, #tpu.memory_space<vmem>>[vector<16xi32>], vector<16xf32>,
    %dma_wait3A_159 = arith.constant 0 : i32
    %dma_wait3A_160 = arith.constant 0 : i32
    %dma_wait3A_161 = arith.constant 0 : i32
    %dma_wait3A_162 = arith.constant 0 : i32
    %dma_wait3A_163 = tpu.memref_slice %arg8[%dma_wait3A_159, %dma_wait3A_161, %dma_wait3A_162] : memref<2x128x128xf32, #tpu.memory_space<vmem>> -> memref<1x128x128xf32, #tpu.memory_space<vmem>>
    %dma_wait3A_164 = tpu.memref_squeeze %dma_wait3A_163 : memref<1x128x128xf32, #tpu.memory_space<vmem>> -> memref<128x128xf32, #tpu.memory_space<vmem>>
    %dma_wait3A_165 = arith.constant 0 : i32
    %dma_wait3A_166 = tpu.memref_slice %arg10[%dma_wait3A_160, %dma_wait3A_165] : memref<2x128xi32, #tpu.memory_space<vmem>> -> memref<1x128xi32, #tpu.memory_space<vmem>>
    %dma_wait3A_167 = tpu.memref_squeeze %dma_wait3A_166 : memref<1x128xi32, #tpu.memory_space<vmem>> -> memref<128xi32, #tpu.memory_space<vmem>>
    %dma_wait3A_168 = arith.constant 0 : i32
    %dma_wait3A_169 = arith.constant 0 : i32
    %dma_wait3A_170 = tpu.memref_slice %arg16[%dma_wait3A_168, %dma_wait3A_169] : memref<10000x128xf32, #tpu.memory_space<vmem_shared>> -> memref<10000x128xf32, #tpu.memory_space<vmem_shared>>
    tpu.wait_indirect_dma semaphore(%arg19 : memref<!tpu.dma_semaphore, #tpu.memory_space<semaphore_mem>>) src(%dma_wait3A_164 : memref<128x128xf32, #tpu.memory_space<vmem>>) dst(%dma_wait3A_170 : memref<10000x128xf32, #tpu.memory_space<vmem_shared>>)
    %add3A_171 = arith.constant 4992 : i32
    %add3A_172 = arith.addi %mul3A_2, %add3A_171 : i32
    %multiple_of3A_173 = tpu.assume_multiple %add3A_172, 8 : i32
    "tpu.region"() ({
      %run_scoped3A = tpu.sem_alloc : memref<!tpu.dma_semaphore, #tpu.memory_space<semaphore_mem>>
      %dma_start3A_189 = tpu.memref_slice %arg4[%multiple_of3A_173] : memref<160000xi32, #tpu.memory_space<hbm>> -> memref<8xi32, #tpu.memory_space<hbm>>
      %dma_start3A_190 = tpu.memref_slice %arg4[%multiple_of3A_173] : memref<160000xi32, #tpu.memory_space<hbm>> -> memref<8xi32, #tpu.memory_space<hbm>>
      tpu.enqueue_dma source(%dma_start3A_190 : memref<8xi32, #tpu.memory_space<hbm>>) target(%arg13 : memref<8xi32, #tpu.memory_space<vmem>>) target_semaphore(%run_scoped3A : memref<!tpu.dma_semaphore, #tpu.memory_space<semaphore_mem>>)
      %dma_wait3A_191 = tpu.memref_slice %arg4[%multiple_of3A_173] : memref<160000xi32, #tpu.memory_space<hbm>> -> memref<8xi32, #tpu.memory_space<hbm>>
      %dma_wait3A_192 = tpu.memref_slice %arg4[%multiple_of3A_173] : memref<160000xi32, #tpu.memory_space<hbm>> -> memref<8xi32, #tpu.memory_space<hbm>>
      tpu.wait_dma2 semaphore(%run_scoped3A : memref<!tpu.dma_semaphore, #tpu.memory_space<semaphore_mem>>) src(%dma_wait3A_192 : memref<8xi32, #tpu.memory_space<hbm>>) dst(%arg13 : memref<8xi32, #tpu.memory_space<vmem>>)
      tpu.yield
    }) : () -> ()
    "tpu.region"() ({
      %run_scoped3A = tpu.sem_alloc : memref<!tpu.dma_semaphore, #tpu.memory_space<semaphore_mem>>
      %dma_start3A_189 = arith.constant 0 : i32
      %dma_start3A_190 = tpu.memref_slice %arg14[%dma_start3A_189] : memref<16xi32, #tpu.memory_space<vmem>> -> memref<8xi32, #tpu.memory_space<vmem>>
      %dma_start3A_191 = tpu.memref_slice %arg4[%multiple_of3A_173] : memref<160000xi32, #tpu.memory_space<hbm>> -> memref<8xi32, #tpu.memory_space<hbm>>
      %dma_start3A_192 = arith.constant 0 : i32
      %dma_start3A_193 = tpu.memref_slice %arg14[%dma_start3A_192] : memref<16xi32, #tpu.memory_space<vmem>> -> memref<8xi32, #tpu.memory_space<vmem>>
      %dma_start3A_194 = tpu.memref_slice %arg4[%multiple_of3A_173] : memref<160000xi32, #tpu.memory_space<hbm>> -> memref<8xi32, #tpu.memory_space<hbm>>
      tpu.enqueue_dma source(%dma_start3A_194 : memref<8xi32, #tpu.memory_space<hbm>>) target(%dma_start3A_193 : memref<8xi32, #tpu.memory_space<vmem>>) target_semaphore(%run_scoped3A : memref<!tpu.dma_semaphore, #tpu.memory_space<semaphore_mem>>)
      %dma_wait3A_195 = arith.constant 0 : i32
      %dma_wait3A_196 = tpu.memref_slice %arg14[%dma_wait3A_195] : memref<16xi32, #tpu.memory_space<vmem>> -> memref<8xi32, #tpu.memory_space<vmem>>
      %dma_wait3A_197 = tpu.memref_slice %arg4[%multiple_of3A_173] : memref<160000xi32, #tpu.memory_space<hbm>> -> memref<8xi32, #tpu.memory_space<hbm>>
      %dma_wait3A_198 = arith.constant 0 : i32
      %dma_wait3A_199 = tpu.memref_slice %arg14[%dma_wait3A_198] : memref<16xi32, #tpu.memory_space<vmem>> -> memref<8xi32, #tpu.memory_space<vmem>>
      %dma_wait3A_200 = tpu.memref_slice %arg4[%multiple_of3A_173] : memref<160000xi32, #tpu.memory_space<hbm>> -> memref<8xi32, #tpu.memory_space<hbm>>
      tpu.wait_dma2 semaphore(%run_scoped3A : memref<!tpu.dma_semaphore, #tpu.memory_space<semaphore_mem>>) src(%dma_wait3A_200 : memref<8xi32, #tpu.memory_space<hbm>>) dst(%dma_wait3A_199 : memref<8xi32, #tpu.memory_space<vmem>>)
      tpu.yield
    }) : () -> ()
    "tpu.region"() ({
      %run_scoped3A = tpu.sem_alloc : memref<!tpu.dma_semaphore, #tpu.memory_space<semaphore_mem>>
      %dma_start3A_189 = arith.constant 0 : i32
      %dma_start3A_190 = tpu.memref_slice %arg2[%multiple_of3A_173, %dma_start3A_189] : memref<160000x128xf32, #tpu.memory_space<hbm>> -> memref<8x128xf32, #tpu.memory_space<hbm>>
      %dma_start3A_191 = arith.constant 0 : i32
      %dma_start3A_192 = tpu.memref_slice %arg2[%multiple_of3A_173, %dma_start3A_191] : memref<160000x128xf32, #tpu.memory_space<hbm>> -> memref<8x128xf32, #tpu.memory_space<hbm>>
      tpu.enqueue_dma source(%dma_start3A_192 : memref<8x128xf32, #tpu.memory_space<hbm>>) target(%arg11 : memref<8x128xf32, #tpu.memory_space<vmem>>) target_semaphore(%run_scoped3A : memref<!tpu.dma_semaphore, #tpu.memory_space<semaphore_mem>>)
      %dma_wait3A_193 = arith.constant 0 : i32
      %dma_wait3A_194 = tpu.memref_slice %arg2[%multiple_of3A_173, %dma_wait3A_193] : memref<160000x128xf32, #tpu.memory_space<hbm>> -> memref<8x128xf32, #tpu.memory_space<hbm>>
      %dma_wait3A_195 = arith.constant 0 : i32
      %dma_wait3A_196 = tpu.memref_slice %arg2[%multiple_of3A_173, %dma_wait3A_195] : memref<160000x128xf32, #tpu.memory_space<hbm>> -> memref<8x128xf32, #tpu.memory_space<hbm>>
      tpu.wait_dma2 semaphore(%run_scoped3A : memref<!tpu.dma_semaphore, #tpu.memory_space<semaphore_mem>>) src(%dma_wait3A_196 : memref<8x128xf32, #tpu.memory_space<hbm>>) dst(%arg11 : memref<8x128xf32, #tpu.memory_space<vmem>>)
      tpu.yield
    }) : () -> ()
    "tpu.region"() ({
      %run_scoped3A = tpu.sem_alloc : memref<!tpu.dma_semaphore, #tpu.memory_space<semaphore_mem>>
      %dma_start3A_189 = arith.constant 0 : i32
      %dma_start3A_190 = tpu.memref_slice %arg12[%dma_start3A_189] : memref<16xf32, #tpu.memory_space<vmem>> -> memref<8xf32, #tpu.memory_space<vmem>>
      %dma_start3A_191 = tpu.memref_slice %arg3[%multiple_of3A_173] : memref<160000xf32, #tpu.memory_space<hbm>> -> memref<8xf32, #tpu.memory_space<hbm>>
      %dma_start3A_192 = arith.constant 0 : i32
      %dma_start3A_193 = tpu.memref_slice %arg12[%dma_start3A_192] : memref<16xf32, #tpu.memory_space<vmem>> -> memref<8xf32, #tpu.memory_space<vmem>>
      %dma_start3A_194 = tpu.memref_slice %arg3[%multiple_of3A_173] : memref<160000xf32, #tpu.memory_space<hbm>> -> memref<8xf32, #tpu.memory_space<hbm>>
      tpu.enqueue_dma source(%dma_start3A_194 : memref<8xf32, #tpu.memory_space<hbm>>) target(%dma_start3A_193 : memref<8xf32, #tpu.memory_space<vmem>>) target_semaphore(%run_scoped3A : memref<!tpu.dma_semaphore, #tpu.memory_space<semaphore_mem>>)
      %dma_wait3A_195 = arith.constant 0 : i32
      %dma_wait3A_196 = tpu.memref_slice %arg12[%dma_wait3A_195] : memref<16xf32, #tpu.memory_space<vmem>> -> memref<8xf32, #tpu.memory_space<vmem>>
      %dma_wait3A_197 = tpu.memref_slice %arg3[%multiple_of3A_173] : memref<160000xf32, #tpu.memory_space<hbm>> -> memref<8xf32, #tpu.memory_space<hbm>>
      %dma_wait3A_198 = arith.constant 0 : i32
      %dma_wait3A_199 = tpu.memref_slice %arg12[%dma_wait3A_198] : memref<16xf32, #tpu.memory_space<vmem>> -> memref<8xf32, #tpu.memory_space<vmem>>
      %dma_wait3A_200 = tpu.memref_slice %arg3[%multiple_of3A_173] : memref<160000xf32, #tpu.memory_space<hbm>> -> memref<8xf32, #tpu.memory_space<hbm>>
      tpu.wait_dma2 semaphore(%run_scoped3A : memref<!tpu.dma_semaphore, #tpu.memory_space<semaphore_mem>>) src(%dma_wait3A_200 : memref<8xf32, #tpu.memory_space<hbm>>) dst(%dma_wait3A_199 : memref<8xf32, #tpu.memory_space<vmem>>)
      tpu.yield
    }) : () -> ()
    "tpu.region"() ({
      %run_scoped3A = tpu.sem_alloc : memref<!tpu.dma_semaphore, #tpu.memory_space<semaphore_mem>>
      %dma_start3A_189 = arith.constant 0 : i32
      %dma_start3A_190 = arith.constant 0 : i32
      %dma_start3A_191 = tpu.memref_slice %arg16[%dma_start3A_189, %dma_start3A_190] : memref<10000x128xf32, #tpu.memory_space<vmem_shared>> -> memref<10000x128xf32, #tpu.memory_space<vmem_shared>>
      tpu.enqueue_indirect_dma source(%arg11 : memref<8x128xf32, #tpu.memory_space<vmem>>) target(%dma_start3A_191 : memref<10000x128xf32, #tpu.memory_space<vmem_shared>>) offsets(%arg13 : memref<8xi32, #tpu.memory_space<vmem>>) semaphore(%run_scoped3A : memref<!tpu.dma_semaphore, #tpu.memory_space<semaphore_mem>>) {add = true}
      %dma_wait3A_192 = arith.constant 0 : i32
      %dma_wait3A_193 = arith.constant 0 : i32
      %dma_wait3A_194 = tpu.memref_slice %arg16[%dma_wait3A_192, %dma_wait3A_193] : memref<10000x128xf32, #tpu.memory_space<vmem_shared>> -> memref<10000x128xf32, #tpu.memory_space<vmem_shared>>
      tpu.wait_indirect_dma semaphore(%run_scoped3A : memref<!tpu.dma_semaphore, #tpu.memory_space<semaphore_mem>>) src(%arg11 : memref<8x128xf32, #tpu.memory_space<vmem>>) dst(%dma_wait3A_194 : memref<10000x128xf32, #tpu.memory_space<vmem_shared>>)
      tpu.yield
    }) : () -> ()
    %get3A_174 = arith.constant 0 : index
    %get3A_175 = tpu.vector_load %arg12[%get3A_174] {strides = array<i32>} : memref<16xf32, #tpu.memory_space<vmem>>, vector<16xf32>,
    %get3A_176 = arith.constant 0 : index
    %get3A_177 = tpu.vector_load %arg14[%get3A_176] {strides = array<i32>} : memref<16xi32, #tpu.memory_space<vmem>>, vector<16xi32>,
    %iota3A = tpu.iota {dimensions = array<i32: 0>} : vector<16xi32>
    %add3A_178 = arith.constant 0 : i32
    %add3A_179 = vector.broadcast %add3A_178 : i32 to vector<16xi32>
    %add3A_180 = arith.addi %iota3A, %add3A_179 : vector<16xi32>
    %lt3A = arith.constant 8 : i32
    %lt3A_181 = vector.broadcast %lt3A : i32 to vector<16xi32>
    %lt3A_182 = arith.cmpi slt, %add3A_180, %lt3A_181 : vector<16xi32>
    tpu.vector_store_idx %arg15[%get3A_177], %get3A_175 masked %lt3A_182 {add = true} : memref<10000xf32, #tpu.memory_space<vmem>>[vector<16xi32>], vector<16xf32>, vector<16xi1>
    %barrier3A_183 = arith.constant 0 : index
    tpu.barrier barrier_id(%barrier3A_183)
    "tpu.region"() ({
      %run_scoped3A = tpu.sem_alloc : memref<!tpu.dma_semaphore, #tpu.memory_space<semaphore_mem>>
      %dma_start3A_189 = arith.constant 0 : i32
      %dma_start3A_190 = tpu.memref_slice %arg6[%arg0, %mul3A_4, %dma_start3A_189] : memref<2x10000x128xf32, #tpu.memory_space<hbm>> -> memref<1x624x128xf32, #tpu.memory_space<hbm>>
      %dma_start3A_191 = tpu.memref_squeeze %dma_start3A_190 : memref<1x624x128xf32, #tpu.memory_space<hbm>> -> memref<624x128xf32, #tpu.memory_space<hbm>>
      %dma_start3A_192 = arith.constant 0 : i32
      %dma_start3A_193 = tpu.memref_slice %arg16[%mul3A_4, %dma_start3A_192] : memref<10000x128xf32, #tpu.memory_space<vmem_shared>> -> memref<624x128xf32, #tpu.memory_space<vmem_shared>>
      tpu.enqueue_dma source(%dma_start3A_193 : memref<624x128xf32, #tpu.memory_space<vmem_shared>>) target(%dma_start3A_191 : memref<624x128xf32, #tpu.memory_space<hbm>>) target_semaphore(%run_scoped3A : memref<!tpu.dma_semaphore, #tpu.memory_space<semaphore_mem>>)
      %dma_wait3A_194 = arith.constant 0 : i32
      %dma_wait3A_195 = tpu.memref_slice %arg6[%arg0, %mul3A_4, %dma_wait3A_194] : memref<2x10000x128xf32, #tpu.memory_space<hbm>> -> memref<1x624x128xf32, #tpu.memory_space<hbm>>
      %dma_wait3A_196 = tpu.memref_squeeze %dma_wait3A_195 : memref<1x624x128xf32, #tpu.memory_space<hbm>> -> memref<624x128xf32, #tpu.memory_space<hbm>>
      %dma_wait3A_197 = arith.constant 0 : i32
      %dma_wait3A_198 = tpu.memref_slice %arg16[%mul3A_4, %dma_wait3A_197] : memref<10000x128xf32, #tpu.memory_space<vmem_shared>> -> memref<624x128xf32, #tpu.memory_space<vmem_shared>>
      tpu.wait_dma2 semaphore(%run_scoped3A : memref<!tpu.dma_semaphore, #tpu.memory_space<semaphore_mem>>) src(%dma_wait3A_198 : memref<624x128xf32, #tpu.memory_space<vmem_shared>>) dst(%dma_wait3A_196 : memref<624x128xf32, #tpu.memory_space<hbm>>)
      tpu.yield
    }) : () -> ()
    %eq3A_184 = arith.constant 15 : i32
    %eq3A_185 = arith.cmpi eq, %arg1, %eq3A_184 : i32
    %convert_element_type3A_186 = arith.extui %eq3A_185 : i1 to i32
    %cond3A_187 = arith.constant 0 : i32
    %cond3A_188 = arith.cmpi ne, %convert_element_type3A_186, %cond3A_187 : i32
    scf.if %cond3A_188 {
      "tpu.region"() ({
        %run_scoped3A = tpu.sem_alloc : memref<!tpu.dma_semaphore, #tpu.memory_space<semaphore_mem>>
        %dma_start3A_189 = arith.constant 9984 : i32
        %dma_start3A_190 = arith.constant 0 : i32
        %dma_start3A_191 = tpu.memref_slice %arg6[%arg0, %dma_start3A_189, %dma_start3A_190] : memref<2x10000x128xf32, #tpu.memory_space<hbm>> -> memref<1x16x128xf32, #tpu.memory_space<hbm>>
        %dma_start3A_192 = tpu.memref_squeeze %dma_start3A_191 : memref<1x16x128xf32, #tpu.memory_space<hbm>> -> memref<16x128xf32, #tpu.memory_space<hbm>>
        %dma_start3A_193 = arith.constant 9984 : i32
        %dma_start3A_194 = arith.constant 0 : i32
        %dma_start3A_195 = tpu.memref_slice %arg16[%dma_start3A_193, %dma_start3A_194] : memref<10000x128xf32, #tpu.memory_space<vmem_shared>> -> memref<16x128xf32, #tpu.memory_space<vmem_shared>>
        tpu.enqueue_dma source(%dma_start3A_195 : memref<16x128xf32, #tpu.memory_space<vmem_shared>>) target(%dma_start3A_192 : memref<16x128xf32, #tpu.memory_space<hbm>>) target_semaphore(%run_scoped3A : memref<!tpu.dma_semaphore, #tpu.memory_space<semaphore_mem>>)
        %dma_wait3A_196 = arith.constant 9984 : i32
        %dma_wait3A_197 = arith.constant 0 : i32
        %dma_wait3A_198 = tpu.memref_slice %arg6[%arg0, %dma_wait3A_196, %dma_wait3A_197] : memref<2x10000x128xf32, #tpu.memory_space<hbm>> -> memref<1x16x128xf32, #tpu.memory_space<hbm>>
        %dma_wait3A_199 = tpu.memref_squeeze %dma_wait3A_198 : memref<1x16x128xf32, #tpu.memory_space<hbm>> -> memref<16x128xf32, #tpu.memory_space<hbm>>
        %dma_wait3A_200 = arith.constant 9984 : i32
        %dma_wait3A_201 = arith.constant 0 : i32
        %dma_wait3A_202 = tpu.memref_slice %arg16[%dma_wait3A_200, %dma_wait3A_201] : memref<10000x128xf32, #tpu.memory_space<vmem_shared>> -> memref<16x128xf32, #tpu.memory_space<vmem_shared>>
        tpu.wait_dma2 semaphore(%run_scoped3A : memref<!tpu.dma_semaphore, #tpu.memory_space<semaphore_mem>>) src(%dma_wait3A_202 : memref<16x128xf32, #tpu.memory_space<vmem_shared>>) dst(%dma_wait3A_199 : memref<16x128xf32, #tpu.memory_space<hbm>>)
        tpu.yield
      }) : () -> ()
    } else {
    }
    "tpu.region"() ({
      %run_scoped3A = tpu.sem_alloc : memref<!tpu.dma_semaphore, #tpu.memory_space<semaphore_mem>>
      %dma_start3A_189 = arith.constant 0 : i32
      %dma_start3A_190 = tpu.memref_slice %arg7[%add3A, %dma_start3A_189] : memref<32x10000xf32, #tpu.memory_space<hbm>> -> memref<1x10000xf32, #tpu.memory_space<hbm>>
      %dma_start3A_191 = tpu.memref_squeeze %dma_start3A_190 : memref<1x10000xf32, #tpu.memory_space<hbm>> -> memref<10000xf32, #tpu.memory_space<hbm>>
      %dma_start3A_192 = arith.constant 0 : i32
      %dma_start3A_193 = tpu.memref_slice %arg7[%add3A, %dma_start3A_192] : memref<32x10000xf32, #tpu.memory_space<hbm>> -> memref<1x10000xf32, #tpu.memory_space<hbm>>
      %dma_start3A_194 = tpu.memref_squeeze %dma_start3A_193 : memref<1x10000xf32, #tpu.memory_space<hbm>> -> memref<10000xf32, #tpu.memory_space<hbm>>
      tpu.enqueue_dma source(%arg15 : memref<10000xf32, #tpu.memory_space<vmem>>) target(%dma_start3A_194 : memref<10000xf32, #tpu.memory_space<hbm>>) target_semaphore(%run_scoped3A : memref<!tpu.dma_semaphore, #tpu.memory_space<semaphore_mem>>)
      %dma_wait3A_195 = arith.constant 0 : i32
      %dma_wait3A_196 = tpu.memref_slice %arg7[%add3A, %dma_wait3A_195] : memref<32x10000xf32, #tpu.memory_space<hbm>> -> memref<1x10000xf32, #tpu.memory_space<hbm>>
      %dma_wait3A_197 = tpu.memref_squeeze %dma_wait3A_196 : memref<1x10000xf32, #tpu.memory_space<hbm>> -> memref<10000xf32, #tpu.memory_space<hbm>>
      %dma_wait3A_198 = arith.constant 0 : i32
      %dma_wait3A_199 = tpu.memref_slice %arg7[%add3A, %dma_wait3A_198] : memref<32x10000xf32, #tpu.memory_space<hbm>> -> memref<1x10000xf32, #tpu.memory_space<hbm>>
      %dma_wait3A_200 = tpu.memref_squeeze %dma_wait3A_199 : memref<1x10000xf32, #tpu.memory_space<hbm>> -> memref<10000xf32, #tpu.memory_space<hbm>>
      tpu.wait_dma2 semaphore(%run_scoped3A : memref<!tpu.dma_semaphore, #tpu.memory_space<semaphore_mem>>) src(%arg15 : memref<10000xf32, #tpu.memory_space<vmem>>) dst(%dma_wait3A_200 : memref<10000xf32, #tpu.memory_space<hbm>>)
      tpu.yield
    }) : () -> ()
    return
  }
}

module attributes {stable_mosaic.version = 14 : i64} {
  func.func @_stage_a_body(%arg0: i32, %arg1: memref<1280x128xf32, #tpu.memory_space<vmem>>, %arg2: memref<128x256xf32, #tpu.memory_space<vmem>>, %arg3: memref<1x128xf32, #tpu.memory_space<vmem>>, %arg4: memref<1x1xf32, #tpu.memory_space<vmem>>, %arg5: memref<1x128xf32, #tpu.memory_space<vmem>>, %arg6: memref<1280x128xf32, #tpu.memory_space<vmem>>, %arg7: memref<1x1x1280xf32, #tpu.memory_space<vmem>>) attributes {dimension_semantics = [#tpu.dimension_semantics<arbitrary>], iteration_bounds = array<i64: 125>, scalar_prefetch = 0 : i64, scratch_operands = 0 : i64, tpu.core_type = #tpu.core_type<tc>, window_params = [{transform_indices = @transform_0, window_bounds = array<i64: 1280, 128>}, {pipeline_mode = #tpu.pipeline_mode<synchronous>, transform_indices = @transform_1, window_bounds = array<i64: 128, 256>}, {pipeline_mode = #tpu.pipeline_mode<synchronous>, transform_indices = @transform_2, window_bounds = array<i64: 1, 128>}, {pipeline_mode = #tpu.pipeline_mode<synchronous>, transform_indices = @transform_3, window_bounds = array<i64: 1, 1>}, {pipeline_mode = #tpu.pipeline_mode<synchronous>, transform_indices = @transform_4, window_bounds = array<i64: 1, 128>}, {transform_indices = @transform_5, window_bounds = array<i64: 1280, 128>}, {transform_indices = @transform_6, window_bounds = array<i64: 1, 1, 1280>}]} {
    %get3A = arith.constant 0 : index
    %get3A_0 = arith.constant 0 : index
    %get3A_1 = vector.load %arg1[%get3A, %get3A_0] : memref<1280x128xf32, #tpu.memory_space<vmem>>, vector<1280x128xf32>
    %get3A_2 = arith.constant 0 : index
    %get3A_3 = arith.constant 0 : index
    %get3A_4 = vector.load %arg2[%get3A_2, %get3A_3] : memref<128x256xf32, #tpu.memory_space<vmem>>, vector<128x256xf32>
    %dot_general3A = arith.constant dense<0.000000e+00> : vector<1280x256xf32>
    %dot_general3A_5 = tpu.matmul %get3A_1, %get3A_4, %dot_general3A {dimension_numbers = #tpu.dot_dimension_numbers<[1], [0], [0], [1], [0, 0, 1, 1], [], []>, transpose_lhs_hint = false} : vector<1280x128xf32>, vector<128x256xf32>, vector<1280x256xf32> -> vector<1280x256xf32>
    %slice3A = vector.extract_strided_slice %dot_general3A_5 {offsets = [0, 128], sizes = [1280, 128], strides = [1, 1]} : vector<1280x256xf32> to vector<1280x128xf32>
    %get3A_6 = arith.constant 0 : index
    %get3A_7 = arith.constant 0 : index
    %get3A_8 = vector.load %arg4[%get3A_6, %get3A_7] : memref<1x1xf32, #tpu.memory_space<vmem>>, vector<1x1xf32>
    %add3A = vector.broadcast %get3A_8 : vector<1x1xf32> to vector<1280x128xf32>
    %add3A_9 = arith.addf %slice3A, %add3A : vector<1280x128xf32>
    %exp3A = math.exp %add3A_9 : vector<1280x128xf32>
    %slice3A_10 = vector.extract_strided_slice %dot_general3A_5 {offsets = [0, 0], sizes = [1280, 128], strides = [1, 1]} : vector<1280x256xf32> to vector<1280x128xf32>
    %get3A_11 = arith.constant 0 : index
    %get3A_12 = arith.constant 0 : index
    %get3A_13 = vector.load %arg5[%get3A_11, %get3A_12] : memref<1x128xf32, #tpu.memory_space<vmem>>, vector<1x128xf32>
    %add3A_14 = vector.broadcast %get3A_13 : vector<1x128xf32> to vector<1280x128xf32>
    %add3A_15 = arith.addf %slice3A_10, %add3A_14 : vector<1280x128xf32>
    %mul3A = arith.mulf %exp3A, %add3A_15 : vector<1280x128xf32>
    %swap3A = arith.constant 0 : index
    %swap3A_16 = arith.constant 0 : index
    %swap3A_17 = vector.load %arg6[%swap3A, %swap3A_16] : memref<1280x128xf32, #tpu.memory_space<vmem>>, vector<1280x128xf32>
    tpu.vector_store %arg6[%swap3A, %swap3A_16], %mul3A {strides = array<i32>} : memref<1280x128xf32, #tpu.memory_space<vmem>>, vector<1280x128xf32>,
    %get3A_18 = arith.constant 0 : index
    %get3A_19 = arith.constant 0 : index
    %get3A_20 = vector.load %arg3[%get3A_18, %get3A_19] : memref<1x128xf32, #tpu.memory_space<vmem>>, vector<1x128xf32>
    %transpose3A = tpu.transpose %get3A_1, [1, 0] : vector<1280x128xf32> -> vector<128x1280xf32>
    %dot_general3A_21 = arith.constant dense<0.000000e+00> : vector<1x1280xf32>
    %dot_general3A_22 = tpu.matmul %get3A_20, %transpose3A, %dot_general3A_21 {dimension_numbers = #tpu.dot_dimension_numbers<[1], [0], [0], [1], [0, 0, 1, 1], [], []>, transpose_lhs_hint = false} : vector<1x128xf32>, vector<128x1280xf32>, vector<1x1280xf32> -> vector<1x1280xf32>
    %get3A_23 = arith.constant 0 : index
    %get3A_24 = arith.constant 0 : index
    %get3A_25 = vector.load %arg4[%get3A_23, %get3A_24] : memref<1x1xf32, #tpu.memory_space<vmem>>, vector<1x1xf32>
    %add3A_26 = vector.broadcast %get3A_25 : vector<1x1xf32> to vector<1x1280xf32>
    %add3A_27 = arith.addf %dot_general3A_22, %add3A_26 : vector<1x1280xf32>
    %exp3A_28 = math.exp %add3A_27 : vector<1x1280xf32>
    %reshape3A = vector.shape_cast %exp3A_28 : vector<1x1280xf32> to vector<1x1x1280xf32>
    %swap3A_29 = arith.constant 0 : index
    %swap3A_30 = arith.constant 0 : index
    %swap3A_31 = arith.constant 0 : index
    %swap3A_32 = vector.load %arg7[%swap3A_29, %swap3A_30, %swap3A_31] : memref<1x1x1280xf32, #tpu.memory_space<vmem>>, vector<1x1x1280xf32>
    tpu.vector_store %arg7[%swap3A_29, %swap3A_30, %swap3A_31], %reshape3A {strides = array<i32>} : memref<1x1x1280xf32, #tpu.memory_space<vmem>>, vector<1x1x1280xf32>,
    return
  }
  func.func @transform_0(%arg0: i32) -> (i32, i32) {
    %add3A = arith.constant 0 : i32
    %add3A_0 = arith.addi %arg0, %add3A : i32
    %c0_i32 = arith.constant 0 : i32
    %c0_i32_1 = arith.constant 0 : i32
    return %add3A_0, %c0_i32 : i32, i32
  }
  func.func @transform_1(%arg0: i32) -> (i32, i32) {
    %c0_i32 = arith.constant 0 : i32
    %c0_i32_0 = arith.constant 0 : i32
    %c0_i32_1 = arith.constant 0 : i32
    return %c0_i32, %c0_i32_0 : i32, i32
  }
  func.func @transform_2(%arg0: i32) -> (i32, i32) {
    %c0_i32 = arith.constant 0 : i32
    %c0_i32_0 = arith.constant 0 : i32
    %c0_i32_1 = arith.constant 0 : i32
    return %c0_i32, %c0_i32_0 : i32, i32
  }
  func.func @transform_3(%arg0: i32) -> (i32, i32) {
    %c0_i32 = arith.constant 0 : i32
    %c0_i32_0 = arith.constant 0 : i32
    %c0_i32_1 = arith.constant 0 : i32
    return %c0_i32, %c0_i32_0 : i32, i32
  }
  func.func @transform_4(%arg0: i32) -> (i32, i32) {
    %c0_i32 = arith.constant 0 : i32
    %c0_i32_0 = arith.constant 0 : i32
    %c0_i32_1 = arith.constant 0 : i32
    return %c0_i32, %c0_i32_0 : i32, i32
  }
  func.func @transform_5(%arg0: i32) -> (i32, i32) {
    %c0_i32 = arith.constant 0 : i32
    %c0_i32_0 = arith.constant 0 : i32
    return %arg0, %c0_i32 : i32, i32
  }
  func.func @transform_6(%arg0: i32) -> (i32, i32, i32) {
    %c0_i32 = arith.constant 0 : i32
    %c0_i32_0 = arith.constant 0 : i32
    %c0_i32_1 = arith.constant 0 : i32
    return %arg0, %c0_i32, %c0_i32_0 : i32, i32, i32
  }
}

module attributes {stable_mosaic.version = 14 : i64} {
  func.func @_stage_a_body(%arg0: i32, %arg1: memref<1280x128xf32, #tpu.memory_space<vmem>>, %arg2: memref<128x256xf32, #tpu.memory_space<vmem>>, %arg3: memref<1x128xf32, #tpu.memory_space<vmem>>, %arg4: memref<1x1xf32, #tpu.memory_space<vmem>>, %arg5: memref<1x128xf32, #tpu.memory_space<vmem>>, %arg6: memref<1280x128xf32, #tpu.memory_space<vmem>>, %arg7: memref<1x1x1280xf32, #tpu.memory_space<vmem>>) attributes {dimension_semantics = [#tpu.dimension_semantics<arbitrary>], iteration_bounds = array<i64: 125>, scalar_prefetch = 0 : i64, scratch_operands = 0 : i64, tpu.core_type = #tpu.core_type<tc>, window_params = [{transform_indices = @transform_0, window_bounds = array<i64: 1280, 128>}, {pipeline_mode = #tpu.pipeline_mode<synchronous>, transform_indices = @transform_1, window_bounds = array<i64: 128, 256>}, {pipeline_mode = #tpu.pipeline_mode<synchronous>, transform_indices = @transform_2, window_bounds = array<i64: 1, 128>}, {pipeline_mode = #tpu.pipeline_mode<synchronous>, transform_indices = @transform_3, window_bounds = array<i64: 1, 1>}, {pipeline_mode = #tpu.pipeline_mode<synchronous>, transform_indices = @transform_4, window_bounds = array<i64: 1, 128>}, {transform_indices = @transform_5, window_bounds = array<i64: 1280, 128>}, {transform_indices = @transform_6, window_bounds = array<i64: 1, 1, 1280>}]} {
    %get3A = arith.constant 0 : index
    %get3A_0 = arith.constant 0 : index
    %get3A_1 = vector.load %arg1[%get3A, %get3A_0] : memref<1280x128xf32, #tpu.memory_space<vmem>>, vector<1280x128xf32>
    %get3A_2 = arith.constant 0 : index
    %get3A_3 = arith.constant 0 : index
    %get3A_4 = vector.load %arg2[%get3A_2, %get3A_3] : memref<128x256xf32, #tpu.memory_space<vmem>>, vector<128x256xf32>
    %dot_general3A = arith.constant dense<0.000000e+00> : vector<1280x256xf32>
    %dot_general3A_5 = tpu.matmul %get3A_1, %get3A_4, %dot_general3A {dimension_numbers = #tpu.dot_dimension_numbers<[1], [0], [0], [1], [0, 0, 1, 1], [], []>, transpose_lhs_hint = false} : vector<1280x128xf32>, vector<128x256xf32>, vector<1280x256xf32> -> vector<1280x256xf32>
    %slice3A = vector.extract_strided_slice %dot_general3A_5 {offsets = [0, 128], sizes = [1280, 128], strides = [1, 1]} : vector<1280x256xf32> to vector<1280x128xf32>
    %get3A_6 = arith.constant 0 : index
    %get3A_7 = arith.constant 0 : index
    %get3A_8 = vector.load %arg4[%get3A_6, %get3A_7] : memref<1x1xf32, #tpu.memory_space<vmem>>, vector<1x1xf32>
    %add3A = vector.broadcast %get3A_8 : vector<1x1xf32> to vector<1280x128xf32>
    %add3A_9 = arith.addf %slice3A, %add3A : vector<1280x128xf32>
    %exp3A = math.exp %add3A_9 : vector<1280x128xf32>
    %slice3A_10 = vector.extract_strided_slice %dot_general3A_5 {offsets = [0, 0], sizes = [1280, 128], strides = [1, 1]} : vector<1280x256xf32> to vector<1280x128xf32>
    %get3A_11 = arith.constant 0 : index
    %get3A_12 = arith.constant 0 : index
    %get3A_13 = vector.load %arg5[%get3A_11, %get3A_12] : memref<1x128xf32, #tpu.memory_space<vmem>>, vector<1x128xf32>
    %add3A_14 = vector.broadcast %get3A_13 : vector<1x128xf32> to vector<1280x128xf32>
    %add3A_15 = arith.addf %slice3A_10, %add3A_14 : vector<1280x128xf32>
    %mul3A = arith.mulf %exp3A, %add3A_15 : vector<1280x128xf32>
    %swap3A = arith.constant 0 : index
    %swap3A_16 = arith.constant 0 : index
    %swap3A_17 = vector.load %arg6[%swap3A, %swap3A_16] : memref<1280x128xf32, #tpu.memory_space<vmem>>, vector<1280x128xf32>
    tpu.vector_store %arg6[%swap3A, %swap3A_16], %mul3A {strides = array<i32>} : memref<1280x128xf32, #tpu.memory_space<vmem>>, vector<1280x128xf32>,
    %get3A_18 = arith.constant 0 : index
    %get3A_19 = arith.constant 0 : index
    %get3A_20 = vector.load %arg3[%get3A_18, %get3A_19] : memref<1x128xf32, #tpu.memory_space<vmem>>, vector<1x128xf32>
    %transpose3A = tpu.transpose %get3A_1, [1, 0] : vector<1280x128xf32> -> vector<128x1280xf32>
    %dot_general3A_21 = arith.constant dense<0.000000e+00> : vector<1x1280xf32>
    %dot_general3A_22 = tpu.matmul %get3A_20, %transpose3A, %dot_general3A_21 {dimension_numbers = #tpu.dot_dimension_numbers<[1], [0], [0], [1], [0, 0, 1, 1], [], []>, transpose_lhs_hint = false} : vector<1x128xf32>, vector<128x1280xf32>, vector<1x1280xf32> -> vector<1x1280xf32>
    %get3A_23 = arith.constant 0 : index
    %get3A_24 = arith.constant 0 : index
    %get3A_25 = vector.load %arg4[%get3A_23, %get3A_24] : memref<1x1xf32, #tpu.memory_space<vmem>>, vector<1x1xf32>
    %add3A_26 = vector.broadcast %get3A_25 : vector<1x1xf32> to vector<1x1280xf32>
    %add3A_27 = arith.addf %dot_general3A_22, %add3A_26 : vector<1x1280xf32>
    %exp3A_28 = math.exp %add3A_27 : vector<1x1280xf32>
    %reshape3A = vector.shape_cast %exp3A_28 : vector<1x1280xf32> to vector<1x1x1280xf32>
    %swap3A_29 = arith.constant 0 : index
    %swap3A_30 = arith.constant 0 : index
    %swap3A_31 = arith.constant 0 : index
    %swap3A_32 = vector.load %arg7[%swap3A_29, %swap3A_30, %swap3A_31] : memref<1x1x1280xf32, #tpu.memory_space<vmem>>, vector<1x1x1280xf32>
    tpu.vector_store %arg7[%swap3A_29, %swap3A_30, %swap3A_31], %reshape3A {strides = array<i32>} : memref<1x1x1280xf32, #tpu.memory_space<vmem>>, vector<1x1x1280xf32>,
    return
  }
  func.func @transform_0(%arg0: i32) -> (i32, i32) {
    %add3A = arith.constant 125 : i32
    %add3A_0 = arith.addi %arg0, %add3A : i32
    %c0_i32 = arith.constant 0 : i32
    %c0_i32_1 = arith.constant 0 : i32
    return %add3A_0, %c0_i32 : i32, i32
  }
  func.func @transform_1(%arg0: i32) -> (i32, i32) {
    %c0_i32 = arith.constant 0 : i32
    %c0_i32_0 = arith.constant 0 : i32
    %c0_i32_1 = arith.constant 0 : i32
    return %c0_i32, %c0_i32_0 : i32, i32
  }
  func.func @transform_2(%arg0: i32) -> (i32, i32) {
    %c0_i32 = arith.constant 0 : i32
    %c0_i32_0 = arith.constant 0 : i32
    %c0_i32_1 = arith.constant 0 : i32
    return %c0_i32, %c0_i32_0 : i32, i32
  }
  func.func @transform_3(%arg0: i32) -> (i32, i32) {
    %c0_i32 = arith.constant 0 : i32
    %c0_i32_0 = arith.constant 0 : i32
    %c0_i32_1 = arith.constant 0 : i32
    return %c0_i32, %c0_i32_0 : i32, i32
  }
  func.func @transform_4(%arg0: i32) -> (i32, i32) {
    %c0_i32 = arith.constant 0 : i32
    %c0_i32_0 = arith.constant 0 : i32
    %c0_i32_1 = arith.constant 0 : i32
    return %c0_i32, %c0_i32_0 : i32, i32
  }
  func.func @transform_5(%arg0: i32) -> (i32, i32) {
    %c0_i32 = arith.constant 0 : i32
    %c0_i32_0 = arith.constant 0 : i32
    return %arg0, %c0_i32 : i32, i32
  }
  func.func @transform_6(%arg0: i32) -> (i32, i32, i32) {
    %c0_i32 = arith.constant 0 : i32
    %c0_i32_0 = arith.constant 0 : i32
    %c0_i32_1 = arith.constant 0 : i32
    return %arg0, %c0_i32, %c0_i32_0 : i32, i32, i32
  }
}

module attributes {stable_mosaic.version = 14 : i64} {
  func.func @_stage_c_body(%arg0: memref<2x10000x128xf32, #tpu.memory_space<vmem>>, %arg1: memref<32x10000xf32, #tpu.memory_space<vmem>>, %arg2: memref<32x10000xf32, #tpu.memory_space<vmem>>, %arg3: memref<10000x128xf32, #tpu.memory_space<vmem>>) attributes {dimension_semantics = [], scalar_prefetch = 0 : i64, scratch_operands = 0 : i64, tpu.core_type = #tpu.core_type<tc>} {
    %get3A = arith.constant 0 : index
    %get3A_0 = arith.constant 0 : index
    %get3A_1 = arith.constant 0 : index
    %get3A_2 = vector.load %arg0[%get3A, %get3A_0, %get3A_1] : memref<2x10000x128xf32, #tpu.memory_space<vmem>>, vector<1x10000x128xf32>
    %get3A_3 = vector.shape_cast %get3A_2 : vector<1x10000x128xf32> to vector<10000x128xf32>
    %get3A_4 = arith.constant 1 : index
    %get3A_5 = arith.constant 0 : index
    %get3A_6 = arith.constant 0 : index
    %get3A_7 = vector.load %arg0[%get3A_4, %get3A_5, %get3A_6] : memref<2x10000x128xf32, #tpu.memory_space<vmem>>, vector<1x10000x128xf32>
    %get3A_8 = vector.shape_cast %get3A_7 : vector<1x10000x128xf32> to vector<10000x128xf32>
    %add3A = arith.addf %get3A_3, %get3A_8 : vector<10000x128xf32>
    %get3A_9 = arith.constant 0 : index
    %get3A_10 = arith.constant 0 : index
    %get3A_11 = vector.load %arg1[%get3A_9, %get3A_10] : memref<32x10000xf32, #tpu.memory_space<vmem>>, vector<32x10000xf32>
    %reduce_sum3A = arith.constant dense<0.000000e+00> : vector<10000xf32>
    %reduce_sum3A_12 = vector.multi_reduction <add>, %get3A_11, %reduce_sum3A [0] : vector<32x10000xf32> to vector<10000xf32>
    %get3A_13 = arith.constant 0 : index
    %get3A_14 = arith.constant 0 : index
    %get3A_15 = vector.load %arg2[%get3A_13, %get3A_14] : memref<32x10000xf32, #tpu.memory_space<vmem>>, vector<32x10000xf32>
    %reduce_sum3A_16 = arith.constant dense<0.000000e+00> : vector<10000xf32>
    %reduce_sum3A_17 = vector.multi_reduction <add>, %get3A_15, %reduce_sum3A_16 [0] : vector<32x10000xf32> to vector<10000xf32>
    %add3A_18 = arith.addf %reduce_sum3A_12, %reduce_sum3A_17 : vector<10000xf32>
    %broadcast_in_dim3A = vector.shape_cast %add3A_18 : vector<10000xf32> to vector<10000x1xf32>
    %add3A_19 = arith.constant 1.000000e-10 : f32
    %add3A_20 = vector.broadcast %add3A_19 : f32 to vector<10000x1xf32>
    %add3A_21 = arith.addf %broadcast_in_dim3A, %add3A_20 : vector<10000x1xf32>
    %div3A = vector.broadcast %add3A_21 : vector<10000x1xf32> to vector<10000x128xf32>
    %div3A_22 = arith.divf %add3A, %div3A : vector<10000x128xf32>
    %swap3A = arith.constant 0 : index
    %swap3A_23 = arith.constant 0 : index
    %swap3A_24 = vector.load %arg3[%swap3A, %swap3A_23] : memref<10000x128xf32, #tpu.memory_space<vmem>>, vector<10000x128xf32>
    tpu.vector_store %arg3[%swap3A, %swap3A_23], %div3A_22 {strides = array<i32>} : memref<10000x128xf32, #tpu.memory_space<vmem>>, vector<10000x128xf32>,
    return
  }
}

</mosaic_0001>

<sc_bundles>
// kernel: kernel.10.cloned.1.call-start
scs
__scs_entry_jumppad:
0x0: {  	(pc) =	sbr.rel $0x88, $3  }
0x1: {  	(tag) =	ssettag $0x0;
	lr =	simm.s32 $0x1  }
0x2: {  	[smem:$0x3F9B] =	sst lr;
	_ =	strace $0xD0000000  }
0x3: {  	_ = 	snop  }
0x4: {  	_ = 	snop  }
0x5: {  	_ = 	snop  }
0x6: {  	_ = 	snop  }
0x7: {  	_ = 	snop  }
__scs_overlays_trampoline_lowered:
0x8: {  	[smem:$0x3FAA] =	sst s0  }
0x9: {  	[smem:$0x3FAB] =	sst s1  }
0xa: {  	[smem:$0x3FAC] =	sst s2  }
0xb: {  	[smem:$0x3FAD] =	sst s3  }
0xc: {  	[smem:$0x3FAE] =	sst s4  }
0xd: {  	[smem:$0x3FAF] =	sst s5  }
0xe: {  	[smem:$0x3FB0] =	sst s6  }
0xf: {  	[smem:$0x3FB1] =	sst s7  }
0x10: {  	[smem:$0x3FB2] =	sst s8  }
0x11: {  	[smem:$0x3FB3] =	sst s9;
	s0 =	simm.s32 @!p0 $0x0  }
0x12: {  	s1 =	sld [smem:$0x3F99];
	s0 =	simm.s32 @p0 $0x1  }
0x13: {  	[smem:$0x3FB4] =	sst s0;
	s0 =	simm.s32 @!p1 $0x0  }
0x14: {  	s2 =	sld [smem:$0x3F98];
	s0 =	simm.s32 @p1 $0x1  }
0x15: {  	[smem:$0x3FB5] =	sst s0;
	s0 =	simm.s32 @!p2 $0x0  }
0x16: {  	s3 =	sld [smem:$0x3FDB];
	s0 =	simm.s32 @p2 $0x1  }
0x17: {  	s4 =	simm.s32 $0x1BF5;
	[smem:$0x3FB7] =	sst s0  }
0x18: {  	s0 =	sld [smem:$0x3F9A];
	_ =	swait.ge [sflag:s4], $0x0  }
0x19: {  	s7 =	sld [smem:$0x3F9B]  }
0x1a: {  	s8 =	sadd.s32 $0xFFFFE003, lr  }
0x1b: {  	s9 =	sadd.s32 $0xFFFFFEF7, lr;
	s5 =	simm.s32 $0xFFFFFFFF;
	p2 =	slt.u32 s8, $0xFFFFF086  }
0x1c: {  	p1 =	slt.u32 s9, $0xF7A;
	s5 =	simm.s32 @!p2 $0x0  }
0x1d: {  	s5 =	simm.s32 @p1 $0x1;
	p0 =	seq.s32 s7, s2  }
0x1e: {  	s7 =	smul.u32 @!p0 $0xF7A, s2;
	p2 =	seq.s32 @!p0 s5, $0x0  }
0x1f: {  	s9 =	smul.u32 $0xF7A, s1;
	s8 =	simm.s32 @!p0 $0x1BF5;
	p2 =	por !p2, p0  }
0x20: {  	[sflag:s8] =	ssyncset.s32 @!p0 $0xFFFFF086;
	s6 =	sadd.s32 @!p0 s3, s7;
	s7 =	simm.s32 @!p0 $0x108  }
0x21: {  	s3 =	sadd.s32 s3, s9;
	s6 =	sadd.s32 @!p0 $0x88, s6;
	s7 =	simm.s32 @p2 $0x1082  }
0x22: {  	[simem:s7], [sflag:s8] =	dma.local @!p0 [hbm:s6], $0xF7A  }
0x23: {  	s9 =	sor.u32 $0xD0000000, s2;
	s6 =	simm.s32 $0x108;
	_ =	swait.ge @!p0 [sflag:s8], $0x0  }
0x24: {  	s3 =	sadd.s32 $0x88, s3;
	s6 =	simm.s32 @!p1 $0x1082;
	[sflag:s4] =	ssyncset.s32 $0xFFFFF086  }
0x25: {  	[simem:s6], [sflag:s4] =	dma.local [hbm:s3], $0xF7A  }
0x26: {  	[smem:$0x3F9B] =	sst s1;
	(tag) =	ssettag s2;
	_ =	strace s9  }
0x27: {  	s1 =	sld [smem:$0x3FAB]  }
0x28: {  	s2 =	sld [smem:$0x3FAC]  }
0x29: {  	s4 =	sld [smem:$0x3FAE]  }
0x2a: {  	p0 =	seq.s32 s5, $0x0;
	s5 =	sld [smem:$0x3FAF]  }
0x2b: {  	s6 =	sld [smem:$0x3FB0]  }
0x2c: {  	s7 =	sld [smem:$0x3FB1]  }
0x2d: {  	s3 =	simm.s32 $0x108;
	s8 =	sld [smem:$0x3FB2]  }
0x2e: {  	s3 =	simm.s32 @!p0 $0x1082;
	s9 =	sld [smem:$0x3FB3]  }
0x2f: {  	lr =	sadd.s32 s0, s3;
	s0 =	sld [smem:$0x3FAA]  }
0x30: {  	s3 =	sld [smem:$0x3FAD]  }
0x31: {  	[smem:$0x3FB6] =	sst s10  }
0x32: {  	s10 =	sld [smem:$0x3FB4];
	_ =	sdelay $0x3  }
0x33: {  	p0 =	seq.s32 s10, $0x1;
	s10 =	sld [smem:$0x3FB6];
	_ =	sdelay $0x3  }
0x34: {  	[smem:$0x3FB6] =	sst s10  }
0x35: {  	s10 =	sld [smem:$0x3FB5];
	_ =	sdelay $0x3  }
0x36: {  	p1 =	seq.s32 s10, $0x1;
	s10 =	sld [smem:$0x3FB6];
	_ =	sdelay $0x3  }
0x37: {  	[smem:$0x3FB6] =	sst s10  }
0x38: {  	s10 =	sld [smem:$0x3FB7]  }
0x39: {  	_ = 	snop;
	(pc) =	sbr.ind lr, $3  }
0x3a: {  	_ = 	snop  }
0x3b: {  	_ = 	snop  }
0x3c: {  	p2 =	seq.s32 s10, $0x1;
	s10 =	sld [smem:$0x3FB6]  }
0x3d: {  	_ =	shalt  }
0x3e: {  	_ =	shalt  }
0x3f: {  	_ =	shalt  }
0x40: {  	_ =	shalt  }
0x41: {  	_ =	shalt  }
0x42: {  	_ =	shalt  }
0x43: {  	_ =	shalt  }
0x44: {  	_ =	shalt  }
0x45: {  	_ =	shalt  }
0x46: {  	_ =	shalt  }
0x47: {  	_ =	shalt  }
0x48: {  	_ =	shalt  }
0x49: {  	_ =	shalt  }
0x4a: {  	_ =	shalt  }
0x4b: {  	_ =	shalt  }
0x4c: {  	_ =	shalt  }
0x4d: {  	_ =	shalt  }
0x4e: {  	_ =	shalt  }
0x4f: {  	_ =	shalt  }
0x50: {  	_ =	shalt  }
0x51: {  	_ =	shalt  }
0x52: {  	_ =	shalt  }
0x53: {  	_ =	shalt  }
0x54: {  	_ =	shalt  }
0x55: {  	_ =	shalt  }
0x56: {  	_ =	shalt  }
0x57: {  	_ =	shalt  }
0x58: {  	_ =	shalt  }
0x59: {  	_ =	shalt  }
0x5a: {  	_ =	shalt  }
0x5b: {  	_ =	shalt  }
0x5c: {  	_ =	shalt  }
0x5d: {  	_ =	shalt  }
0x5e: {  	_ =	shalt  }
0x5f: {  	_ =	shalt  }
0x60: {  	_ =	shalt  }
0x61: {  	_ =	shalt  }
0x62: {  	_ =	shalt  }
0x63: {  	_ =	shalt  }
0x64: {  	_ =	shalt  }
0x65: {  	_ =	shalt  }
0x66: {  	_ =	shalt  }
0x67: {  	_ =	shalt  }
0x68: {  	_ =	shalt  }
0x69: {  	_ =	shalt  }
0x6a: {  	_ =	shalt  }
0x6b: {  	_ =	shalt  }
0x6c: {  	_ =	shalt  }
0x6d: {  	_ =	shalt  }
0x6e: {  	_ =	shalt  }
0x6f: {  	_ =	shalt  }
0x70: {  	_ =	shalt  }
0x71: {  	_ =	shalt  }
0x72: {  	_ =	shalt  }
0x73: {  	_ =	shalt  }
0x74: {  	_ =	shalt  }
0x75: {  	_ =	shalt  }
0x76: {  	_ =	shalt  }
0x77: {  	_ =	shalt  }
0x78: {  	_ =	shalt  }
0x79: {  	_ =	shalt  }
0x7a: {  	_ =	shalt  }
0x7b: {  	_ =	shalt  }
0x7c: {  	_ =	shalt  }
0x7d: {  	_ =	shalt  }
0x7e: {  	_ =	shalt  }
0x7f: {  	_ =	shalt  }
0x80: {  	_ =	shalt  }
0x81: {  	_ =	shalt  }
0x82: {  	_ =	shalt  }
0x83: {  	_ =	shalt  }
0x84: {  	_ =	shalt  }
0x85: {  	_ =	shalt  }
0x86: {  	_ =	shalt  }
0x87: {  	_ =	shalt  }
.Lfunc_end0:
.L_simem_size_0:
called_computation.1_lowered:
.L_overlay_start_0:
0x88: {  	s2 =	sld [smem:$0x3FD9]  }
0x89: {  	s3 =	sld [smem:$0x3FFE];
	_ =	sdelay $0x1  }
0x8a: {  	s1 =	srdreg.scid  }
0x8b: {  	s0 =	sand.u32 $0x1, s1  }
0x8c: {  	s17 =	sshll.u32 s0, $0xA;
	s2 =	sadd.s32 s3, s2  }
0x8d: {  	s2 =	sadd.s32 s2, s17  }
0x8e: {  	[smem:$0x3FC2] =	sst s2  }
0x8f: {  	_ = 	snop  }
0x90: {  	s2 =	sld [smem:$0x3FD0];
	(tm) =	ssettm $0x1  }
0x91: {  	s18 =	sld [smem:$0x3FFB];
	_ =	sdelay $0x3  }
0x92: {  	_ =	strace s18  }
0x93: {  	s3 =	sld [smem:$0x3FFC];
	_ =	sdelay $0x3  }
0x94: {  	_ =	strace s3  }
0x95: {  	s3 =	sld [smem:$0x3FFD];
	_ =	sdelay $0x3  }
0x96: {  	_ =	strace s3  }
0x97: {  	_ =	strace $0x8FFFFFFF  }
0x98: {  	s19 =	sld [smem:$0x3FDB];
	_ =	sdelay $0x1  }
0x99: {  	s4 =	simm.s32 $_scs_section_size  }
0x9a: {  	s5 =	simm.s32 $_size__tile_overlayer_lowered;
	s6 =	simm.s32 $_tile_overlayer_lowered  }
0x9b: {  	s22 =	simm.s32 $0x1BFF;
	s21 =	sshll.u32 s6, $0x1;
	s3 =	sadd.s32 s4, s19  }
0x9c: {  	s7 =	simm.s32 $0x0;
	s20 =	sshll.u32 s5, $0x1;
	s5 =	sadd.s32 s21, s3  }
0x9d: {  	[timem:s7], [sflag:s22] =	dma.local [hbm:s5], s20  }
0x9e: {  	_ =	swait.ge [sflag:s22], s20  }
0x9f: {  	s4 =	ssub.s32 $0x0, s20;
	[sflag:s22] =	ssyncset.done $0x0  }
0xa0: {  	[sflag:s22] =	ssyncadd.s32 s4;
	_ =	sdelay $0x1  }
0xa1: {  	s23 =	simm.s32 $0x1B8B  }
0xa2: {  	_ =	swait.ge [sflag:s23], $0x1  }
0xa3: {  	[sflag:s23] =	ssyncset.done $0x0  }
0xa4: {  	s25 =	simm.s32 $0x1B8E;
	s24 =	sld [smem:$0x3FFE];
	[sflag:s23] =	ssyncadd.s32 $0xFFFFFFFF  }
0xa5: {  	s26 =	simm.s32 $execute0_lowered;
	[smem:$0x3FD2] =	sst s25  }
0xa6: {  	s5 =	sshll.u32 s26, $0x1;
	_ =	strace $0x80000049;
	[dreg:$0x1] =	wrdreg $0xFFFFFFFF  }
0xa7: {  	s28 =	simm.s32 $_size_execute0_lowered;
	s3 =	sadd.s32 s3, s5;
	[dreg:$0x0] =	wrdreg $0x0  }
0xa8: {  	s5 =	sshll.u32 s28, $0x1;
	[dreg:$0x2] =	wrdreg s3  }
0xa9: {  	[dreg:$0x3] =	wrdreg s5  }
0xaa: {  	[dreg:$0x4] =	wrdreg $0xC0  }
0xab: {  	_ =	task [dreg:s7], $0x5FFFF  }
0xac: {  	[dreg:$0x1] =	wrdreg $0xFFFFFFFF  }
0xad: {  	[dreg:$0x0] =	wrdreg $0x60  }
0xae: {  	[dreg:$0x2] =	wrdreg s24  }
0xaf: {  	[dreg:$0x3] =	wrdreg s2  }
0xb0: {  	[dreg:$0x4] =	wrdreg $0xAF000  }
0xb1: {  	[dreg:$0x5] =	wrdreg $0x9  }
0xb2: {  	_ =	task.clear_ibuf [dreg:s7], $0x6FFFF;
	_ =	strace $0x90000049  }
0xb3: {  	s29 =	simm.s32 $0x9;
	_ =	strace $0x8000004B  }
0xb4: {  	_ =	swait.ge [sflag:s29], $0x1  }
0xb5: {  	[sflag:s29] =	ssyncadd.s32 $0xFFFFFFFF  }
0xb6: {  	_ =	strace $0x9000004B  }
0xb7: {  	_ =	sfence  }
0xb8: {  	s30 =	sld [smem:$0x0];
	_ =	sdelay $0x2  }
0xb9: {  	s31 =	sshll.u32 s1, $0xD;
	s1 =	sshrl.u32 s1, $0x2  }
0xba: {  	s3 =	sand.u32 $0x4000, s31;
	s1 =	sadd.s32 s1, s30  }
0xbb: {  	s0 =	sor.u32 s3, s0;
	s1 =	sshll.u32 s1, $0x11  }
0xbc: {  	s0 =	sor.u32 s1, s0  }
0xbd: {  	s0 =	sadd.s32 $0x8F2B, s0  }
0xbe: {  	[sflag:s0] =	ssyncadd.remote.s32 $0x1  }
0xbf: {  	_ =	sfence.sel $0xFFFF  }
0xc0: {  	[dreg:$0x0] =	wrdreg $0xFFFFFFFF;
	(pc) =	sbr.abs _section_cstart, $3  }
0xc1: {  	[dreg:$0x1] =	wrdreg $0xFFFFFFFF  }
0xc2: {  	_ =	task.clear_ibuf [dreg:s7], $0x2FFFF;
	_ =	strace $0x9FFFFFFF  }
0xc3: {  	(tm) =	ssettm $0x7FFFFFFF  }
tec
execute0_lowered:
.L_overlay_start_1:
0x0: {  	(tag) =	ssettag $0x1  }
0x1: {  	s0 =	rddreg [dreg:$0x0]  }
0x2: {  	s3 =	rddreg [dreg:$0x1]  }
0x3: {  	s1 =	rddreg [dreg:$0x2];
	s2 =	simm.s32 $0x0  }
0x4: {  	s7 =	srdreg.scid;
	s28 =	simm.s32 $0x8000;
	s29 =	simm.s32 $0x8180  }
0x5: {  	s30 =	simm.s32 $0x4000;
	s31 =	simm.s32 $0x8080;
	[smem:$0x7FF] =	sst s2  }
0x6: {  	s18 =	stileid.u32;
	s6 =	sadd.s32 $0x322A00, s0;
	s4 =	sadd.s32 $0x593A00, s0  }
0x7: {  	s5 =	sadd.s32 $0x1800, s0;
	s7 =	sand.u32 $0x1, s7;
	s9 =	sadd.s32 $0x2CAA00, s0  }
0x8: {  	s0 =	sadd.s32 $0x6800, s0;
	s11 =	smul.u32 $0x13800, s18;
	s13 =	sshll.u32 s18, $0x1  }
0x9: {  	s14 =	smul.u32 $0x4E000, s18;
	s16 =	sshll.u32 s18, $0x6;
	p0 =	sne.s32 s18, $0xF  }
0xa: {  	s10 =	smul.u32 $0x138800, s7;
	s8 =	ssub.s32 $0x2, s7;
	s13 =	sor.u32 s7, s13  }
0xb: {  	_ =	strace $0x8000004A;
	s12 =	sshrl.u32 s8, $0x1;
	s25 =	smul.u32 $0x1388, s13  }
0xc: {  	s14 =	sshrl.u32 s14, $0x2;
	s17 =	smul.u32 $0x13880, s13;
	s13 =	sshll.u32 s13, $0x7  }
0xd: {  	s12 =	ssub.s32 s8, s12;
	s24 =	sadd.s32 s11, s10;
	s26 =	sadd.s32 s14, s1  }
0xe: {  	s8 =	sor.u32 $0x1C04, s16;
	s10 =	sshrl.u32 s10, $0x3;
	s16 =	sadd.s32 $0x138000, s1  }
0xf: {  	s13 =	sand.u32 $0x380, s13;
	s15 =	sshrl.u32 s24, $0x3;
	[dreg:$0x4] =	wrdreg s26  }
0x10: {  	[dreg:$0x6] =	wrdreg s16;
	s10 =	sadd.s32 $0x27000, s10;
	s19 =	sshrl.u32 s25, $0x3  }
0x11: {  	s21 =	sadd.s32 s6, s17;
	s23 =	sadd.s32 $0x1380, s25;
	s24 =	sshrl.u32 s18, $0x2  }
0x12: {  	s26 =	smul.u32 $0x2710, s18;
	s14 =	sadd.s32 s9, s15;
	[dreg:$0x9] =	wrdreg s21  }
0x13: {  	s9 =	sadd.s32 s9, s10;
	s20 =	sadd.s32 s5, s19;
	[dreg:$0x5] =	wrdreg s14  }
0x14: {  	s22 =	sadd.s32 s4, s19;
	s25 =	sshrl.u32 s23, $0x3;
	[dreg:$0x7] =	wrdreg s9  }
0x15: {  	s11 =	smul.u32 $0x13C00, s24;
	s15 =	sadd.s32 s0, s15;
	[dreg:$0x8] =	wrdreg s20  }
0x16: {  	s0 =	sadd.s32 s0, s10;
	s19 =	smul.u32 $0x13880, s7;
	[dreg:$0xa] =	wrdreg s22  }
0x17: {  	s14 =	sadd.s32 s5, s25;
	s9 =	sshll.u32 s23, $0x4;
	[dreg:$0xb] =	wrdreg s15  }
0x18: {  	[dreg:$0xc] =	wrdreg s0;
	s15 =	smul.u32 $0x27100, s18;
	s17 =	sadd.s32 s4, s25  }
0x19: {  	s22 =	smax.u32 s12, $0x1;
	s12 =	simm.s32 $0x0;
	[dreg:$0xf] =	wrdreg s17  }
0x1a: {  	s11 =	sor.u32 s11, s13;
	s9 =	sadd.s32 s6, s9;
	[dreg:$0x10] =	wrdreg s22  }
0x1b: {  	s10 =	sshrl.u32 s11, $0x3;
	s11 =	smul.u32 $0x1388, s7;
	[dreg:$0xd] =	wrdreg s9  }
0x1c: {  	s7 =	simm.s32 $0x3;
	s9 =	simm.s32 $0x2;
	s0 =	sadd.s32 s3, s10  }
0x1d: {  	s3 =	simm.s32 $0x80;
	s10 =	simm.s32 $0x8680;
	[dreg:$0xe] =	wrdreg s0  }
0x1e: {  	s20 =	sadd.s32 s11, s26;
	s0 =	sadd.s32 s15, s6;
	s6 =	simm.s32 $0x8780  }
0x1f: {  	s11 =	simm.s32 $0x8200;
	s23 =	sadd.s32 $0x80, s20;
	s21 =	sadd.s32 s19, s0  }
0x20: {  	s24 =	sadd.s32 $0x100, s20;
	s0 =	simm.s32 $0x1;
	s25 =	sshrl.u32 s23, $0x3  }
0x21: {  	[dreg:$0x11] =	wrdreg s24;
	s26 =	sadd.s32 s25, s4;
	s17 =	sadd.s32 s25, s5  }
0x22: {  	v0 =	vimm.f32 $0.0e+00;
	s25 =	simm.s32 $0x4;
	[dreg:$0x12] =	wrdreg s26;
	s26 =	simm.s32 $0x8100  }
.LBB2_1:
0x23: {  	s13 =	rddreg [dreg:$0x4]  }
0x24: {  	s15 =	rddreg [dreg:$0x5];
	s13 =	sshrl.u32 s13, $0x3  }
0x25: {  	[spmem:s13], [sflag:s8] =	dma.local [hbm:s15], $0x2700  }
0x26: {  	_ =	swait.ge [sflag:s25], $0x2700  }
0x27: {  	[sflag:s25] =	ssyncset.done $0x0;
	s15 =	rddreg [dreg:$0x6]  }
0x28: {  	s16 =	rddreg [dreg:$0x7];
	[sflag:s25] =	ssyncadd.s32 $0xFFFFD900;
	s15 =	sshrl.u32 @!p0 s15, $0x3  }
0x29: {  	[spmem:s15], [sflag:s8] =	dma.local @!p0 [hbm:s16], $0x100  }
0x2a: {  	s16 =	simm.s32 @!p0 $0x4  }
0x2b: {  	_ =	swait.ge @!p0 [sflag:s16], $0x100  }
0x2c: {  	[sflag:s16] =	ssyncset.done @!p0 $0x0  }
0x2d: {  	s22 =	simm.s32 $0x0;
	[sflag:s16] =	ssyncadd.s32 @!p0 $0xFFFFFF00;
	s16 =	simm.s32 $0x40  }
.LBB2_2:
0x2e: {  	p1 =	sne.s32 s16, $0x9C00;
	[tilespmem:s22+$0x8780] =	vst v0;
	s22 =	smov.u32 s16;
	s16 =	sadd.s32 $0x40, s16  }
.Ltmp0:
0x2f: {  	(pc) =	sbr.rel @p1 .LBB2_2-.Ltmp0, $2  }
0x30: {  	_ =	sdelay $0x2  }
0x31: {  	s22 =	sshra.s32 s22, $0x2  }
0x32: {  	[tilespmem:s22+$0x8780] =	vst v0  }
0x33: {  	[bflag:$0x0] =	sbarrier.arrive $0xFFFF  }
0x34: {  	s18 =	rddreg [dreg:$0x8]  }
0x35: {  	s16 =	simm.s32 $0x0;
	s23 =	rddreg [dreg:$0x9]  }
0x36: {  	[tilespmem:s26], [sflag:$0x1] =	stream.linear.gather [hbm4b:s18+s16], $0x80, $0x38;
	[tilespmem:$0x1E780] =	vst v63  }
0x37: {  	s24 =	rddreg [dreg:$0xa]  }
0x38: {  	[tilespmem:s16], [sflag:$0x1] =	stream.linear.gather [hbm4b:s23+s16], $0x4000, $0x38;
	[tilespmem:$0x1E780] =	vst v63  }
0x39: {  	s22 =	rddreg [dreg:$0x11]  }
0x3a: {  	[tilespmem:s28], [sflag:$0x1] =	stream.linear.gather [hbm4b:s24+s16], $0x80, $0x38;
	[tilespmem:$0x1E780] =	vst v63  }
0x3b: {  	s23 =	rddreg [dreg:$0x12];
	s24 =	smov.u32 s17  }
.LBB2_4:
0x3c: {  	[tilespmem:s29], [sflag:$0x2] =	stream.linear.gather [hbm4b:s24+s2], $0x80, $0x38;
	[tilespmem:$0x1E780] =	vst v63  }
0x3d: {  	s20 =	sadd.s32 s16, s21  }
0x3e: {  	s19 =	sadd.s32 $0x800, s20  }
0x3f: {  	[tilespmem:s30], [sflag:$0x2] =	stream.linear.gather [hbm4b:s19+s2], $0x4000, $0x38;
	[tilespmem:$0x1E780] =	vst v63  }
0x40: {  	_ = 	snop  }
0x41: {  	[tilespmem:s31], [sflag:$0x2] =	stream.linear.gather [hbm4b:s23+s2], $0x80, $0x38;
	[tilespmem:$0x1E780] =	vst v63  }
0x42: {  	_ =	swait.ge [sflag:s0], $0x80  }
0x43: {  	[sflag:s0] =	ssyncset.done $0x0  }
0x44: {  	[sflag:s0] =	ssyncadd.s32 $0xFFFFFF80  }
0x45: {  	_ =	swait.ge [sflag:s0], $0x4000  }
0x46: {  	[sflag:s0] =	ssyncset.done $0x0  }
0x47: {  	[sflag:s0] =	ssyncadd.s32 $0xFFFFC000  }
0x48: {  	_ =	swait.ge [sflag:s0], $0x80  }
0x49: {  	[sflag:s0] =	ssyncset.done $0x0  }
0x4a: {  	[sflag:s0] =	ssyncadd.s32 $0xFFFFFF80  }
0x4b: {  	[spmem:s1] =	stream.indirect.scatter.add.f32 [tilespmem:s2], [sflag:$0x3], $0x80, s26, s3, $0xb8;
	[tilespmem:$0x1E780] =	vst v63  }
0x4c: {  	v1 =	vld [tilespmem:$0x8100];
	_ =	sdelay $0x2  }
0x4d: {  	v2 =	vld [tilespmem:$0x8000];
	_ =	sdelay $0x4  }
0x4e: {  	[tilespmem:v1+s6+$0x0] =	vst.idx.add.f32.msk $0xffff, v2  }
0x4f: {  	v1 =	vld [tilespmem:$0x8110];
	_ =	sdelay $0x2  }
0x50: {  	v2 =	vld [tilespmem:$0x8010];
	_ =	sdelay $0x4  }
0x51: {  	[tilespmem:v1+s6+$0x0] =	vst.idx.add.f32.msk $0xffff, v2  }
0x52: {  	v1 =	vld [tilespmem:$0x8120];
	_ =	sdelay $0x2  }
0x53: {  	v2 =	vld [tilespmem:$0x8020];
	_ =	sdelay $0x4  }
0x54: {  	[tilespmem:v1+s6+$0x0] =	vst.idx.add.f32.msk $0xffff, v2  }
0x55: {  	v1 =	vld [tilespmem:$0x8130];
	_ =	sdelay $0x2  }
0x56: {  	v2 =	vld [tilespmem:$0x8030];
	_ =	sdelay $0x4  }
0x57: {  	[tilespmem:v1+s6+$0x0] =	vst.idx.add.f32.msk $0xffff, v2  }
0x58: {  	v1 =	vld [tilespmem:$0x8140];
	_ =	sdelay $0x2  }
0x59: {  	v2 =	vld [tilespmem:$0x8040];
	_ =	sdelay $0x4  }
0x5a: {  	[tilespmem:v1+s6+$0x0] =	vst.idx.add.f32.msk $0xffff, v2  }
0x5b: {  	v1 =	vld [tilespmem:$0x8150];
	_ =	sdelay $0x2  }
0x5c: {  	v2 =	vld [tilespmem:$0x8050];
	_ =	sdelay $0x4  }
0x5d: {  	[tilespmem:v1+s6+$0x0] =	vst.idx.add.f32.msk $0xffff, v2  }
0x5e: {  	v1 =	vld [tilespmem:$0x8160];
	_ =	sdelay $0x2  }
0x5f: {  	v2 =	vld [tilespmem:$0x8060];
	_ =	sdelay $0x4  }
0x60: {  	[tilespmem:v1+s6+$0x0] =	vst.idx.add.f32.msk $0xffff, v2  }
0x61: {  	v1 =	vld [tilespmem:$0x8170];
	_ =	sdelay $0x2  }
0x62: {  	v2 =	vld [tilespmem:$0x8070];
	_ =	sdelay $0x4  }
0x63: {  	[tilespmem:v1+s6+$0x0] =	vst.idx.add.f32.msk $0xffff, v2  }
0x64: {  	_ =	swait.ge [sflag:s7], $0x4000  }
0x65: {  	s19 =	sshrl.u32 s22, $0x3;
	[sflag:s7] =	ssyncset.done $0x0  }
0x66: {  	s18 =	sadd.s32 s5, s19;
	[sflag:s7] =	ssyncadd.s32 $0xFFFFC000  }
0x67: {  	[tilespmem:s26], [sflag:$0x1] =	stream.linear.gather [hbm4b:s18+s2], $0x80, $0x38;
	[tilespmem:$0x1E780] =	vst v63  }
0x68: {  	s20 =	sadd.s32 $0x1000, s20  }
0x69: {  	[tilespmem:s2], [sflag:$0x1] =	stream.linear.gather [hbm4b:s20+s2], $0x4000, $0x38;
	[tilespmem:$0x1E780] =	vst v63  }
0x6a: {  	s20 =	sadd.s32 s4, s19  }
0x6b: {  	[tilespmem:s28], [sflag:$0x1] =	stream.linear.gather [hbm4b:s20+s2], $0x80, $0x38;
	[tilespmem:$0x1E780] =	vst v63  }
0x6c: {  	_ =	swait.ge [sflag:s9], $0x80  }
0x6d: {  	[sflag:s9] =	ssyncset.done $0x0  }
0x6e: {  	[sflag:s9] =	ssyncadd.s32 $0xFFFFFF80  }
0x6f: {  	_ =	swait.ge [sflag:s9], $0x4000  }
0x70: {  	[sflag:s9] =	ssyncset.done $0x0  }
0x71: {  	[sflag:s9] =	ssyncadd.s32 $0xFFFFC000  }
0x72: {  	_ =	swait.ge [sflag:s9], $0x80  }
0x73: {  	[sflag:s9] =	ssyncset.done $0x0  }
0x74: {  	[sflag:s9] =	ssyncadd.s32 $0xFFFFFF80  }
0x75: {  	[spmem:s1] =	stream.indirect.scatter.add.f32 [tilespmem:s30], [sflag:$0x3], $0x80, s29, s3, $0xb8;
	[tilespmem:$0x1E780] =	vst v63  }
0x76: {  	v1 =	vld [tilespmem:$0x8180];
	_ =	sdelay $0x2  }
0x77: {  	v2 =	vld [tilespmem:$0x8080];
	_ =	sdelay $0x4  }
0x78: {  	[tilespmem:v1+s6+$0x0] =	vst.idx.add.f32.msk $0xffff, v2  }
0x79: {  	v1 =	vld [tilespmem:$0x8190];
	_ =	sdelay $0x2  }
0x7a: {  	v2 =	vld [tilespmem:$0x8090];
	_ =	sdelay $0x4  }
0x7b: {  	[tilespmem:v1+s6+$0x0] =	vst.idx.add.f32.msk $0xffff, v2  }
0x7c: {  	v1 =	vld [tilespmem:$0x81A0];
	_ =	sdelay $0x2  }
0x7d: {  	v2 =	vld [tilespmem:$0x80A0];
	_ =	sdelay $0x4  }
0x7e: {  	[tilespmem:v1+s6+$0x0] =	vst.idx.add.f32.msk $0xffff, v2  }
0x7f: {  	v1 =	vld [tilespmem:$0x81B0];
	_ =	sdelay $0x2  }
0x80: {  	v2 =	vld [tilespmem:$0x80B0];
	_ =	sdelay $0x4  }
0x81: {  	[tilespmem:v1+s6+$0x0] =	vst.idx.add.f32.msk $0xffff, v2  }
0x82: {  	v1 =	vld [tilespmem:$0x81C0];
	_ =	sdelay $0x2  }
0x83: {  	v2 =	vld [tilespmem:$0x80C0];
	_ =	sdelay $0x4  }
0x84: {  	[tilespmem:v1+s6+$0x0] =	vst.idx.add.f32.msk $0xffff, v2  }
0x85: {  	v1 =	vld [tilespmem:$0x81D0];
	_ =	sdelay $0x2  }
0x86: {  	v2 =	vld [tilespmem:$0x80D0];
	_ =	sdelay $0x4  }
0x87: {  	[tilespmem:v1+s6+$0x0] =	vst.idx.add.f32.msk $0xffff, v2  }
0x88: {  	v1 =	vld [tilespmem:$0x81E0];
	_ =	sdelay $0x2  }
0x89: {  	v2 =	vld [tilespmem:$0x80E0];
	_ =	sdelay $0x4  }
0x8a: {  	[tilespmem:v1+s6+$0x0] =	vst.idx.add.f32.msk $0xffff, v2  }
0x8b: {  	v1 =	vld [tilespmem:$0x81F0];
	_ =	sdelay $0x2  }
0x8c: {  	v2 =	vld [tilespmem:$0x80F0];
	_ =	sdelay $0x2  }
0x8d: {  	p1 =	sne.s32 s16, $0x12000  }
.Ltmp1:
0x8e: {  	_ = 	snop;
	(pc) =	sbr.rel @p1 .LBB2_4-.Ltmp1, $4  }
0x8f: {  	[tilespmem:v1+s6+$0x0] =	vst.idx.add.f32.msk $0xffff, v2  }
0x90: {  	_ =	swait.ge [sflag:s7], $0x4000  }
0x91: {  	s24 =	sadd.s32 $0x20, s24;
	s16 =	sadd.s32 $0x1000, s16;
	[sflag:s7] =	ssyncset.done $0x0  }
0x92: {  	s22 =	sadd.s32 $0x100, s22;
	s23 =	sadd.s32 $0x20, s23;
	[sflag:s7] =	ssyncadd.s32 $0xFFFFC000  }
0x93: {  	_ =	swait.ge [sflag:s0], $0x80  }
0x94: {  	[sflag:s0] =	ssyncset.done $0x0  }
0x95: {  	[sflag:s0] =	ssyncadd.s32 $0xFFFFFF80  }
0x96: {  	_ =	swait.ge [sflag:s0], $0x4000  }
0x97: {  	[sflag:s0] =	ssyncset.done $0x0  }
0x98: {  	[sflag:s0] =	ssyncadd.s32 $0xFFFFC000  }
0x99: {  	_ =	swait.ge [sflag:s0], $0x80  }
0x9a: {  	[sflag:s0] =	ssyncset.done $0x0  }
0x9b: {  	[sflag:s0] =	ssyncadd.s32 $0xFFFFFF80  }
0x9c: {  	[spmem:s1] =	stream.indirect.scatter.add.f32 [tilespmem:s2], [sflag:$0x3], $0x80, s26, s3, $0xb8;
	[tilespmem:$0x1E780] =	vst v63  }
0x9d: {  	v1 =	vld [tilespmem:$0x8100];
	_ =	sdelay $0x2  }
0x9e: {  	v2 =	vld [tilespmem:$0x8000];
	_ =	sdelay $0x4  }
0x9f: {  	[tilespmem:v1+s6+$0x0] =	vst.idx.add.f32.msk $0xffff, v2  }
0xa0: {  	v1 =	vld [tilespmem:$0x8110];
	_ =	sdelay $0x2  }
0xa1: {  	v2 =	vld [tilespmem:$0x8010];
	_ =	sdelay $0x4  }
0xa2: {  	[tilespmem:v1+s6+$0x0] =	vst.idx.add.f32.msk $0xffff, v2  }
0xa3: {  	v1 =	vld [tilespmem:$0x8120];
	_ =	sdelay $0x2  }
0xa4: {  	v2 =	vld [tilespmem:$0x8020];
	_ =	sdelay $0x4  }
0xa5: {  	[tilespmem:v1+s6+$0x0] =	vst.idx.add.f32.msk $0xffff, v2  }
0xa6: {  	v1 =	vld [tilespmem:$0x8130];
	_ =	sdelay $0x2  }
0xa7: {  	v2 =	vld [tilespmem:$0x8030];
	_ =	sdelay $0x4  }
0xa8: {  	[tilespmem:v1+s6+$0x0] =	vst.idx.add.f32.msk $0xffff, v2  }
0xa9: {  	v1 =	vld [tilespmem:$0x8140];
	_ =	sdelay $0x2  }
0xaa: {  	v2 =	vld [tilespmem:$0x8040];
	_ =	sdelay $0x4  }
0xab: {  	[tilespmem:v1+s6+$0x0] =	vst.idx.add.f32.msk $0xffff, v2  }
0xac: {  	v1 =	vld [tilespmem:$0x8150];
	_ =	sdelay $0x2  }
0xad: {  	v2 =	vld [tilespmem:$0x8050];
	_ =	sdelay $0x4  }
0xae: {  	[tilespmem:v1+s6+$0x0] =	vst.idx.add.f32.msk $0xffff, v2  }
0xaf: {  	v1 =	vld [tilespmem:$0x8160];
	_ =	sdelay $0x2  }
0xb0: {  	v2 =	vld [tilespmem:$0x8060];
	_ =	sdelay $0x4  }
0xb1: {  	[tilespmem:v1+s6+$0x0] =	vst.idx.add.f32.msk $0xffff, v2  }
0xb2: {  	v1 =	vld [tilespmem:$0x8170];
	_ =	sdelay $0x2  }
0xb3: {  	v2 =	vld [tilespmem:$0x8070];
	_ =	sdelay $0x4  }
0xb4: {  	[tilespmem:v1+s6+$0x0] =	vst.idx.add.f32.msk $0xffff, v2  }
0xb5: {  	_ =	swait.ge [sflag:s7], $0x4000  }
0xb6: {  	[sflag:s7] =	ssyncset.done $0x0  }
0xb7: {  	[sflag:s7] =	ssyncadd.s32 $0xFFFFC000  }
0xb8: {  	[tilespmem:s10], [sflag:$0x4] =	stream.linear.gather [hbm4b:s14+s2], $0x8, $0x38;
	[tilespmem:$0x1E780] =	vst v63  }
0xb9: {  	_ =	swait.ge [sflag:s25], $0x8  }
0xba: {  	[sflag:s25] =	ssyncset.done $0x0  }
0xbb: {  	s16 =	simm.s32 $0x8700;
	[sflag:s25] =	ssyncadd.s32 $0xFFFFFFF8  }
0xbc: {  	[tilespmem:s16], [sflag:$0x4] =	stream.linear.gather [hbm4b:s14+s2], $0x8, $0x38;
	[tilespmem:$0x1E780] =	vst v63  }
0xbd: {  	_ =	swait.ge [sflag:s25], $0x8  }
0xbe: {  	[sflag:s25] =	ssyncset.done $0x0  }
0xbf: {  	s23 =	rddreg [dreg:$0xd];
	[sflag:s25] =	ssyncadd.s32 $0xFFFFFFF8  }
0xc0: {  	[tilespmem:s11], [sflag:$0x4] =	stream.linear.gather [hbm4b:s23+s2], $0x400, $0x38;
	[tilespmem:$0x1E780] =	vst v63  }
0xc1: {  	_ =	swait.ge [sflag:s25], $0x400  }
0xc2: {  	[sflag:s25] =	ssyncset.done $0x0  }
0xc3: {  	s18 =	simm.s32 $0x8600;
	s24 =	rddreg [dreg:$0xf];
	[sflag:s25] =	ssyncadd.s32 $0xFFFFFC00  }
0xc4: {  	[tilespmem:s18], [sflag:$0x4] =	stream.linear.gather [hbm4b:s24+s2], $0x8, $0x38;
	[tilespmem:$0x1E780] =	vst v63  }
0xc5: {  	_ =	swait.ge [sflag:s25], $0x8  }
0xc6: {  	[sflag:s25] =	ssyncset.done $0x0  }
0xc7: {  	s19 =	simm.s32 $0x8;
	[sflag:s25] =	ssyncadd.s32 $0xFFFFFFF8  }
0xc8: {  	[spmem:s1] =	stream.indirect.scatter.add.f32 [tilespmem:s11], [sflag:$0x4], $0x80, s10, s19, $0xb8;
	[tilespmem:$0x1E780] =	vst v63  }
0xc9: {  	_ =	swait.ge [sflag:s25], $0x400  }
0xca: {  	[sflag:s25] =	ssyncset.done $0x0  }
0xcb: {  	[sflag:s25] =	ssyncadd.s32 $0xFFFFFC00  }
0xcc: {  	v1 =	vld [tilespmem:$0x8700];
	_ =	sdelay $0x2  }
0xcd: {  	v2 =	vld [tilespmem:$0x8600];
	_ =	sdelay $0x4  }
0xce: {  	[tilespmem:v1+s6+$0x0] =	vst.idx.add.f32.msk $0xff, v2  }
0xcf: {  	[bflag:$0x0] =	sbarrier.arrive $0xFFFF  }
0xd0: {  	s20 =	rddreg [dreg:$0xb]  }
0xd1: {  	[hbm:s20], [sflag:s8] =	dma.local [spmem:s13], $0x2700  }
0xd2: {  	_ =	swait.ge [sflag:s25], $0x2700  }
0xd3: {  	[sflag:s25] =	ssyncset.done $0x0  }
0xd4: {  	s13 =	rddreg [dreg:$0xc];
	[sflag:s25] =	ssyncadd.s32 $0xFFFFD900  }
0xd5: {  	[hbm:s13], [sflag:s8] =	dma.local @!p0 [spmem:s15], $0x100  }
0xd6: {  	s13 =	simm.s32 @!p0 $0x4  }
0xd7: {  	_ =	swait.ge @!p0 [sflag:s13], $0x100  }
0xd8: {  	[sflag:s13] =	ssyncset.done @!p0 $0x0  }
0xd9: {  	s23 =	simm.s32 $0x400;
	s22 =	rddreg [dreg:$0xe];
	[sflag:s13] =	ssyncadd.s32 @!p0 $0xFFFFFF00  }
0xda: {  	[hbm4b:s22+s3] =	stream.strided.scatter [tilespmem:s6], [sflag:$0x4], $0x2780, s23, s3, $0x38;
	[tilespmem:$0x1E780] =	vst v63  }
0xdb: {  	_ =	swait.ge [sflag:s25], $0x2780  }
0xdc: {  	s12 =	sadd.s32 $0x1, s12;
	s24 =	rddreg [dreg:$0x10]  }
0xdd: {  	p1 =	sne.s32 s12, s24  }
.Ltmp2:
0xde: {  	_ = 	snop;
	(pc) =	sbr.rel @p1 .LBB2_1-.Ltmp2, $3  }
0xdf: {  	_ =	sdelay $0x1  }
0xe0: {  	[sflag:s25] =	ssyncset.done $0x0  }
0xe1: {  	[sflag:s25] =	ssyncadd.s32 $0xFFFFD880  }
0xe2: {  	_ =	sfence.sel $0x180000  }
0xe3: {  	[bflag:$0x0] =	sbarrier.arrive $0xFFFF  }
0xe4: {  	_ =	strace $0x9000004A  }
0xe5: {  	s0 =	stileid.u32;
	[bflag:$0x2] =	sbarrier.arrive $0xFFFF  }
0xe6: {  	p0 =	sne.s32 s0, $0x0;
	s0 =	rddreg [dreg:$0x3]  }
0xe7: {  	s0 =	sadd.s32 @!p0 $0x100000, s0  }
0xe8: {  	[sflag:s0] =	ssyncadd.tile.s32 @!p0 $0x1;
	_ =	shalt  }
.Lfunc_end2:
_tile_overlayer_lowered:
.L_overlay_start_2:
0xe9: {  	(tag) =	ssettag $0x2  }
0xea: {  	s0 =	rddreg [dreg:$0x0];
	s2 =	stileid.u32  }
0xeb: {  	s1 =	rddreg [dreg:$0x1];
	p0 =	sne.s32 s2, $0x0  }
0xec: {  	s3 =	rddreg [dreg:$0x2];
	[bflag:$0x3] =	sbarrier.arrive $0xFFFF;
	s2 =	simm.s32 @!p0 $0x1C04  }
0xed: {  	[timem:s3], [sflag:s2] =	dma.local @!p0 [hbm:s0], s1  }
0xee: {  	s0 =	simm.s32 @!p0 $0x4  }
0xef: {  	_ =	swait.ge @!p0 [sflag:s0], s1  }
0xf0: {  	s1 =	ssub.s32 @!p0 $0x0, s1;
	[sflag:s0] =	ssyncset.done @!p0 $0x0  }
0xf1: {  	[sflag:s0] =	ssyncadd.s32 @!p0 s1  }
0xf2: {  	[bflag:$0x3] =	sbarrier.arrive $0xFFFF  }
0xf3: {  	_ =	shalt  }

// kernel: kernel.7.cloned.1.call-start
scs
__scs_entry_jumppad:
0x0: {  	(pc) =	sbr.rel $0x88, $3  }
0x1: {  	(tag) =	ssettag $0x0;
	lr =	simm.s32 $0x1  }
0x2: {  	[smem:$0x3F9B] =	sst lr;
	_ =	strace $0xD0000000  }
0x3: {  	_ = 	snop  }
0x4: {  	_ = 	snop  }
0x5: {  	_ = 	snop  }
0x6: {  	_ = 	snop  }
0x7: {  	_ = 	snop  }
__scs_overlays_trampoline_lowered:
0x8: {  	[smem:$0x3FAA] =	sst s0  }
0x9: {  	[smem:$0x3FAB] =	sst s1  }
0xa: {  	[smem:$0x3FAC] =	sst s2  }
0xb: {  	[smem:$0x3FAD] =	sst s3  }
0xc: {  	[smem:$0x3FAE] =	sst s4  }
0xd: {  	[smem:$0x3FAF] =	sst s5  }
0xe: {  	[smem:$0x3FB0] =	sst s6  }
0xf: {  	[smem:$0x3FB1] =	sst s7  }
0x10: {  	[smem:$0x3FB2] =	sst s8  }
0x11: {  	[smem:$0x3FB3] =	sst s9;
	s0 =	simm.s32 @!p0 $0x0  }
0x12: {  	s1 =	sld [smem:$0x3F99];
	s0 =	simm.s32 @p0 $0x1  }
0x13: {  	[smem:$0x3FB4] =	sst s0;
	s0 =	simm.s32 @!p1 $0x0  }
0x14: {  	s2 =	sld [smem:$0x3F98];
	s0 =	simm.s32 @p1 $0x1  }
0x15: {  	[smem:$0x3FB5] =	sst s0;
	s0 =	simm.s32 @!p2 $0x0  }
0x16: {  	s3 =	sld [smem:$0x3FDB];
	s0 =	simm.s32 @p2 $0x1  }
0x17: {  	s4 =	simm.s32 $0x1BF5;
	[smem:$0x3FB7] =	sst s0  }
0x18: {  	s0 =	sld [smem:$0x3F9A];
	_ =	swait.ge [sflag:s4], $0x0  }
0x19: {  	s7 =	sld [smem:$0x3F9B]  }
0x1a: {  	s8 =	sadd.s32 $0xFFFFE003, lr  }
0x1b: {  	s9 =	sadd.s32 $0xFFFFFEF7, lr;
	s5 =	simm.s32 $0xFFFFFFFF;
	p2 =	slt.u32 s8, $0xFFFFF086  }
0x1c: {  	p1 =	slt.u32 s9, $0xF7A;
	s5 =	simm.s32 @!p2 $0x0  }
0x1d: {  	s5 =	simm.s32 @p1 $0x1;
	p0 =	seq.s32 s7, s2  }
0x1e: {  	s7 =	smul.u32 @!p0 $0xF7A, s2;
	p2 =	seq.s32 @!p0 s5, $0x0  }
0x1f: {  	s9 =	smul.u32 $0xF7A, s1;
	s8 =	simm.s32 @!p0 $0x1BF5;
	p2 =	por !p2, p0  }
0x20: {  	[sflag:s8] =	ssyncset.s32 @!p0 $0xFFFFF086;
	s6 =	sadd.s32 @!p0 s3, s7;
	s7 =	simm.s32 @!p0 $0x108  }
0x21: {  	s3 =	sadd.s32 s3, s9;
	s6 =	sadd.s32 @!p0 $0x88, s6;
	s7 =	simm.s32 @p2 $0x1082  }
0x22: {  	[simem:s7], [sflag:s8] =	dma.local @!p0 [hbm:s6], $0xF7A  }
0x23: {  	s9 =	sor.u32 $0xD0000000, s2;
	s6 =	simm.s32 $0x108;
	_ =	swait.ge @!p0 [sflag:s8], $0x0  }
0x24: {  	s3 =	sadd.s32 $0x88, s3;
	s6 =	simm.s32 @!p1 $0x1082;
	[sflag:s4] =	ssyncset.s32 $0xFFFFF086  }
0x25: {  	[simem:s6], [sflag:s4] =	dma.local [hbm:s3], $0xF7A  }
0x26: {  	[smem:$0x3F9B] =	sst s1;
	(tag) =	ssettag s2;
	_ =	strace s9  }
0x27: {  	s1 =	sld [smem:$0x3FAB]  }
0x28: {  	s2 =	sld [smem:$0x3FAC]  }
0x29: {  	s4 =	sld [smem:$0x3FAE]  }
0x2a: {  	p0 =	seq.s32 s5, $0x0;
	s5 =	sld [smem:$0x3FAF]  }
0x2b: {  	s6 =	sld [smem:$0x3FB0]  }
0x2c: {  	s7 =	sld [smem:$0x3FB1]  }
0x2d: {  	s3 =	simm.s32 $0x108;
	s8 =	sld [smem:$0x3FB2]  }
0x2e: {  	s3 =	simm.s32 @!p0 $0x1082;
	s9 =	sld [smem:$0x3FB3]  }
0x2f: {  	lr =	sadd.s32 s0, s3;
	s0 =	sld [smem:$0x3FAA]  }
0x30: {  	s3 =	sld [smem:$0x3FAD]  }
0x31: {  	[smem:$0x3FB6] =	sst s10  }
0x32: {  	s10 =	sld [smem:$0x3FB4];
	_ =	sdelay $0x3  }
0x33: {  	p0 =	seq.s32 s10, $0x1;
	s10 =	sld [smem:$0x3FB6];
	_ =	sdelay $0x3  }
0x34: {  	[smem:$0x3FB6] =	sst s10  }
0x35: {  	s10 =	sld [smem:$0x3FB5];
	_ =	sdelay $0x3  }
0x36: {  	p1 =	seq.s32 s10, $0x1;
	s10 =	sld [smem:$0x3FB6];
	_ =	sdelay $0x3  }
0x37: {  	[smem:$0x3FB6] =	sst s10  }
0x38: {  	s10 =	sld [smem:$0x3FB7]  }
0x39: {  	_ = 	snop;
	(pc) =	sbr.ind lr, $3  }
0x3a: {  	_ = 	snop  }
0x3b: {  	_ = 	snop  }
0x3c: {  	p2 =	seq.s32 s10, $0x1;
	s10 =	sld [smem:$0x3FB6]  }
0x3d: {  	_ =	shalt  }
0x3e: {  	_ =	shalt  }
0x3f: {  	_ =	shalt  }
0x40: {  	_ =	shalt  }
0x41: {  	_ =	shalt  }
0x42: {  	_ =	shalt  }
0x43: {  	_ =	shalt  }
0x44: {  	_ =	shalt  }
0x45: {  	_ =	shalt  }
0x46: {  	_ =	shalt  }
0x47: {  	_ =	shalt  }
0x48: {  	_ =	shalt  }
0x49: {  	_ =	shalt  }
0x4a: {  	_ =	shalt  }
0x4b: {  	_ =	shalt  }
0x4c: {  	_ =	shalt  }
0x4d: {  	_ =	shalt  }
0x4e: {  	_ =	shalt  }
0x4f: {  	_ =	shalt  }
0x50: {  	_ =	shalt  }
0x51: {  	_ =	shalt  }
0x52: {  	_ =	shalt  }
0x53: {  	_ =	shalt  }
0x54: {  	_ =	shalt  }
0x55: {  	_ =	shalt  }
0x56: {  	_ =	shalt  }
0x57: {  	_ =	shalt  }
0x58: {  	_ =	shalt  }
0x59: {  	_ =	shalt  }
0x5a: {  	_ =	shalt  }
0x5b: {  	_ =	shalt  }
0x5c: {  	_ =	shalt  }
0x5d: {  	_ =	shalt  }
0x5e: {  	_ =	shalt  }
0x5f: {  	_ =	shalt  }
0x60: {  	_ =	shalt  }
0x61: {  	_ =	shalt  }
0x62: {  	_ =	shalt  }
0x63: {  	_ =	shalt  }
0x64: {  	_ =	shalt  }
0x65: {  	_ =	shalt  }
0x66: {  	_ =	shalt  }
0x67: {  	_ =	shalt  }
0x68: {  	_ =	shalt  }
0x69: {  	_ =	shalt  }
0x6a: {  	_ =	shalt  }
0x6b: {  	_ =	shalt  }
0x6c: {  	_ =	shalt  }
0x6d: {  	_ =	shalt  }
0x6e: {  	_ =	shalt  }
0x6f: {  	_ =	shalt  }
0x70: {  	_ =	shalt  }
0x71: {  	_ =	shalt  }
0x72: {  	_ =	shalt  }
0x73: {  	_ =	shalt  }
0x74: {  	_ =	shalt  }
0x75: {  	_ =	shalt  }
0x76: {  	_ =	shalt  }
0x77: {  	_ =	shalt  }
0x78: {  	_ =	shalt  }
0x79: {  	_ =	shalt  }
0x7a: {  	_ =	shalt  }
0x7b: {  	_ =	shalt  }
0x7c: {  	_ =	shalt  }
0x7d: {  	_ =	shalt  }
0x7e: {  	_ =	shalt  }
0x7f: {  	_ =	shalt  }
0x80: {  	_ =	shalt  }
0x81: {  	_ =	shalt  }
0x82: {  	_ =	shalt  }
0x83: {  	_ =	shalt  }
0x84: {  	_ =	shalt  }
0x85: {  	_ =	shalt  }
0x86: {  	_ =	shalt  }
0x87: {  	_ =	shalt  }
.Lfunc_end0:
.L_simem_size_0:
called_computation_lowered:
.L_overlay_start_0:
0x88: {  	s2 =	sld [smem:$0x3FD9]  }
0x89: {  	s3 =	sld [smem:$0x3FFE];
	_ =	sdelay $0x1  }
0x8a: {  	s1 =	srdreg.scid  }
0x8b: {  	s0 =	sand.u32 $0x1, s1  }
0x8c: {  	s17 =	sshll.u32 s0, $0xA;
	s2 =	sadd.s32 s3, s2  }
0x8d: {  	s2 =	sadd.s32 s2, s17  }
0x8e: {  	[smem:$0x3FC2] =	sst s2  }
0x8f: {  	_ = 	snop  }
0x90: {  	s2 =	sld [smem:$0x3FD0];
	(tm) =	ssettm $0x1  }
0x91: {  	s18 =	sld [smem:$0x3FFB];
	_ =	sdelay $0x3  }
0x92: {  	_ =	strace s18  }
0x93: {  	s3 =	sld [smem:$0x3FFC];
	_ =	sdelay $0x3  }
0x94: {  	_ =	strace s3  }
0x95: {  	s3 =	sld [smem:$0x3FFD];
	_ =	sdelay $0x3  }
0x96: {  	_ =	strace s3  }
0x97: {  	_ =	strace $0x8FFFFFFF  }
0x98: {  	s19 =	sld [smem:$0x3FDB];
	_ =	sdelay $0x1  }
0x99: {  	s4 =	simm.s32 $_scs_section_size  }
0x9a: {  	s5 =	simm.s32 $_size__tile_overlayer_lowered;
	s6 =	simm.s32 $_tile_overlayer_lowered  }
0x9b: {  	s22 =	simm.s32 $0x1BFF;
	s21 =	sshll.u32 s6, $0x1;
	s3 =	sadd.s32 s4, s19  }
0x9c: {  	s7 =	simm.s32 $0x0;
	s20 =	sshll.u32 s5, $0x1;
	s5 =	sadd.s32 s21, s3  }
0x9d: {  	[timem:s7], [sflag:s22] =	dma.local [hbm:s5], s20  }
0x9e: {  	_ =	swait.ge [sflag:s22], s20  }
0x9f: {  	s4 =	ssub.s32 $0x0, s20;
	[sflag:s22] =	ssyncset.done $0x0  }
0xa0: {  	[sflag:s22] =	ssyncadd.s32 s4;
	_ =	sdelay $0x1  }
0xa1: {  	s23 =	simm.s32 $0x1B8B  }
0xa2: {  	_ =	swait.ge [sflag:s23], $0x1  }
0xa3: {  	[sflag:s23] =	ssyncset.done $0x0  }
0xa4: {  	s25 =	simm.s32 $0x1B8E;
	s24 =	sld [smem:$0x3FFE];
	[sflag:s23] =	ssyncadd.s32 $0xFFFFFFFF  }
0xa5: {  	s26 =	simm.s32 $execute0_lowered;
	[smem:$0x3FD2] =	sst s25  }
0xa6: {  	s5 =	sshll.u32 s26, $0x1;
	_ =	strace $0x80000046;
	[dreg:$0x1] =	wrdreg $0xFFFFFFFF  }
0xa7: {  	s28 =	simm.s32 $_size_execute0_lowered;
	s3 =	sadd.s32 s3, s5;
	[dreg:$0x0] =	wrdreg $0x0  }
0xa8: {  	s5 =	sshll.u32 s28, $0x1;
	[dreg:$0x2] =	wrdreg s3  }
0xa9: {  	[dreg:$0x3] =	wrdreg s5  }
0xaa: {  	[dreg:$0x4] =	wrdreg $0xC0  }
0xab: {  	_ =	task [dreg:s7], $0x5FFFF  }
0xac: {  	[dreg:$0x1] =	wrdreg $0xFFFFFFFF  }
0xad: {  	[dreg:$0x0] =	wrdreg $0x60  }
0xae: {  	[dreg:$0x2] =	wrdreg s24  }
0xaf: {  	[dreg:$0x3] =	wrdreg s2  }
0xb0: {  	[dreg:$0x4] =	wrdreg $0xAF000  }
0xb1: {  	[dreg:$0x5] =	wrdreg $0x9  }
0xb2: {  	_ =	task.clear_ibuf [dreg:s7], $0x6FFFF;
	_ =	strace $0x90000046  }
0xb3: {  	s29 =	simm.s32 $0x9;
	_ =	strace $0x80000048  }
0xb4: {  	_ =	swait.ge [sflag:s29], $0x1  }
0xb5: {  	[sflag:s29] =	ssyncadd.s32 $0xFFFFFFFF  }
0xb6: {  	_ =	strace $0x90000048  }
0xb7: {  	_ =	sfence  }
0xb8: {  	s30 =	sld [smem:$0x0];
	_ =	sdelay $0x2  }
0xb9: {  	s31 =	sshll.u32 s1, $0xD;
	s1 =	sshrl.u32 s1, $0x2  }
0xba: {  	s3 =	sand.u32 $0x4000, s31;
	s1 =	sadd.s32 s1, s30  }
0xbb: {  	s0 =	sor.u32 s3, s0;
	s1 =	sshll.u32 s1, $0x11  }
0xbc: {  	s0 =	sor.u32 s1, s0  }
0xbd: {  	s0 =	sadd.s32 $0x8F2B, s0  }
0xbe: {  	[sflag:s0] =	ssyncadd.remote.s32 $0x1  }
0xbf: {  	_ =	sfence.sel $0xFFFF  }
0xc0: {  	[dreg:$0x0] =	wrdreg $0xFFFFFFFF;
	(pc) =	sbr.abs _section_cstart, $3  }
0xc1: {  	[dreg:$0x1] =	wrdreg $0xFFFFFFFF  }
0xc2: {  	_ =	task.clear_ibuf [dreg:s7], $0x2FFFF;
	_ =	strace $0x9FFFFFFF  }
0xc3: {  	(tm) =	ssettm $0x7FFFFFFF  }
tec
execute0_lowered:
.L_overlay_start_1:
0x0: {  	(tag) =	ssettag $0x1  }
0x1: {  	s0 =	rddreg [dreg:$0x0]  }
0x2: {  	s1 =	rddreg [dreg:$0x1]  }
0x3: {  	s2 =	rddreg [dreg:$0x2];
	s4 =	simm.s32 $0x0  }
0x4: {  	s3 =	srdreg.scid;
	s16 =	stileid.u32;
	s28 =	simm.s32 $0x8000  }
0x5: {  	s29 =	simm.s32 $0x8180;
	s30 =	simm.s32 $0x4000;
	s31 =	simm.s32 $0x8080  }
0x6: {  	[smem:$0x7FF] =	sst s4;
	s5 =	sadd.s32 $0x277800, s0;
	s3 =	sand.u32 $0x1, s3  }
0x7: {  	s6 =	sshll.u32 s16, $0x1;
	s7 =	sadd.s32 $0x27C800, s0;
	s8 =	sshrl.u32 s16, $0x2  }
0x8: {  	s9 =	sadd.s32 $0x2CAA00, s0;
	s11 =	sadd.s32 $0x6800, s0;
	s13 =	smul.u32 $0x13800, s16  }
0x9: {  	s15 =	smul.u32 $0x4E000, s16;
	s18 =	sshll.u32 s16, $0x6;
	s19 =	sadd.s32 $0x138000, s2  }
0xa: {  	p0 =	sne.s32 s16, $0xF;
	_ =	strace $0x80000047;
	s8 =	smul.u32 $0x13C00, s8  }
0xb: {  	s6 =	sor.u32 s3, s6;
	s12 =	smul.u32 $0x138800, s3;
	s23 =	ssub.s32 $0x2, s3  }
0xc: {  	[dreg:$0x6] =	wrdreg s19;
	s19 =	smul.u32 $0x13880, s3;
	s10 =	sshll.u32 s6, $0x7  }
0xd: {  	s14 =	sshrl.u32 s23, $0x1;
	s25 =	smul.u32 $0x1388, s6;
	s26 =	sshrl.u32 s15, $0x2  }
0xe: {  	s6 =	smul.u32 $0x13880, s6;
	s10 =	sand.u32 $0x380, s10;
	s24 =	sadd.s32 s13, s12  }
0xf: {  	s12 =	sshrl.u32 s12, $0x3;
	s8 =	sor.u32 s8, s10;
	s10 =	ssub.s32 s23, s14  }
0x10: {  	s15 =	sshrl.u32 s24, $0x3;
	s14 =	sadd.s32 s26, s2;
	s12 =	sadd.s32 $0x27000, s12  }
0x11: {  	s20 =	sshrl.u32 s25, $0x3;
	s22 =	sadd.s32 $0x1380, s25;
	s25 =	smul.u32 $0x2710, s16  }
0x12: {  	s6 =	sadd.s32 s11, s6;
	s26 =	smul.u32 $0x1388, s3;
	[dreg:$0x4] =	wrdreg s14  }
0x13: {  	s3 =	simm.s32 $0x80;
	s17 =	sadd.s32 s7, s15;
	[dreg:$0x9] =	wrdreg s6  }
0x14: {  	s8 =	sshrl.u32 s8, $0x3;
	s7 =	sadd.s32 s7, s12;
	[dreg:$0x5] =	wrdreg s17  }
0x15: {  	s21 =	sadd.s32 s1, s20;
	s23 =	sadd.s32 s5, s20;
	[dreg:$0x7] =	wrdreg s7  }
0x16: {  	s24 =	sshrl.u32 s22, $0x3;
	s15 =	sadd.s32 s9, s15;
	[dreg:$0x8] =	wrdreg s21  }
0x17: {  	s0 =	sadd.s32 s8, s0;
	s8 =	sor.u32 $0x1C04, s18;
	[dreg:$0xa] =	wrdreg s23  }
0x18: {  	s14 =	sadd.s32 s1, s24;
	s7 =	sshll.u32 s22, $0x4;
	s6 =	sadd.s32 s5, s24  }
0x19: {  	[dreg:$0xd] =	wrdreg s15;
	s17 =	sadd.s32 s9, s12;
	s18 =	smul.u32 $0x27100, s16  }
0x1a: {  	s20 =	sadd.s32 s26, s25;
	s21 =	smax.u32 s10, $0x1;
	[dreg:$0xc] =	wrdreg s6  }
0x1b: {  	s9 =	simm.s32 $0x2;
	s10 =	simm.s32 $0x8680;
	[dreg:$0xe] =	wrdreg s17  }
0x1c: {  	s12 =	simm.s32 $0x0;
	s7 =	sadd.s32 s11, s7;
	[dreg:$0x10] =	wrdreg s21  }
0x1d: {  	s0 =	sadd.s32 $0x318C00, s0;
	s23 =	sadd.s32 $0x80, s20;
	[dreg:$0xb] =	wrdreg s7  }
0x1e: {  	s24 =	sadd.s32 $0x100, s20;
	s6 =	simm.s32 $0x8780;
	[dreg:$0xf] =	wrdreg s0  }
0x1f: {  	s22 =	sadd.s32 s18, s11;
	[dreg:$0x11] =	wrdreg s24;
	s25 =	sshrl.u32 s23, $0x3  }
0x20: {  	s0 =	simm.s32 $0x1;
	s7 =	simm.s32 $0x3;
	s11 =	simm.s32 $0x8200  }
0x21: {  	s21 =	sadd.s32 s19, s22;
	s26 =	sadd.s32 s25, s5;
	s17 =	sadd.s32 s25, s1  }
0x22: {  	v0 =	vimm.f32 $0.0e+00;
	s25 =	simm.s32 $0x4;
	[dreg:$0x12] =	wrdreg s26;
	s26 =	simm.s32 $0x8100  }
.LBB2_1:
0x23: {  	s13 =	rddreg [dreg:$0x4]  }
0x24: {  	s15 =	rddreg [dreg:$0x5];
	s13 =	sshrl.u32 s13, $0x3  }
0x25: {  	[spmem:s13], [sflag:s8] =	dma.local [hbm:s15], $0x2700  }
0x26: {  	_ =	swait.ge [sflag:s25], $0x2700  }
0x27: {  	[sflag:s25] =	ssyncset.done $0x0;
	s15 =	rddreg [dreg:$0x6]  }
0x28: {  	s16 =	rddreg [dreg:$0x7];
	[sflag:s25] =	ssyncadd.s32 $0xFFFFD900;
	s15 =	sshrl.u32 @!p0 s15, $0x3  }
0x29: {  	[spmem:s15], [sflag:s8] =	dma.local @!p0 [hbm:s16], $0x100  }
0x2a: {  	s16 =	simm.s32 @!p0 $0x4  }
0x2b: {  	_ =	swait.ge @!p0 [sflag:s16], $0x100  }
0x2c: {  	[sflag:s16] =	ssyncset.done @!p0 $0x0  }
0x2d: {  	s22 =	simm.s32 $0x0;
	[sflag:s16] =	ssyncadd.s32 @!p0 $0xFFFFFF00;
	s16 =	simm.s32 $0x40  }
.LBB2_2:
0x2e: {  	p1 =	sne.s32 s16, $0x9C00;
	[tilespmem:s22+$0x8780] =	vst v0;
	s22 =	smov.u32 s16;
	s16 =	sadd.s32 $0x40, s16  }
.Ltmp0:
0x2f: {  	(pc) =	sbr.rel @p1 .LBB2_2-.Ltmp0, $2  }
0x30: {  	_ =	sdelay $0x2  }
0x31: {  	s22 =	sshra.s32 s22, $0x2  }
0x32: {  	[tilespmem:s22+$0x8780] =	vst v0  }
0x33: {  	[bflag:$0x0] =	sbarrier.arrive $0xFFFF  }
0x34: {  	s18 =	rddreg [dreg:$0x8]  }
0x35: {  	s16 =	simm.s32 $0x0;
	s23 =	rddreg [dreg:$0x9]  }
0x36: {  	[tilespmem:s26], [sflag:$0x1] =	stream.linear.gather [hbm4b:s18+s16], $0x80, $0x38;
	[tilespmem:$0x1E780] =	vst v63  }
0x37: {  	s24 =	rddreg [dreg:$0xa]  }
0x38: {  	[tilespmem:s16], [sflag:$0x1] =	stream.linear.gather [hbm4b:s23+s16], $0x4000, $0x38;
	[tilespmem:$0x1E780] =	vst v63  }
0x39: {  	s22 =	rddreg [dreg:$0x11]  }
0x3a: {  	[tilespmem:s28], [sflag:$0x1] =	stream.linear.gather [hbm4b:s24+s16], $0x80, $0x38;
	[tilespmem:$0x1E780] =	vst v63  }
0x3b: {  	s23 =	rddreg [dreg:$0x12];
	s24 =	smov.u32 s17  }
.LBB2_4:
0x3c: {  	[tilespmem:s29], [sflag:$0x2] =	stream.linear.gather [hbm4b:s24+s4], $0x80, $0x38;
	[tilespmem:$0x1E780] =	vst v63  }
0x3d: {  	s20 =	sadd.s32 s16, s21  }
0x3e: {  	s19 =	sadd.s32 $0x800, s20  }
0x3f: {  	[tilespmem:s30], [sflag:$0x2] =	stream.linear.gather [hbm4b:s19+s4], $0x4000, $0x38;
	[tilespmem:$0x1E780] =	vst v63  }
0x40: {  	_ = 	snop  }
0x41: {  	[tilespmem:s31], [sflag:$0x2] =	stream.linear.gather [hbm4b:s23+s4], $0x80, $0x38;
	[tilespmem:$0x1E780] =	vst v63  }
0x42: {  	_ =	swait.ge [sflag:s0], $0x80  }
0x43: {  	[sflag:s0] =	ssyncset.done $0x0  }
0x44: {  	[sflag:s0] =	ssyncadd.s32 $0xFFFFFF80  }
0x45: {  	_ =	swait.ge [sflag:s0], $0x4000  }
0x46: {  	[sflag:s0] =	ssyncset.done $0x0  }
0x47: {  	[sflag:s0] =	ssyncadd.s32 $0xFFFFC000  }
0x48: {  	_ =	swait.ge [sflag:s0], $0x80  }
0x49: {  	[sflag:s0] =	ssyncset.done $0x0  }
0x4a: {  	[sflag:s0] =	ssyncadd.s32 $0xFFFFFF80  }
0x4b: {  	[spmem:s2] =	stream.indirect.scatter.add.f32 [tilespmem:s4], [sflag:$0x3], $0x80, s26, s3, $0xb8;
	[tilespmem:$0x1E780] =	vst v63  }
0x4c: {  	v1 =	vld [tilespmem:$0x8100];
	_ =	sdelay $0x2  }
0x4d: {  	v2 =	vld [tilespmem:$0x8000];
	_ =	sdelay $0x4  }
0x4e: {  	[tilespmem:v1+s6+$0x0] =	vst.idx.add.f32.msk $0xffff, v2  }
0x4f: {  	v1 =	vld [tilespmem:$0x8110];
	_ =	sdelay $0x2  }
0x50: {  	v2 =	vld [tilespmem:$0x8010];
	_ =	sdelay $0x4  }
0x51: {  	[tilespmem:v1+s6+$0x0] =	vst.idx.add.f32.msk $0xffff, v2  }
0x52: {  	v1 =	vld [tilespmem:$0x8120];
	_ =	sdelay $0x2  }
0x53: {  	v2 =	vld [tilespmem:$0x8020];
	_ =	sdelay $0x4  }
0x54: {  	[tilespmem:v1+s6+$0x0] =	vst.idx.add.f32.msk $0xffff, v2  }
0x55: {  	v1 =	vld [tilespmem:$0x8130];
	_ =	sdelay $0x2  }
0x56: {  	v2 =	vld [tilespmem:$0x8030];
	_ =	sdelay $0x4  }
0x57: {  	[tilespmem:v1+s6+$0x0] =	vst.idx.add.f32.msk $0xffff, v2  }
0x58: {  	v1 =	vld [tilespmem:$0x8140];
	_ =	sdelay $0x2  }
0x59: {  	v2 =	vld [tilespmem:$0x8040];
	_ =	sdelay $0x4  }
0x5a: {  	[tilespmem:v1+s6+$0x0] =	vst.idx.add.f32.msk $0xffff, v2  }
0x5b: {  	v1 =	vld [tilespmem:$0x8150];
	_ =	sdelay $0x2  }
0x5c: {  	v2 =	vld [tilespmem:$0x8050];
	_ =	sdelay $0x4  }
0x5d: {  	[tilespmem:v1+s6+$0x0] =	vst.idx.add.f32.msk $0xffff, v2  }
0x5e: {  	v1 =	vld [tilespmem:$0x8160];
	_ =	sdelay $0x2  }
0x5f: {  	v2 =	vld [tilespmem:$0x8060];
	_ =	sdelay $0x4  }
0x60: {  	[tilespmem:v1+s6+$0x0] =	vst.idx.add.f32.msk $0xffff, v2  }
0x61: {  	v1 =	vld [tilespmem:$0x8170];
	_ =	sdelay $0x2  }
0x62: {  	v2 =	vld [tilespmem:$0x8070];
	_ =	sdelay $0x4  }
0x63: {  	[tilespmem:v1+s6+$0x0] =	vst.idx.add.f32.msk $0xffff, v2  }
0x64: {  	_ =	swait.ge [sflag:s7], $0x4000  }
0x65: {  	s19 =	sshrl.u32 s22, $0x3;
	[sflag:s7] =	ssyncset.done $0x0  }
0x66: {  	s18 =	sadd.s32 s1, s19;
	[sflag:s7] =	ssyncadd.s32 $0xFFFFC000  }
0x67: {  	[tilespmem:s26], [sflag:$0x1] =	stream.linear.gather [hbm4b:s18+s4], $0x80, $0x38;
	[tilespmem:$0x1E780] =	vst v63  }
0x68: {  	s20 =	sadd.s32 $0x1000, s20  }
0x69: {  	[tilespmem:s4], [sflag:$0x1] =	stream.linear.gather [hbm4b:s20+s4], $0x4000, $0x38;
	[tilespmem:$0x1E780] =	vst v63  }
0x6a: {  	s20 =	sadd.s32 s5, s19  }
0x6b: {  	[tilespmem:s28], [sflag:$0x1] =	stream.linear.gather [hbm4b:s20+s4], $0x80, $0x38;
	[tilespmem:$0x1E780] =	vst v63  }
0x6c: {  	_ =	swait.ge [sflag:s9], $0x80  }
0x6d: {  	[sflag:s9] =	ssyncset.done $0x0  }
0x6e: {  	[sflag:s9] =	ssyncadd.s32 $0xFFFFFF80  }
0x6f: {  	_ =	swait.ge [sflag:s9], $0x4000  }
0x70: {  	[sflag:s9] =	ssyncset.done $0x0  }
0x71: {  	[sflag:s9] =	ssyncadd.s32 $0xFFFFC000  }
0x72: {  	_ =	swait.ge [sflag:s9], $0x80  }
0x73: {  	[sflag:s9] =	ssyncset.done $0x0  }
0x74: {  	[sflag:s9] =	ssyncadd.s32 $0xFFFFFF80  }
0x75: {  	[spmem:s2] =	stream.indirect.scatter.add.f32 [tilespmem:s30], [sflag:$0x3], $0x80, s29, s3, $0xb8;
	[tilespmem:$0x1E780] =	vst v63  }
0x76: {  	v1 =	vld [tilespmem:$0x8180];
	_ =	sdelay $0x2  }
0x77: {  	v2 =	vld [tilespmem:$0x8080];
	_ =	sdelay $0x4  }
0x78: {  	[tilespmem:v1+s6+$0x0] =	vst.idx.add.f32.msk $0xffff, v2  }
0x79: {  	v1 =	vld [tilespmem:$0x8190];
	_ =	sdelay $0x2  }
0x7a: {  	v2 =	vld [tilespmem:$0x8090];
	_ =	sdelay $0x4  }
0x7b: {  	[tilespmem:v1+s6+$0x0] =	vst.idx.add.f32.msk $0xffff, v2  }
0x7c: {  	v1 =	vld [tilespmem:$0x81A0];
	_ =	sdelay $0x2  }
0x7d: {  	v2 =	vld [tilespmem:$0x80A0];
	_ =	sdelay $0x4  }
0x7e: {  	[tilespmem:v1+s6+$0x0] =	vst.idx.add.f32.msk $0xffff, v2  }
0x7f: {  	v1 =	vld [tilespmem:$0x81B0];
	_ =	sdelay $0x2  }
0x80: {  	v2 =	vld [tilespmem:$0x80B0];
	_ =	sdelay $0x4  }
0x81: {  	[tilespmem:v1+s6+$0x0] =	vst.idx.add.f32.msk $0xffff, v2  }
0x82: {  	v1 =	vld [tilespmem:$0x81C0];
	_ =	sdelay $0x2  }
0x83: {  	v2 =	vld [tilespmem:$0x80C0];
	_ =	sdelay $0x4  }
0x84: {  	[tilespmem:v1+s6+$0x0] =	vst.idx.add.f32.msk $0xffff, v2  }
0x85: {  	v1 =	vld [tilespmem:$0x81D0];
	_ =	sdelay $0x2  }
0x86: {  	v2 =	vld [tilespmem:$0x80D0];
	_ =	sdelay $0x4  }
0x87: {  	[tilespmem:v1+s6+$0x0] =	vst.idx.add.f32.msk $0xffff, v2  }
0x88: {  	v1 =	vld [tilespmem:$0x81E0];
	_ =	sdelay $0x2  }
0x89: {  	v2 =	vld [tilespmem:$0x80E0];
	_ =	sdelay $0x4  }
0x8a: {  	[tilespmem:v1+s6+$0x0] =	vst.idx.add.f32.msk $0xffff, v2  }
0x8b: {  	v1 =	vld [tilespmem:$0x81F0];
	_ =	sdelay $0x2  }
0x8c: {  	v2 =	vld [tilespmem:$0x80F0];
	_ =	sdelay $0x2  }
0x8d: {  	p1 =	sne.s32 s16, $0x12000  }
.Ltmp1:
0x8e: {  	_ = 	snop;
	(pc) =	sbr.rel @p1 .LBB2_4-.Ltmp1, $4  }
0x8f: {  	[tilespmem:v1+s6+$0x0] =	vst.idx.add.f32.msk $0xffff, v2  }
0x90: {  	_ =	swait.ge [sflag:s7], $0x4000  }
0x91: {  	s24 =	sadd.s32 $0x20, s24;
	s16 =	sadd.s32 $0x1000, s16;
	[sflag:s7] =	ssyncset.done $0x0  }
0x92: {  	s22 =	sadd.s32 $0x100, s22;
	s23 =	sadd.s32 $0x20, s23;
	[sflag:s7] =	ssyncadd.s32 $0xFFFFC000  }
0x93: {  	_ =	swait.ge [sflag:s0], $0x80  }
0x94: {  	[sflag:s0] =	ssyncset.done $0x0  }
0x95: {  	[sflag:s0] =	ssyncadd.s32 $0xFFFFFF80  }
0x96: {  	_ =	swait.ge [sflag:s0], $0x4000  }
0x97: {  	[sflag:s0] =	ssyncset.done $0x0  }
0x98: {  	[sflag:s0] =	ssyncadd.s32 $0xFFFFC000  }
0x99: {  	_ =	swait.ge [sflag:s0], $0x80  }
0x9a: {  	[sflag:s0] =	ssyncset.done $0x0  }
0x9b: {  	[sflag:s0] =	ssyncadd.s32 $0xFFFFFF80  }
0x9c: {  	[spmem:s2] =	stream.indirect.scatter.add.f32 [tilespmem:s4], [sflag:$0x3], $0x80, s26, s3, $0xb8;
	[tilespmem:$0x1E780] =	vst v63  }
0x9d: {  	v1 =	vld [tilespmem:$0x8100];
	_ =	sdelay $0x2  }
0x9e: {  	v2 =	vld [tilespmem:$0x8000];
	_ =	sdelay $0x4  }
0x9f: {  	[tilespmem:v1+s6+$0x0] =	vst.idx.add.f32.msk $0xffff, v2  }
0xa0: {  	v1 =	vld [tilespmem:$0x8110];
	_ =	sdelay $0x2  }
0xa1: {  	v2 =	vld [tilespmem:$0x8010];
	_ =	sdelay $0x4  }
0xa2: {  	[tilespmem:v1+s6+$0x0] =	vst.idx.add.f32.msk $0xffff, v2  }
0xa3: {  	v1 =	vld [tilespmem:$0x8120];
	_ =	sdelay $0x2  }
0xa4: {  	v2 =	vld [tilespmem:$0x8020];
	_ =	sdelay $0x4  }
0xa5: {  	[tilespmem:v1+s6+$0x0] =	vst.idx.add.f32.msk $0xffff, v2  }
0xa6: {  	v1 =	vld [tilespmem:$0x8130];
	_ =	sdelay $0x2  }
0xa7: {  	v2 =	vld [tilespmem:$0x8030];
	_ =	sdelay $0x4  }
0xa8: {  	[tilespmem:v1+s6+$0x0] =	vst.idx.add.f32.msk $0xffff, v2  }
0xa9: {  	v1 =	vld [tilespmem:$0x8140];
	_ =	sdelay $0x2  }
0xaa: {  	v2 =	vld [tilespmem:$0x8040];
	_ =	sdelay $0x4  }
0xab: {  	[tilespmem:v1+s6+$0x0] =	vst.idx.add.f32.msk $0xffff, v2  }
0xac: {  	v1 =	vld [tilespmem:$0x8150];
	_ =	sdelay $0x2  }
0xad: {  	v2 =	vld [tilespmem:$0x8050];
	_ =	sdelay $0x4  }
0xae: {  	[tilespmem:v1+s6+$0x0] =	vst.idx.add.f32.msk $0xffff, v2  }
0xaf: {  	v1 =	vld [tilespmem:$0x8160];
	_ =	sdelay $0x2  }
0xb0: {  	v2 =	vld [tilespmem:$0x8060];
	_ =	sdelay $0x4  }
0xb1: {  	[tilespmem:v1+s6+$0x0] =	vst.idx.add.f32.msk $0xffff, v2  }
0xb2: {  	v1 =	vld [tilespmem:$0x8170];
	_ =	sdelay $0x2  }
0xb3: {  	v2 =	vld [tilespmem:$0x8070];
	_ =	sdelay $0x4  }
0xb4: {  	[tilespmem:v1+s6+$0x0] =	vst.idx.add.f32.msk $0xffff, v2  }
0xb5: {  	_ =	swait.ge [sflag:s7], $0x4000  }
0xb6: {  	[sflag:s7] =	ssyncset.done $0x0  }
0xb7: {  	[sflag:s7] =	ssyncadd.s32 $0xFFFFC000  }
0xb8: {  	[tilespmem:s10], [sflag:$0x4] =	stream.linear.gather [hbm4b:s14+s4], $0x8, $0x38;
	[tilespmem:$0x1E780] =	vst v63  }
0xb9: {  	_ =	swait.ge [sflag:s25], $0x8  }
0xba: {  	[sflag:s25] =	ssyncset.done $0x0  }
0xbb: {  	s16 =	simm.s32 $0x8700;
	[sflag:s25] =	ssyncadd.s32 $0xFFFFFFF8  }
0xbc: {  	[tilespmem:s16], [sflag:$0x4] =	stream.linear.gather [hbm4b:s14+s4], $0x8, $0x38;
	[tilespmem:$0x1E780] =	vst v63  }
0xbd: {  	_ =	swait.ge [sflag:s25], $0x8  }
0xbe: {  	[sflag:s25] =	ssyncset.done $0x0  }
0xbf: {  	s23 =	rddreg [dreg:$0xb];
	[sflag:s25] =	ssyncadd.s32 $0xFFFFFFF8  }
0xc0: {  	[tilespmem:s11], [sflag:$0x4] =	stream.linear.gather [hbm4b:s23+s4], $0x400, $0x38;
	[tilespmem:$0x1E780] =	vst v63  }
0xc1: {  	_ =	swait.ge [sflag:s25], $0x400  }
0xc2: {  	[sflag:s25] =	ssyncset.done $0x0  }
0xc3: {  	s18 =	simm.s32 $0x8600;
	s24 =	rddreg [dreg:$0xc];
	[sflag:s25] =	ssyncadd.s32 $0xFFFFFC00  }
0xc4: {  	[tilespmem:s18], [sflag:$0x4] =	stream.linear.gather [hbm4b:s24+s4], $0x8, $0x38;
	[tilespmem:$0x1E780] =	vst v63  }
0xc5: {  	_ =	swait.ge [sflag:s25], $0x8  }
0xc6: {  	[sflag:s25] =	ssyncset.done $0x0  }
0xc7: {  	s19 =	simm.s32 $0x8;
	[sflag:s25] =	ssyncadd.s32 $0xFFFFFFF8  }
0xc8: {  	[spmem:s2] =	stream.indirect.scatter.add.f32 [tilespmem:s11], [sflag:$0x4], $0x80, s10, s19, $0xb8;
	[tilespmem:$0x1E780] =	vst v63  }
0xc9: {  	_ =	swait.ge [sflag:s25], $0x400  }
0xca: {  	[sflag:s25] =	ssyncset.done $0x0  }
0xcb: {  	[sflag:s25] =	ssyncadd.s32 $0xFFFFFC00  }
0xcc: {  	v1 =	vld [tilespmem:$0x8700];
	_ =	sdelay $0x2  }
0xcd: {  	v2 =	vld [tilespmem:$0x8600];
	_ =	sdelay $0x4  }
0xce: {  	[tilespmem:v1+s6+$0x0] =	vst.idx.add.f32.msk $0xff, v2  }
0xcf: {  	[bflag:$0x0] =	sbarrier.arrive $0xFFFF  }
0xd0: {  	s20 =	rddreg [dreg:$0xd]  }
0xd1: {  	[hbm:s20], [sflag:s8] =	dma.local [spmem:s13], $0x2700  }
0xd2: {  	_ =	swait.ge [sflag:s25], $0x2700  }
0xd3: {  	[sflag:s25] =	ssyncset.done $0x0  }
0xd4: {  	s13 =	rddreg [dreg:$0xe];
	[sflag:s25] =	ssyncadd.s32 $0xFFFFD900  }
0xd5: {  	[hbm:s13], [sflag:s8] =	dma.local @!p0 [spmem:s15], $0x100  }
0xd6: {  	s13 =	simm.s32 @!p0 $0x4  }
0xd7: {  	_ =	swait.ge @!p0 [sflag:s13], $0x100  }
0xd8: {  	[sflag:s13] =	ssyncset.done @!p0 $0x0  }
0xd9: {  	s23 =	simm.s32 $0x400;
	s22 =	rddreg [dreg:$0xf];
	[sflag:s13] =	ssyncadd.s32 @!p0 $0xFFFFFF00  }
0xda: {  	[hbm4b:s22+s3] =	stream.strided.scatter [tilespmem:s6], [sflag:$0x4], $0x2780, s23, s3, $0x38;
	[tilespmem:$0x1E780] =	vst v63  }
0xdb: {  	_ =	swait.ge [sflag:s25], $0x2780  }
0xdc: {  	s12 =	sadd.s32 $0x1, s12;
	s24 =	rddreg [dreg:$0x10]  }
0xdd: {  	p1 =	sne.s32 s12, s24  }
.Ltmp2:
0xde: {  	_ = 	snop;
	(pc) =	sbr.rel @p1 .LBB2_1-.Ltmp2, $3  }
0xdf: {  	_ =	sdelay $0x1  }
0xe0: {  	[sflag:s25] =	ssyncset.done $0x0  }
0xe1: {  	[sflag:s25] =	ssyncadd.s32 $0xFFFFD880  }
0xe2: {  	_ =	sfence.sel $0x180000  }
0xe3: {  	[bflag:$0x0] =	sbarrier.arrive $0xFFFF  }
0xe4: {  	_ =	strace $0x90000047  }
0xe5: {  	s0 =	stileid.u32;
	[bflag:$0x2] =	sbarrier.arrive $0xFFFF  }
0xe6: {  	p0 =	sne.s32 s0, $0x0;
	s0 =	rddreg [dreg:$0x3]  }
0xe7: {  	s0 =	sadd.s32 @!p0 $0x100000, s0  }
0xe8: {  	[sflag:s0] =	ssyncadd.tile.s32 @!p0 $0x1;
	_ =	shalt  }
.Lfunc_end2:
_tile_overlayer_lowered:
.L_overlay_start_2:
0xe9: {  	(tag) =	ssettag $0x2  }
0xea: {  	s0 =	rddreg [dreg:$0x0];
	s2 =	stileid.u32  }
0xeb: {  	s1 =	rddreg [dreg:$0x1];
	p0 =	sne.s32 s2, $0x0  }
0xec: {  	s3 =	rddreg [dreg:$0x2];
	[bflag:$0x3] =	sbarrier.arrive $0xFFFF;
	s2 =	simm.s32 @!p0 $0x1C04  }
0xed: {  	[timem:s3], [sflag:s2] =	dma.local @!p0 [hbm:s0], s1  }
0xee: {  	s0 =	simm.s32 @!p0 $0x4  }
0xef: {  	_ =	swait.ge @!p0 [sflag:s0], s1  }
0xf0: {  	s1 =	ssub.s32 @!p0 $0x0, s1;
	[sflag:s0] =	ssyncset.done @!p0 $0x0  }
0xf1: {  	[sflag:s0] =	ssyncadd.s32 @!p0 s1  }
0xf2: {  	[bflag:$0x3] =	sbarrier.arrive $0xFFFF  }
0xf3: {  	_ =	shalt  }

</sc_bundles>
